<compile_context>
chip_gen: v7x
topology: tpu7x:2x2x1
jax: 0.10.2.dev20260603
libtpu: 0.0.44.dev20260713+nightly
codegen_flags: <defaults>
</compile_context>

<pallas_src>
import functools

import jax
import jax.numpy as jnp
from jax import lax
from jax.experimental import pallas as pl
from jax.experimental.pallas import tpu as pltpu
from jax.experimental.pallas import tpu_sc as plsc

N = 10000
NP = 10112
E = 320000
H = 64
NC, NS = 2, 16
NW = NC * NS
EPW = 10240
NCH = 80
CB = 128
EP = NW * EPW
RPS = NP // NS
F32 = jnp.float32



def _edge_mlp_body(ea_ref, we1_ref, be1_ref, we2_ref, be2_ref, out_ref):
    h = jnp.dot(ea_ref[...], we1_ref[...], preferred_element_type=F32)
    h = jnp.maximum(h + be1_ref[...], 0.0)
    ef = jnp.dot(h, we2_ref[...], preferred_element_type=F32) + be2_ref[...]
    out_ref[...] = jnp.concatenate(
        [ef, jnp.zeros((ef.shape[0], 128 - H), F32)], axis=1)


_EDGE_BLK = 2048
_edge_mlp = pl.pallas_call(
    _edge_mlp_body,
    grid=(EP // _EDGE_BLK,),
    in_specs=[
        pl.BlockSpec((_EDGE_BLK, 4), lambda i: (i, 0)),
        pl.BlockSpec((4, H), lambda i: (0, 0)),
        pl.BlockSpec((1, H), lambda i: (0, 0)),
        pl.BlockSpec((H, H), lambda i: (0, 0)),
        pl.BlockSpec((1, H), lambda i: (0, 0)),
    ],
    out_specs=pl.BlockSpec((_EDGE_BLK, 128), lambda i: (i, 0)),
    out_shape=jax.ShapeDtypeStruct((EP, 128), F32),
)


def _layer0_body(x_ref, nef_ref, cs_ref, cd_ref, w1_ref, b1_ref,
                 t_ref, u_ref, dinv_ref):
    cs = cs_ref[0] + cs_ref[1]
    cd = cd_ref[0] + cd_ref[1]
    deg = jnp.maximum(cs[:, 0:1] + cd[:, 0:1], 1.0)
    dinv = lax.rsqrt(cd[:, 0:1] + 1.0)
    nefn = (nef_ref[0, :, 0:H] + nef_ref[1, :, 0:H]) * (0.5 / deg)
    xv = x_ref[...]
    hw = jnp.dot(xv, w1_ref[...], preferred_element_type=F32)
    hw = hw + jnp.dot(nefn, w1_ref[0:H, :], preferred_element_type=F32)
    t_ref[...] = jnp.concatenate(
        [dinv * hw, jnp.zeros((hw.shape[0], 128 - H), F32)], axis=1)
    u_ref[...] = (dinv * dinv) * hw + b1_ref[...]
    dinv_ref[...] = dinv


_L0B = NP // 8
_layer0 = pl.pallas_call(
    _layer0_body,
    grid=(8,),
    in_specs=[
        pl.BlockSpec((_L0B, 128), lambda i: (i, 0)),
        pl.BlockSpec((NC, _L0B, 128), lambda i: (0, i, 0)),
        pl.BlockSpec((NC, _L0B, 128), lambda i: (0, i, 0)),
        pl.BlockSpec((NC, _L0B, 128), lambda i: (0, i, 0)),
        pl.BlockSpec((128, H), lambda i: (0, 0)),
        pl.BlockSpec((1, H), lambda i: (0, 0)),
    ],
    out_specs=(
        pl.BlockSpec((_L0B, 128), lambda i: (i, 0)),
        pl.BlockSpec((_L0B, H), lambda i: (i, 0)),
        pl.BlockSpec((_L0B, 1), lambda i: (i, 0)),
    ),
    out_shape=(
        jax.ShapeDtypeStruct((NP, 128), F32),
        jax.ShapeDtypeStruct((NP, H), F32),
        jax.ShapeDtypeStruct((NP, 1), F32),
    ),
)


def _layer_body(agg_ref, u_ref, dinv_ref, w_ref, b_ref, t_ref, uo_ref):
    dinv = dinv_ref[...]
    aggs = agg_ref[0, :, 0:H] + agg_ref[1, :, 0:H]
    h = jnp.maximum(dinv * aggs + u_ref[...], 0.0)
    hw = jnp.dot(h, w_ref[...], preferred_element_type=F32)
    t_ref[...] = jnp.concatenate(
        [dinv * hw, jnp.zeros((hw.shape[0], 128 - H), F32)], axis=1)
    uo_ref[...] = (dinv * dinv) * hw + b_ref[...]


_layer = pl.pallas_call(
    _layer_body,
    grid=(8,),
    in_specs=[
        pl.BlockSpec((NC, _L0B, 128), lambda i: (0, i, 0)),
        pl.BlockSpec((_L0B, H), lambda i: (i, 0)),
        pl.BlockSpec((_L0B, 1), lambda i: (i, 0)),
        pl.BlockSpec((H, H), lambda i: (0, 0)),
        pl.BlockSpec((1, H), lambda i: (0, 0)),
    ],
    out_specs=(
        pl.BlockSpec((_L0B, 128), lambda i: (i, 0)),
        pl.BlockSpec((_L0B, H), lambda i: (i, 0)),
    ),
    out_shape=(
        jax.ShapeDtypeStruct((NP, 128), F32),
        jax.ShapeDtypeStruct((NP, H), F32),
    ),
)


def _head_body(agg_ref, u_ref, dinv_ref, wp1_ref, bp1_ref, wp2_ref, bp2_ref,
               wp3_ref, bp3_ref, out_ref):
    h = dinv_ref[...] * (agg_ref[0, :, 0:H] + agg_ref[1, :, 0:H]) + u_ref[...]
    mask = (lax.broadcasted_iota(jnp.int32, (NP, 1), 0) < N).astype(F32)
    hm = h * mask
    m = jnp.sum(hm, axis=0, keepdims=True) * (1.0 / N)
    d = (h - m) * mask
    sd = jnp.sqrt(jnp.sum(d * d, axis=0, keepdims=True) * (1.0 / (N - 1)))
    comb = jnp.concatenate([m, m, sd], axis=1)
    z = jnp.maximum(jnp.dot(comb, wp1_ref[...], preferred_element_type=F32)
                    + bp1_ref[...], 0.0)
    z = jnp.maximum(jnp.dot(z, wp2_ref[...], preferred_element_type=F32)
                    + bp2_ref[...], 0.0)
    logit = jnp.dot(z, wp3_ref[...], preferred_element_type=F32) + bp3_ref[...]
    out_ref[...] = 1.0 / (1.0 + jnp.exp(-logit))


_head = pl.pallas_call(
    _head_body,
    out_shape=jax.ShapeDtypeStruct((1, 1), F32),
)



_MESH = plsc.VectorSubcoreMesh(core_axis_name="c", subcore_axis_name="s")


@functools.partial(
    pl.kernel,
    out_type=jax.ShapeDtypeStruct((NC, NP, 128), F32),
    mesh=_MESH,
    scratch_types=[
        pltpu.VMEM((NCH, CB), jnp.int32),
        pltpu.VMEM((NCH, CB), jnp.int32),
        pltpu.VMEM((CB, 128), F32),
        pltpu.VMEM_SHARED((NP, 128), F32),
    ],
)
def _edge_scatter(ef, srcs, dsts, z128, nef_out, idx_s, idx_d, efbuf, acc_nef):
    c = lax.axis_index("c")
    s = lax.axis_index("s")
    w = c * NS + s
    r0 = s * RPS
    pltpu.sync_copy(z128.at[pl.ds(r0, RPS)], acc_nef.at[pl.ds(r0, RPS)])
    pltpu.sync_copy(srcs.at[w], idx_s)
    pltpu.sync_copy(dsts.at[w], idx_d)
    plsc.subcore_barrier()

    @pl.loop(0, NCH)
    def _edge_loop(j):
        pltpu.sync_copy(ef.at[pl.ds(w * EPW + j * CB, CB)], efbuf)
        pltpu.sync_copy(efbuf, acc_nef.at[idx_s.at[j]], add=True)
        pltpu.sync_copy(efbuf, acc_nef.at[idx_d.at[j]], add=True)
    plsc.subcore_barrier()
    pltpu.sync_copy(acc_nef.at[pl.ds(r0, RPS)], nef_out.at[c, pl.ds(r0, RPS)])


@functools.partial(
    pl.kernel,
    out_type=jax.ShapeDtypeStruct((NC, NP, 128), F32),
    mesh=_MESH,
    scratch_types=[
        pltpu.VMEM((NCH, CB), jnp.int32),
        pltpu.VMEM((CB, 128), F32),
        pltpu.VMEM_SHARED((NP, 128), F32),
    ],
)
def _count_scatter(idxs, z128, ones, cnt_out, idx_v, onesbuf, acc):
    c = lax.axis_index("c")
    s = lax.axis_index("s")
    w = c * NS + s
    r0 = s * RPS
    pltpu.sync_copy(z128.at[pl.ds(r0, RPS)], acc.at[pl.ds(r0, RPS)])
    pltpu.sync_copy(idxs.at[w], idx_v)
    plsc.subcore_barrier()

    @pl.loop(0, NCH)
    def _count_loop(j):
        pltpu.sync_copy(ones, onesbuf)
        pltpu.sync_copy(onesbuf, acc.at[idx_v.at[j]], add=True)
    plsc.subcore_barrier()
    pltpu.sync_copy(acc.at[pl.ds(r0, RPS)], cnt_out.at[c, pl.ds(r0, RPS)])


@functools.partial(
    pl.kernel,
    out_type=jax.ShapeDtypeStruct((NC, NP, 128), F32),
    mesh=_MESH,
    scratch_types=[
        pltpu.VMEM((NCH, CB), jnp.int32),
        pltpu.VMEM((NCH, CB), jnp.int32),
        pltpu.VMEM((CB, 128), F32),
        pltpu.VMEM_SHARED((NP, 128), F32),
        pltpu.SemaphoreType.DMA,
    ],
)
def _gcn_agg(table, srcs, dsts, z128, agg_out, idx_s, idx_d, rowbuf, acc, sem):
    c = lax.axis_index("c")
    s = lax.axis_index("s")
    w = c * NS + s
    r0 = s * RPS
    pltpu.sync_copy(z128.at[pl.ds(r0, RPS)], acc.at[pl.ds(r0, RPS)])
    pltpu.sync_copy(srcs.at[w], idx_s)
    pltpu.sync_copy(dsts.at[w], idx_d)
    plsc.subcore_barrier()

    @pl.loop(0, NCH)
    def _agg_loop(j):
        pltpu.async_copy(table.at[idx_s.at[j]], rowbuf, sem).wait()
        pltpu.sync_copy(rowbuf, acc.at[idx_d.at[j]], add=True)
    plsc.subcore_barrier()
    pltpu.sync_copy(acc.at[pl.ds(r0, RPS)], agg_out.at[c, pl.ds(r0, RPS)])



def kernel(x, edge_index, edge_attr, We1, be1, We2, be2, W1, b1, Wm, bm,
           Wo, bo, Wp1, bp1, Wp2, bp2, Wp3, bp3):
    src = edge_index[0]
    dst = edge_index[1]
    npad = EPW - E // NW
    pad_idx = (N + (jnp.arange(npad, dtype=jnp.int32) % (NP - N)))
    padw = jnp.broadcast_to(pad_idx, (NW, npad))
    srcs = jnp.concatenate([src.reshape(NW, E // NW), padw], axis=1)
    dsts = jnp.concatenate([dst.reshape(NW, E // NW), padw], axis=1)
    srcs = srcs.reshape(NW, NCH, CB)
    dsts = dsts.reshape(NW, NCH, CB)
    ea_p = jnp.concatenate(
        [edge_attr.reshape(NW, E // NW, 4), jnp.zeros((NW, npad, 4), F32)],
        axis=1).reshape(EP, 4)
    x_p = jnp.concatenate([x, jnp.zeros((NP - N, x.shape[1]), F32)], axis=0)
    z128 = jnp.zeros((NP, 128), F32)
    on128 = jnp.ones((CB, 128), F32)

    ef = _edge_mlp(ea_p, We1, be1.reshape(1, H), We2, be2.reshape(1, H))
    nef2 = _edge_scatter(ef, srcs, dsts, z128)
    cs2 = _count_scatter(srcs, z128, on128)
    cd2 = _count_scatter(dsts, z128, on128)
    t, u, dinv = _layer0(x_p, nef2, cs2, cd2, W1, b1.reshape(1, H))
    agg = _gcn_agg(t, srcs, dsts, z128)
    t, u = _layer(agg, u, dinv, Wm, bm.reshape(1, H))
    agg = _gcn_agg(t, srcs, dsts, z128)
    t, u = _layer(agg, u, dinv, Wo, bo.reshape(1, H))
    agg = _gcn_agg(t, srcs, dsts, z128)
    out = _head(agg, u, dinv, Wp1, bp1.reshape(1, H), Wp2, bp2.reshape(1, 32),
                Wp3, bp3.reshape(1, 1))
    return out.reshape(1)

# --- scband reference (transcript-rebuilt; emitter-appended) ---
"""Pipeline reference for scband-graph-completeness-predictor-4964982194803 (READ-ONLY COPY).

The authoritative reference and input builder live on the scoring server;
editing this copy changes nothing except your own understanding.
"""

import jax, jax.numpy as jnp
import numpy as np

N = 10000
E = 320000
D_FEAT = 128
D_EDGE = 4
H = 64

def _p(k, shape, scale=0.1):
    return jax.random.normal(k, shape, dtype=jnp.float32) * scale

def setup_inputs(seed: int = 0):
    key = jax.random.key(seed)
    ks = jax.random.split(key, 20)
    inp = {}
    inp['x'] = jax.random.normal(ks[0], (N, D_FEAT), dtype=jnp.float32)
    inp['edge_index'] = jax.random.randint(ks[1], (2, E), 0, N, dtype=jnp.int32)
    inp['edge_attr'] = jax.random.normal(ks[2], (E, D_EDGE), dtype=jnp.float32)
    inp['We1'] = _p(ks[3], (D_EDGE, H)); inp['be1'] = jnp.zeros((H,), jnp.float32)
    inp['We2'] = _p(ks[4], (H, H)); inp['be2'] = jnp.zeros((H,), jnp.float32)
    inp['W1'] = _p(ks[5], (D_FEAT, H)); inp['b1'] = jnp.zeros((H,), jnp.float32)
    inp['Wm'] = _p(ks[6], (H, H)); inp['bm'] = jnp.zeros((H,), jnp.float32)
    inp['Wo'] = _p(ks[7], (H, H)); inp['bo'] = jnp.zeros((H,), jnp.float32)
    inp['Wp1'] = _p(ks[8], (3 * H, H)); inp['bp1'] = jnp.zeros((H,), jnp.float32)
    inp['Wp2'] = _p(ks[9], (H, H // 2)); inp['bp2'] = jnp.zeros((H // 2,), jnp.float32)
    inp['Wp3'] = _p(ks[10], (H // 2, 1)); inp['bp3'] = jnp.zeros((1,), jnp.float32)
    return inp

def _gcn(h_in, src, dst, W, b):
    # PyG GCNConv: linear transform, add self-loops, symmetric deg normalization, scatter-add
    h = h_in @ W
    s = jnp.concatenate([src, jnp.arange(N, dtype=src.dtype)])
    d = jnp.concatenate([dst, jnp.arange(N, dtype=src.dtype)])
    deg = jnp.zeros((N,), h.dtype).at[d].add(1.0)
    dinv = 1.0 / jnp.sqrt(deg)
    norm = dinv[s] * dinv[d]
    out = jnp.zeros_like(h).at[d].add(h[s] * norm[:, None])
    return out + b

def _forward(x, edge_attr, We1, be1, We2, be2, W1, b1, Wm, bm, Wo, bo, Wp1, bp1, Wp2, bp2, Wp3, bp3, edge_index):
    src = edge_index[0]
    dst = edge_index[1]
    # edge MLP then vectorized version of the per-edge python loop (scatter-add to both endpoints)
    ef = jax.nn.relu(edge_attr @ We1 + be1) @ We2 + be2
    nef = jnp.zeros((N, H), x.dtype).at[src].add(ef).at[dst].add(ef)
    deg = jnp.zeros((N,), x.dtype).at[src].add(1.0).at[dst].add(1.0)
    deg = jnp.clip(deg, 1.0)
    nef = nef / deg[:, None]
    # H < D_FEAT -> pad with zeros (else-branch of original)
    nef = jnp.concatenate([nef, jnp.zeros((N, D_FEAT - H), x.dtype)], axis=1)
    h = x + nef * 0.5
    h = jax.nn.relu(_gcn(h, src, dst, W1, b1))
    h = jax.nn.relu(_gcn(h, src, dst, Wm, bm))
    h = _gcn(h, src, dst, Wo, bo)
    g = jnp.mean(h, axis=0)  # global_mean_pool(batch=None) then flatten
    nm = jnp.mean(h, axis=0)
    ns = jnp.std(h, axis=0, ddof=1)  # torch.std is unbiased
    comb = jnp.concatenate([g, nm, ns])
    z = jax.nn.relu(comb @ Wp1 + bp1)
    # Dropout(0.5) is identity in eval mode
    z = jax.nn.relu(z @ Wp2 + bp2)
    return jax.nn.sigmoid(z @ Wp3 + bp3)

def reference(x, edge_index, edge_attr, We1, be1, We2, be2, W1, b1, Wm, bm, Wo, bo, Wp1, bp1, Wp2, bp2, Wp3, bp3):
    return _forward(x, edge_attr, We1, be1, We2, be2, W1, b1, Wm, bm, Wo, bo, Wp1, bp1, Wp2, bp2, Wp3, bp3, edge_index)

if __name__ == "__main__":
    import jax
    _d = setup_inputs()
    print(jax.jit(kernel)(*tuple(_d.values())))

</pallas_src>

<mosaic_0001>
#map = affine_map<(d0, d1) -> (0, 0)>
#map1 = affine_map<(d0, d1) -> (0, 0, 0)>
module attributes {stable_mosaic.version = 14 : i64} {
  func.func @_edge_scatter(%arg0: i32, %arg1: i32, %arg2: memref<327680x128xf32, #tpu.memory_space<hbm>>, %arg3: memref<32x80x128xi32, #tpu.memory_space<hbm>>, %arg4: memref<32x80x128xi32, #tpu.memory_space<hbm>>, %arg5: memref<10112x128xf32, #tpu.memory_space<hbm>>, %arg6: memref<2x10112x128xf32, #tpu.memory_space<hbm>>, %arg7: memref<80x128xi32, #tpu.memory_space<vmem>>, %arg8: memref<80x128xi32, #tpu.memory_space<vmem>>, %arg9: memref<128x128xf32, #tpu.memory_space<vmem>>, %arg10: memref<10112x128xf32, #tpu.memory_space<vmem_shared>>) attributes {dimension_semantics = [#tpu.dimension_semantics<core_parallel>, #tpu.dimension_semantics<subcore_parallel>], iteration_bounds = array<i64: 2, 16>, scalar_prefetch = 0 : i64, scratch_operands = 4 : i64, tpu.core_type = #tpu.core_type<sc_vector_subcore>, window_params = [{transform_indices = #map}, {transform_indices = #map1}, {transform_indices = #map1}, {transform_indices = #map}, {transform_indices = #map1}]} {
    %mul3A = arith.constant 16 : i32
    %mul3A_0 = arith.muli %arg0, %mul3A : i32
    %add3A = arith.addi %mul3A_0, %arg1 : i32
    %mul3A_1 = arith.constant 632 : i32
    %mul3A_2 = arith.muli %arg1, %mul3A_1 : i32
    "tpu.region"() ({
      %run_scoped3A = tpu.sem_alloc : memref<!tpu.dma_semaphore, #tpu.memory_space<semaphore_mem>>
      %dma_start3A = arith.constant 0 : i32
      %dma_start3A_8 = tpu.memref_slice %arg10[%mul3A_2, %dma_start3A] : memref<10112x128xf32, #tpu.memory_space<vmem_shared>> -> memref<632x128xf32, #tpu.memory_space<vmem_shared>>
      %dma_start3A_9 = arith.constant 0 : i32
      %dma_start3A_10 = tpu.memref_slice %arg5[%mul3A_2, %dma_start3A_9] : memref<10112x128xf32, #tpu.memory_space<hbm>> -> memref<632x128xf32, #tpu.memory_space<hbm>>
      tpu.enqueue_dma source(%dma_start3A_10 : memref<632x128xf32, #tpu.memory_space<hbm>>) target(%dma_start3A_8 : memref<632x128xf32, #tpu.memory_space<vmem_shared>>) target_semaphore(%run_scoped3A : memref<!tpu.dma_semaphore, #tpu.memory_space<semaphore_mem>>)
      %dma_wait3A = arith.constant 0 : i32
      %dma_wait3A_11 = tpu.memref_slice %arg10[%mul3A_2, %dma_wait3A] : memref<10112x128xf32, #tpu.memory_space<vmem_shared>> -> memref<632x128xf32, #tpu.memory_space<vmem_shared>>
      %dma_wait3A_12 = arith.constant 0 : i32
      %dma_wait3A_13 = tpu.memref_slice %arg5[%mul3A_2, %dma_wait3A_12] : memref<10112x128xf32, #tpu.memory_space<hbm>> -> memref<632x128xf32, #tpu.memory_space<hbm>>
      tpu.wait_dma2 semaphore(%run_scoped3A : memref<!tpu.dma_semaphore, #tpu.memory_space<semaphore_mem>>) src(%dma_wait3A_13 : memref<632x128xf32, #tpu.memory_space<hbm>>) dst(%dma_wait3A_11 : memref<632x128xf32, #tpu.memory_space<vmem_shared>>)
      tpu.yield
    }) : () -> ()
    "tpu.region"() ({
      %run_scoped3A = tpu.sem_alloc : memref<!tpu.dma_semaphore, #tpu.memory_space<semaphore_mem>>
      %dma_start3A = arith.constant 0 : i32
      %dma_start3A_8 = arith.constant 0 : i32
      %dma_start3A_9 = tpu.memref_slice %arg3[%add3A, %dma_start3A, %dma_start3A_8] : memref<32x80x128xi32, #tpu.memory_space<hbm>> -> memref<1x80x128xi32, #tpu.memory_space<hbm>>
      %dma_start3A_10 = tpu.memref_squeeze %dma_start3A_9 : memref<1x80x128xi32, #tpu.memory_space<hbm>> -> memref<80x128xi32, #tpu.memory_space<hbm>>
      %dma_start3A_11 = arith.constant 0 : i32
      %dma_start3A_12 = arith.constant 0 : i32
      %dma_start3A_13 = tpu.memref_slice %arg3[%add3A, %dma_start3A_11, %dma_start3A_12] : memref<32x80x128xi32, #tpu.memory_space<hbm>> -> memref<1x80x128xi32, #tpu.memory_space<hbm>>
      %dma_start3A_14 = tpu.memref_squeeze %dma_start3A_13 : memref<1x80x128xi32, #tpu.memory_space<hbm>> -> memref<80x128xi32, #tpu.memory_space<hbm>>
      tpu.enqueue_dma source(%dma_start3A_14 : memref<80x128xi32, #tpu.memory_space<hbm>>) target(%arg7 : memref<80x128xi32, #tpu.memory_space<vmem>>) target_semaphore(%run_scoped3A : memref<!tpu.dma_semaphore, #tpu.memory_space<semaphore_mem>>)
      %dma_wait3A = arith.constant 0 : i32
      %dma_wait3A_15 = arith.constant 0 : i32
      %dma_wait3A_16 = tpu.memref_slice %arg3[%add3A, %dma_wait3A, %dma_wait3A_15] : memref<32x80x128xi32, #tpu.memory_space<hbm>> -> memref<1x80x128xi32, #tpu.memory_space<hbm>>
      %dma_wait3A_17 = tpu.memref_squeeze %dma_wait3A_16 : memref<1x80x128xi32, #tpu.memory_space<hbm>> -> memref<80x128xi32, #tpu.memory_space<hbm>>
      %dma_wait3A_18 = arith.constant 0 : i32
      %dma_wait3A_19 = arith.constant 0 : i32
      %dma_wait3A_20 = tpu.memref_slice %arg3[%add3A, %dma_wait3A_18, %dma_wait3A_19] : memref<32x80x128xi32, #tpu.memory_space<hbm>> -> memref<1x80x128xi32, #tpu.memory_space<hbm>>
      %dma_wait3A_21 = tpu.memref_squeeze %dma_wait3A_20 : memref<1x80x128xi32, #tpu.memory_space<hbm>> -> memref<80x128xi32, #tpu.memory_space<hbm>>
      tpu.wait_dma2 semaphore(%run_scoped3A : memref<!tpu.dma_semaphore, #tpu.memory_space<semaphore_mem>>) src(%dma_wait3A_21 : memref<80x128xi32, #tpu.memory_space<hbm>>) dst(%arg7 : memref<80x128xi32, #tpu.memory_space<vmem>>)
      tpu.yield
    }) : () -> ()
    "tpu.region"() ({
      %run_scoped3A = tpu.sem_alloc : memref<!tpu.dma_semaphore, #tpu.memory_space<semaphore_mem>>
      %dma_start3A = arith.constant 0 : i32
      %dma_start3A_8 = arith.constant 0 : i32
      %dma_start3A_9 = tpu.memref_slice %arg4[%add3A, %dma_start3A, %dma_start3A_8] : memref<32x80x128xi32, #tpu.memory_space<hbm>> -> memref<1x80x128xi32, #tpu.memory_space<hbm>>
      %dma_start3A_10 = tpu.memref_squeeze %dma_start3A_9 : memref<1x80x128xi32, #tpu.memory_space<hbm>> -> memref<80x128xi32, #tpu.memory_space<hbm>>
      %dma_start3A_11 = arith.constant 0 : i32
      %dma_start3A_12 = arith.constant 0 : i32
      %dma_start3A_13 = tpu.memref_slice %arg4[%add3A, %dma_start3A_11, %dma_start3A_12] : memref<32x80x128xi32, #tpu.memory_space<hbm>> -> memref<1x80x128xi32, #tpu.memory_space<hbm>>
      %dma_start3A_14 = tpu.memref_squeeze %dma_start3A_13 : memref<1x80x128xi32, #tpu.memory_space<hbm>> -> memref<80x128xi32, #tpu.memory_space<hbm>>
      tpu.enqueue_dma source(%dma_start3A_14 : memref<80x128xi32, #tpu.memory_space<hbm>>) target(%arg8 : memref<80x128xi32, #tpu.memory_space<vmem>>) target_semaphore(%run_scoped3A : memref<!tpu.dma_semaphore, #tpu.memory_space<semaphore_mem>>)
      %dma_wait3A = arith.constant 0 : i32
      %dma_wait3A_15 = arith.constant 0 : i32
      %dma_wait3A_16 = tpu.memref_slice %arg4[%add3A, %dma_wait3A, %dma_wait3A_15] : memref<32x80x128xi32, #tpu.memory_space<hbm>> -> memref<1x80x128xi32, #tpu.memory_space<hbm>>
      %dma_wait3A_17 = tpu.memref_squeeze %dma_wait3A_16 : memref<1x80x128xi32, #tpu.memory_space<hbm>> -> memref<80x128xi32, #tpu.memory_space<hbm>>
      %dma_wait3A_18 = arith.constant 0 : i32
      %dma_wait3A_19 = arith.constant 0 : i32
      %dma_wait3A_20 = tpu.memref_slice %arg4[%add3A, %dma_wait3A_18, %dma_wait3A_19] : memref<32x80x128xi32, #tpu.memory_space<hbm>> -> memref<1x80x128xi32, #tpu.memory_space<hbm>>
      %dma_wait3A_21 = tpu.memref_squeeze %dma_wait3A_20 : memref<1x80x128xi32, #tpu.memory_space<hbm>> -> memref<80x128xi32, #tpu.memory_space<hbm>>
      tpu.wait_dma2 semaphore(%run_scoped3A : memref<!tpu.dma_semaphore, #tpu.memory_space<semaphore_mem>>) src(%dma_wait3A_21 : memref<80x128xi32, #tpu.memory_space<hbm>>) dst(%arg8 : memref<80x128xi32, #tpu.memory_space<vmem>>)
      tpu.yield
    }) : () -> ()
    %barrier3A = arith.constant 0 : index
    tpu.barrier barrier_id(%barrier3A)
    %scan3A = arith.constant 0 : i32
    %scan3A_3 = arith.constant 80 : i32
    %scan3A_4 = arith.addi %scan3A, %scan3A_3 : i32
    %scan3A_5 = arith.constant 1 : i32
    scf.for %scan3A_8 = %scan3A to %scan3A_4 step %scan3A_5  : i32 {
      %mul3A_9 = arith.constant 1 : i32
      %mul3A_10 = arith.muli %scan3A_8, %mul3A_9 : i32
      %add3A_11 = arith.constant 0 : i32
      %add3A_12 = arith.addi %add3A_11, %mul3A_10 : i32
      %mul3A_13 = arith.constant 10240 : i32
      %mul3A_14 = arith.muli %add3A, %mul3A_13 : i32
      %mul3A_15 = arith.constant 128 : i32
      %mul3A_16 = arith.muli %add3A_12, %mul3A_15 : i32
      %add3A_17 = arith.addi %mul3A_14, %mul3A_16 : i32
      "tpu.region"() ({
        %run_scoped3A = tpu.sem_alloc : memref<!tpu.dma_semaphore, #tpu.memory_space<semaphore_mem>>
        %dma_start3A = arith.constant 0 : i32
        %dma_start3A_18 = tpu.memref_slice %arg2[%add3A_17, %dma_start3A] : memref<327680x128xf32, #tpu.memory_space<hbm>> -> memref<128x128xf32, #tpu.memory_space<hbm>>
        %dma_start3A_19 = arith.constant 0 : i32
        %dma_start3A_20 = tpu.memref_slice %arg2[%add3A_17, %dma_start3A_19] : memref<327680x128xf32, #tpu.memory_space<hbm>> -> memref<128x128xf32, #tpu.memory_space<hbm>>
        tpu.enqueue_dma source(%dma_start3A_20 : memref<128x128xf32, #tpu.memory_space<hbm>>) target(%arg9 : memref<128x128xf32, #tpu.memory_space<vmem>>) target_semaphore(%run_scoped3A : memref<!tpu.dma_semaphore, #tpu.memory_space<semaphore_mem>>)
        %dma_wait3A = arith.constant 0 : i32
        %dma_wait3A_21 = tpu.memref_slice %arg2[%add3A_17, %dma_wait3A] : memref<327680x128xf32, #tpu.memory_space<hbm>> -> memref<128x128xf32, #tpu.memory_space<hbm>>
        %dma_wait3A_22 = arith.constant 0 : i32
        %dma_wait3A_23 = tpu.memref_slice %arg2[%add3A_17, %dma_wait3A_22] : memref<327680x128xf32, #tpu.memory_space<hbm>> -> memref<128x128xf32, #tpu.memory_space<hbm>>
        tpu.wait_dma2 semaphore(%run_scoped3A : memref<!tpu.dma_semaphore, #tpu.memory_space<semaphore_mem>>) src(%dma_wait3A_23 : memref<128x128xf32, #tpu.memory_space<hbm>>) dst(%arg9 : memref<128x128xf32, #tpu.memory_space<vmem>>)
        tpu.yield
      }) : () -> ()
      "tpu.region"() ({
        %run_scoped3A = tpu.sem_alloc : memref<!tpu.dma_semaphore, #tpu.memory_space<semaphore_mem>>
        %dma_start3A = arith.constant 0 : i32
        %dma_start3A_18 = tpu.memref_slice %arg7[%add3A_12, %dma_start3A] : memref<80x128xi32, #tpu.memory_space<vmem>> -> memref<1x128xi32, #tpu.memory_space<vmem>>
        %dma_start3A_19 = tpu.memref_squeeze %dma_start3A_18 : memref<1x128xi32, #tpu.memory_space<vmem>> -> memref<128xi32, #tpu.memory_space<vmem>>
        %dma_start3A_20 = arith.constant 0 : i32
        %dma_start3A_21 = arith.constant 0 : i32
        %dma_start3A_22 = tpu.memref_slice %arg10[%dma_start3A_20, %dma_start3A_21] : memref<10112x128xf32, #tpu.memory_space<vmem_shared>> -> memref<10112x128xf32, #tpu.memory_space<vmem_shared>>
        tpu.enqueue_indirect_dma source(%arg9 : memref<128x128xf32, #tpu.memory_space<vmem>>) target(%dma_start3A_22 : memref<10112x128xf32, #tpu.memory_space<vmem_shared>>) offsets(%dma_start3A_19 : memref<128xi32, #tpu.memory_space<vmem>>) semaphore(%run_scoped3A : memref<!tpu.dma_semaphore, #tpu.memory_space<semaphore_mem>>) {add = true}
        %dma_wait3A = arith.constant 0 : i32
        %dma_wait3A_23 = tpu.memref_slice %arg7[%add3A_12, %dma_wait3A] : memref<80x128xi32, #tpu.memory_space<vmem>> -> memref<1x128xi32, #tpu.memory_space<vmem>>
        %dma_wait3A_24 = tpu.memref_squeeze %dma_wait3A_23 : memref<1x128xi32, #tpu.memory_space<vmem>> -> memref<128xi32, #tpu.memory_space<vmem>>
        %dma_wait3A_25 = arith.constant 0 : i32
        %dma_wait3A_26 = arith.constant 0 : i32
        %dma_wait3A_27 = tpu.memref_slice %arg10[%dma_wait3A_25, %dma_wait3A_26] : memref<10112x128xf32, #tpu.memory_space<vmem_shared>> -> memref<10112x128xf32, #tpu.memory_space<vmem_shared>>
        tpu.wait_indirect_dma semaphore(%run_scoped3A : memref<!tpu.dma_semaphore, #tpu.memory_space<semaphore_mem>>) src(%arg9 : memref<128x128xf32, #tpu.memory_space<vmem>>) dst(%dma_wait3A_27 : memref<10112x128xf32, #tpu.memory_space<vmem_shared>>)
        tpu.yield
      }) : () -> ()
      "tpu.region"() ({
        %run_scoped3A = tpu.sem_alloc : memref<!tpu.dma_semaphore, #tpu.memory_space<semaphore_mem>>
        %dma_start3A = arith.constant 0 : i32
        %dma_start3A_18 = tpu.memref_slice %arg8[%add3A_12, %dma_start3A] : memref<80x128xi32, #tpu.memory_space<vmem>> -> memref<1x128xi32, #tpu.memory_space<vmem>>
        %dma_start3A_19 = tpu.memref_squeeze %dma_start3A_18 : memref<1x128xi32, #tpu.memory_space<vmem>> -> memref<128xi32, #tpu.memory_space<vmem>>
        %dma_start3A_20 = arith.constant 0 : i32
        %dma_start3A_21 = arith.constant 0 : i32
        %dma_start3A_22 = tpu.memref_slice %arg10[%dma_start3A_20, %dma_start3A_21] : memref<10112x128xf32, #tpu.memory_space<vmem_shared>> -> memref<10112x128xf32, #tpu.memory_space<vmem_shared>>
        tpu.enqueue_indirect_dma source(%arg9 : memref<128x128xf32, #tpu.memory_space<vmem>>) target(%dma_start3A_22 : memref<10112x128xf32, #tpu.memory_space<vmem_shared>>) offsets(%dma_start3A_19 : memref<128xi32, #tpu.memory_space<vmem>>) semaphore(%run_scoped3A : memref<!tpu.dma_semaphore, #tpu.memory_space<semaphore_mem>>) {add = true}
        %dma_wait3A = arith.constant 0 : i32
        %dma_wait3A_23 = tpu.memref_slice %arg8[%add3A_12, %dma_wait3A] : memref<80x128xi32, #tpu.memory_space<vmem>> -> memref<1x128xi32, #tpu.memory_space<vmem>>
        %dma_wait3A_24 = tpu.memref_squeeze %dma_wait3A_23 : memref<1x128xi32, #tpu.memory_space<vmem>> -> memref<128xi32, #tpu.memory_space<vmem>>
        %dma_wait3A_25 = arith.constant 0 : i32
        %dma_wait3A_26 = arith.constant 0 : i32
        %dma_wait3A_27 = tpu.memref_slice %arg10[%dma_wait3A_25, %dma_wait3A_26] : memref<10112x128xf32, #tpu.memory_space<vmem_shared>> -> memref<10112x128xf32, #tpu.memory_space<vmem_shared>>
        tpu.wait_indirect_dma semaphore(%run_scoped3A : memref<!tpu.dma_semaphore, #tpu.memory_space<semaphore_mem>>) src(%arg9 : memref<128x128xf32, #tpu.memory_space<vmem>>) dst(%dma_wait3A_27 : memref<10112x128xf32, #tpu.memory_space<vmem_shared>>)
        tpu.yield
      }) : () -> ()
    }
    %scan3A_6 = arith.constant 80 : i32
    %barrier3A_7 = arith.constant 0 : index
    tpu.barrier barrier_id(%barrier3A_7)
    "tpu.region"() ({
      %run_scoped3A = tpu.sem_alloc : memref<!tpu.dma_semaphore, #tpu.memory_space<semaphore_mem>>
      %dma_start3A = arith.constant 0 : i32
      %dma_start3A_8 = tpu.memref_slice %arg6[%arg0, %mul3A_2, %dma_start3A] : memref<2x10112x128xf32, #tpu.memory_space<hbm>> -> memref<1x632x128xf32, #tpu.memory_space<hbm>>
      %dma_start3A_9 = tpu.memref_squeeze %dma_start3A_8 : memref<1x632x128xf32, #tpu.memory_space<hbm>> -> memref<632x128xf32, #tpu.memory_space<hbm>>
      %dma_start3A_10 = arith.constant 0 : i32
      %dma_start3A_11 = tpu.memref_slice %arg10[%mul3A_2, %dma_start3A_10] : memref<10112x128xf32, #tpu.memory_space<vmem_shared>> -> memref<632x128xf32, #tpu.memory_space<vmem_shared>>
      tpu.enqueue_dma source(%dma_start3A_11 : memref<632x128xf32, #tpu.memory_space<vmem_shared>>) target(%dma_start3A_9 : memref<632x128xf32, #tpu.memory_space<hbm>>) target_semaphore(%run_scoped3A : memref<!tpu.dma_semaphore, #tpu.memory_space<semaphore_mem>>)
      %dma_wait3A = arith.constant 0 : i32
      %dma_wait3A_12 = tpu.memref_slice %arg6[%arg0, %mul3A_2, %dma_wait3A] : memref<2x10112x128xf32, #tpu.memory_space<hbm>> -> memref<1x632x128xf32, #tpu.memory_space<hbm>>
      %dma_wait3A_13 = tpu.memref_squeeze %dma_wait3A_12 : memref<1x632x128xf32, #tpu.memory_space<hbm>> -> memref<632x128xf32, #tpu.memory_space<hbm>>
      %dma_wait3A_14 = arith.constant 0 : i32
      %dma_wait3A_15 = tpu.memref_slice %arg10[%mul3A_2, %dma_wait3A_14] : memref<10112x128xf32, #tpu.memory_space<vmem_shared>> -> memref<632x128xf32, #tpu.memory_space<vmem_shared>>
      tpu.wait_dma2 semaphore(%run_scoped3A : memref<!tpu.dma_semaphore, #tpu.memory_space<semaphore_mem>>) src(%dma_wait3A_15 : memref<632x128xf32, #tpu.memory_space<vmem_shared>>) dst(%dma_wait3A_13 : memref<632x128xf32, #tpu.memory_space<hbm>>)
      tpu.yield
    }) : () -> ()
    return
  }
}

#map = affine_map<(d0, d1) -> (0, 0, 0)>
#map1 = affine_map<(d0, d1) -> (0, 0)>
module attributes {stable_mosaic.version = 14 : i64} {
  func.func @_count_scatter(%arg0: i32, %arg1: i32, %arg2: memref<32x80x128xi32, #tpu.memory_space<hbm>>, %arg3: memref<10112x128xf32, #tpu.memory_space<hbm>>, %arg4: memref<128x128xf32, #tpu.memory_space<hbm>>, %arg5: memref<2x10112x128xf32, #tpu.memory_space<hbm>>, %arg6: memref<80x128xi32, #tpu.memory_space<vmem>>, %arg7: memref<128x128xf32, #tpu.memory_space<vmem>>, %arg8: memref<10112x128xf32, #tpu.memory_space<vmem_shared>>) attributes {dimension_semantics = [#tpu.dimension_semantics<core_parallel>, #tpu.dimension_semantics<subcore_parallel>], iteration_bounds = array<i64: 2, 16>, scalar_prefetch = 0 : i64, scratch_operands = 3 : i64, tpu.core_type = #tpu.core_type<sc_vector_subcore>, window_params = [{transform_indices = #map}, {transform_indices = #map1}, {transform_indices = #map1}, {transform_indices = #map}]} {
    %mul3A = arith.constant 16 : i32
    %mul3A_0 = arith.muli %arg0, %mul3A : i32
    %add3A = arith.addi %mul3A_0, %arg1 : i32
    %mul3A_1 = arith.constant 632 : i32
    %mul3A_2 = arith.muli %arg1, %mul3A_1 : i32
    "tpu.region"() ({
      %run_scoped3A = tpu.sem_alloc : memref<!tpu.dma_semaphore, #tpu.memory_space<semaphore_mem>>
      %dma_start3A = arith.constant 0 : i32
      %dma_start3A_8 = tpu.memref_slice %arg8[%mul3A_2, %dma_start3A] : memref<10112x128xf32, #tpu.memory_space<vmem_shared>> -> memref<632x128xf32, #tpu.memory_space<vmem_shared>>
      %dma_start3A_9 = arith.constant 0 : i32
      %dma_start3A_10 = tpu.memref_slice %arg3[%mul3A_2, %dma_start3A_9] : memref<10112x128xf32, #tpu.memory_space<hbm>> -> memref<632x128xf32, #tpu.memory_space<hbm>>
      tpu.enqueue_dma source(%dma_start3A_10 : memref<632x128xf32, #tpu.memory_space<hbm>>) target(%dma_start3A_8 : memref<632x128xf32, #tpu.memory_space<vmem_shared>>) target_semaphore(%run_scoped3A : memref<!tpu.dma_semaphore, #tpu.memory_space<semaphore_mem>>)
      %dma_wait3A = arith.constant 0 : i32
      %dma_wait3A_11 = tpu.memref_slice %arg8[%mul3A_2, %dma_wait3A] : memref<10112x128xf32, #tpu.memory_space<vmem_shared>> -> memref<632x128xf32, #tpu.memory_space<vmem_shared>>
      %dma_wait3A_12 = arith.constant 0 : i32
      %dma_wait3A_13 = tpu.memref_slice %arg3[%mul3A_2, %dma_wait3A_12] : memref<10112x128xf32, #tpu.memory_space<hbm>> -> memref<632x128xf32, #tpu.memory_space<hbm>>
      tpu.wait_dma2 semaphore(%run_scoped3A : memref<!tpu.dma_semaphore, #tpu.memory_space<semaphore_mem>>) src(%dma_wait3A_13 : memref<632x128xf32, #tpu.memory_space<hbm>>) dst(%dma_wait3A_11 : memref<632x128xf32, #tpu.memory_space<vmem_shared>>)
      tpu.yield
    }) : () -> ()
    "tpu.region"() ({
      %run_scoped3A = tpu.sem_alloc : memref<!tpu.dma_semaphore, #tpu.memory_space<semaphore_mem>>
      %dma_start3A = arith.constant 0 : i32
      %dma_start3A_8 = arith.constant 0 : i32
      %dma_start3A_9 = tpu.memref_slice %arg2[%add3A, %dma_start3A, %dma_start3A_8] : memref<32x80x128xi32, #tpu.memory_space<hbm>> -> memref<1x80x128xi32, #tpu.memory_space<hbm>>
      %dma_start3A_10 = tpu.memref_squeeze %dma_start3A_9 : memref<1x80x128xi32, #tpu.memory_space<hbm>> -> memref<80x128xi32, #tpu.memory_space<hbm>>
      %dma_start3A_11 = arith.constant 0 : i32
      %dma_start3A_12 = arith.constant 0 : i32
      %dma_start3A_13 = tpu.memref_slice %arg2[%add3A, %dma_start3A_11, %dma_start3A_12] : memref<32x80x128xi32, #tpu.memory_space<hbm>> -> memref<1x80x128xi32, #tpu.memory_space<hbm>>
      %dma_start3A_14 = tpu.memref_squeeze %dma_start3A_13 : memref<1x80x128xi32, #tpu.memory_space<hbm>> -> memref<80x128xi32, #tpu.memory_space<hbm>>
      tpu.enqueue_dma source(%dma_start3A_14 : memref<80x128xi32, #tpu.memory_space<hbm>>) target(%arg6 : memref<80x128xi32, #tpu.memory_space<vmem>>) target_semaphore(%run_scoped3A : memref<!tpu.dma_semaphore, #tpu.memory_space<semaphore_mem>>)
      %dma_wait3A = arith.constant 0 : i32
      %dma_wait3A_15 = arith.constant 0 : i32
      %dma_wait3A_16 = tpu.memref_slice %arg2[%add3A, %dma_wait3A, %dma_wait3A_15] : memref<32x80x128xi32, #tpu.memory_space<hbm>> -> memref<1x80x128xi32, #tpu.memory_space<hbm>>
      %dma_wait3A_17 = tpu.memref_squeeze %dma_wait3A_16 : memref<1x80x128xi32, #tpu.memory_space<hbm>> -> memref<80x128xi32, #tpu.memory_space<hbm>>
      %dma_wait3A_18 = arith.constant 0 : i32
      %dma_wait3A_19 = arith.constant 0 : i32
      %dma_wait3A_20 = tpu.memref_slice %arg2[%add3A, %dma_wait3A_18, %dma_wait3A_19] : memref<32x80x128xi32, #tpu.memory_space<hbm>> -> memref<1x80x128xi32, #tpu.memory_space<hbm>>
      %dma_wait3A_21 = tpu.memref_squeeze %dma_wait3A_20 : memref<1x80x128xi32, #tpu.memory_space<hbm>> -> memref<80x128xi32, #tpu.memory_space<hbm>>
      tpu.wait_dma2 semaphore(%run_scoped3A : memref<!tpu.dma_semaphore, #tpu.memory_space<semaphore_mem>>) src(%dma_wait3A_21 : memref<80x128xi32, #tpu.memory_space<hbm>>) dst(%arg6 : memref<80x128xi32, #tpu.memory_space<vmem>>)
      tpu.yield
    }) : () -> ()
    %barrier3A = arith.constant 0 : index
    tpu.barrier barrier_id(%barrier3A)
    %scan3A = arith.constant 0 : i32
    %scan3A_3 = arith.constant 80 : i32
    %scan3A_4 = arith.addi %scan3A, %scan3A_3 : i32
    %scan3A_5 = arith.constant 1 : i32
    scf.for %scan3A_8 = %scan3A to %scan3A_4 step %scan3A_5  : i32 {
      %mul3A_9 = arith.constant 1 : i32
      %mul3A_10 = arith.muli %scan3A_8, %mul3A_9 : i32
      %add3A_11 = arith.constant 0 : i32
      %add3A_12 = arith.addi %add3A_11, %mul3A_10 : i32
      "tpu.region"() ({
        %run_scoped3A = tpu.sem_alloc : memref<!tpu.dma_semaphore, #tpu.memory_space<semaphore_mem>>
        tpu.enqueue_dma source(%arg4 : memref<128x128xf32, #tpu.memory_space<hbm>>) target(%arg7 : memref<128x128xf32, #tpu.memory_space<vmem>>) target_semaphore(%run_scoped3A : memref<!tpu.dma_semaphore, #tpu.memory_space<semaphore_mem>>)
        tpu.wait_dma2 semaphore(%run_scoped3A : memref<!tpu.dma_semaphore, #tpu.memory_space<semaphore_mem>>) src(%arg4 : memref<128x128xf32, #tpu.memory_space<hbm>>) dst(%arg7 : memref<128x128xf32, #tpu.memory_space<vmem>>)
        tpu.yield
      }) : () -> ()
      "tpu.region"() ({
        %run_scoped3A = tpu.sem_alloc : memref<!tpu.dma_semaphore, #tpu.memory_space<semaphore_mem>>
        %dma_start3A = arith.constant 0 : i32
        %dma_start3A_13 = tpu.memref_slice %arg6[%add3A_12, %dma_start3A] : memref<80x128xi32, #tpu.memory_space<vmem>> -> memref<1x128xi32, #tpu.memory_space<vmem>>
        %dma_start3A_14 = tpu.memref_squeeze %dma_start3A_13 : memref<1x128xi32, #tpu.memory_space<vmem>> -> memref<128xi32, #tpu.memory_space<vmem>>
        %dma_start3A_15 = arith.constant 0 : i32
        %dma_start3A_16 = arith.constant 0 : i32
        %dma_start3A_17 = tpu.memref_slice %arg8[%dma_start3A_15, %dma_start3A_16] : memref<10112x128xf32, #tpu.memory_space<vmem_shared>> -> memref<10112x128xf32, #tpu.memory_space<vmem_shared>>
        tpu.enqueue_indirect_dma source(%arg7 : memref<128x128xf32, #tpu.memory_space<vmem>>) target(%dma_start3A_17 : memref<10112x128xf32, #tpu.memory_space<vmem_shared>>) offsets(%dma_start3A_14 : memref<128xi32, #tpu.memory_space<vmem>>) semaphore(%run_scoped3A : memref<!tpu.dma_semaphore, #tpu.memory_space<semaphore_mem>>) {add = true}
        %dma_wait3A = arith.constant 0 : i32
        %dma_wait3A_18 = tpu.memref_slice %arg6[%add3A_12, %dma_wait3A] : memref<80x128xi32, #tpu.memory_space<vmem>> -> memref<1x128xi32, #tpu.memory_space<vmem>>
        %dma_wait3A_19 = tpu.memref_squeeze %dma_wait3A_18 : memref<1x128xi32, #tpu.memory_space<vmem>> -> memref<128xi32, #tpu.memory_space<vmem>>
        %dma_wait3A_20 = arith.constant 0 : i32
        %dma_wait3A_21 = arith.constant 0 : i32
        %dma_wait3A_22 = tpu.memref_slice %arg8[%dma_wait3A_20, %dma_wait3A_21] : memref<10112x128xf32, #tpu.memory_space<vmem_shared>> -> memref<10112x128xf32, #tpu.memory_space<vmem_shared>>
        tpu.wait_indirect_dma semaphore(%run_scoped3A : memref<!tpu.dma_semaphore, #tpu.memory_space<semaphore_mem>>) src(%arg7 : memref<128x128xf32, #tpu.memory_space<vmem>>) dst(%dma_wait3A_22 : memref<10112x128xf32, #tpu.memory_space<vmem_shared>>)
        tpu.yield
      }) : () -> ()
    }
    %scan3A_6 = arith.constant 80 : i32
    %barrier3A_7 = arith.constant 0 : index
    tpu.barrier barrier_id(%barrier3A_7)
    "tpu.region"() ({
      %run_scoped3A = tpu.sem_alloc : memref<!tpu.dma_semaphore, #tpu.memory_space<semaphore_mem>>
      %dma_start3A = arith.constant 0 : i32
      %dma_start3A_8 = tpu.memref_slice %arg5[%arg0, %mul3A_2, %dma_start3A] : memref<2x10112x128xf32, #tpu.memory_space<hbm>> -> memref<1x632x128xf32, #tpu.memory_space<hbm>>
      %dma_start3A_9 = tpu.memref_squeeze %dma_start3A_8 : memref<1x632x128xf32, #tpu.memory_space<hbm>> -> memref<632x128xf32, #tpu.memory_space<hbm>>
      %dma_start3A_10 = arith.constant 0 : i32
      %dma_start3A_11 = tpu.memref_slice %arg8[%mul3A_2, %dma_start3A_10] : memref<10112x128xf32, #tpu.memory_space<vmem_shared>> -> memref<632x128xf32, #tpu.memory_space<vmem_shared>>
      tpu.enqueue_dma source(%dma_start3A_11 : memref<632x128xf32, #tpu.memory_space<vmem_shared>>) target(%dma_start3A_9 : memref<632x128xf32, #tpu.memory_space<hbm>>) target_semaphore(%run_scoped3A : memref<!tpu.dma_semaphore, #tpu.memory_space<semaphore_mem>>)
      %dma_wait3A = arith.constant 0 : i32
      %dma_wait3A_12 = tpu.memref_slice %arg5[%arg0, %mul3A_2, %dma_wait3A] : memref<2x10112x128xf32, #tpu.memory_space<hbm>> -> memref<1x632x128xf32, #tpu.memory_space<hbm>>
      %dma_wait3A_13 = tpu.memref_squeeze %dma_wait3A_12 : memref<1x632x128xf32, #tpu.memory_space<hbm>> -> memref<632x128xf32, #tpu.memory_space<hbm>>
      %dma_wait3A_14 = arith.constant 0 : i32
      %dma_wait3A_15 = tpu.memref_slice %arg8[%mul3A_2, %dma_wait3A_14] : memref<10112x128xf32, #tpu.memory_space<vmem_shared>> -> memref<632x128xf32, #tpu.memory_space<vmem_shared>>
      tpu.wait_dma2 semaphore(%run_scoped3A : memref<!tpu.dma_semaphore, #tpu.memory_space<semaphore_mem>>) src(%dma_wait3A_15 : memref<632x128xf32, #tpu.memory_space<vmem_shared>>) dst(%dma_wait3A_13 : memref<632x128xf32, #tpu.memory_space<hbm>>)
      tpu.yield
    }) : () -> ()
    return
  }
}

#map = affine_map<(d0, d1) -> (0, 0, 0)>
#map1 = affine_map<(d0, d1) -> (0, 0)>
module attributes {stable_mosaic.version = 14 : i64} {
  func.func @_count_scatter(%arg0: i32, %arg1: i32, %arg2: memref<32x80x128xi32, #tpu.memory_space<hbm>>, %arg3: memref<10112x128xf32, #tpu.memory_space<hbm>>, %arg4: memref<128x128xf32, #tpu.memory_space<hbm>>, %arg5: memref<2x10112x128xf32, #tpu.memory_space<hbm>>, %arg6: memref<80x128xi32, #tpu.memory_space<vmem>>, %arg7: memref<128x128xf32, #tpu.memory_space<vmem>>, %arg8: memref<10112x128xf32, #tpu.memory_space<vmem_shared>>) attributes {dimension_semantics = [#tpu.dimension_semantics<core_parallel>, #tpu.dimension_semantics<subcore_parallel>], iteration_bounds = array<i64: 2, 16>, scalar_prefetch = 0 : i64, scratch_operands = 3 : i64, tpu.core_type = #tpu.core_type<sc_vector_subcore>, window_params = [{transform_indices = #map}, {transform_indices = #map1}, {transform_indices = #map1}, {transform_indices = #map}]} {
    %mul3A = arith.constant 16 : i32
    %mul3A_0 = arith.muli %arg0, %mul3A : i32
    %add3A = arith.addi %mul3A_0, %arg1 : i32
    %mul3A_1 = arith.constant 632 : i32
    %mul3A_2 = arith.muli %arg1, %mul3A_1 : i32
    "tpu.region"() ({
      %run_scoped3A = tpu.sem_alloc : memref<!tpu.dma_semaphore, #tpu.memory_space<semaphore_mem>>
      %dma_start3A = arith.constant 0 : i32
      %dma_start3A_8 = tpu.memref_slice %arg8[%mul3A_2, %dma_start3A] : memref<10112x128xf32, #tpu.memory_space<vmem_shared>> -> memref<632x128xf32, #tpu.memory_space<vmem_shared>>
      %dma_start3A_9 = arith.constant 0 : i32
      %dma_start3A_10 = tpu.memref_slice %arg3[%mul3A_2, %dma_start3A_9] : memref<10112x128xf32, #tpu.memory_space<hbm>> -> memref<632x128xf32, #tpu.memory_space<hbm>>
      tpu.enqueue_dma source(%dma_start3A_10 : memref<632x128xf32, #tpu.memory_space<hbm>>) target(%dma_start3A_8 : memref<632x128xf32, #tpu.memory_space<vmem_shared>>) target_semaphore(%run_scoped3A : memref<!tpu.dma_semaphore, #tpu.memory_space<semaphore_mem>>)
      %dma_wait3A = arith.constant 0 : i32
      %dma_wait3A_11 = tpu.memref_slice %arg8[%mul3A_2, %dma_wait3A] : memref<10112x128xf32, #tpu.memory_space<vmem_shared>> -> memref<632x128xf32, #tpu.memory_space<vmem_shared>>
      %dma_wait3A_12 = arith.constant 0 : i32
      %dma_wait3A_13 = tpu.memref_slice %arg3[%mul3A_2, %dma_wait3A_12] : memref<10112x128xf32, #tpu.memory_space<hbm>> -> memref<632x128xf32, #tpu.memory_space<hbm>>
      tpu.wait_dma2 semaphore(%run_scoped3A : memref<!tpu.dma_semaphore, #tpu.memory_space<semaphore_mem>>) src(%dma_wait3A_13 : memref<632x128xf32, #tpu.memory_space<hbm>>) dst(%dma_wait3A_11 : memref<632x128xf32, #tpu.memory_space<vmem_shared>>)
      tpu.yield
    }) : () -> ()
    "tpu.region"() ({
      %run_scoped3A = tpu.sem_alloc : memref<!tpu.dma_semaphore, #tpu.memory_space<semaphore_mem>>
      %dma_start3A = arith.constant 0 : i32
      %dma_start3A_8 = arith.constant 0 : i32
      %dma_start3A_9 = tpu.memref_slice %arg2[%add3A, %dma_start3A, %dma_start3A_8] : memref<32x80x128xi32, #tpu.memory_space<hbm>> -> memref<1x80x128xi32, #tpu.memory_space<hbm>>
      %dma_start3A_10 = tpu.memref_squeeze %dma_start3A_9 : memref<1x80x128xi32, #tpu.memory_space<hbm>> -> memref<80x128xi32, #tpu.memory_space<hbm>>
      %dma_start3A_11 = arith.constant 0 : i32
      %dma_start3A_12 = arith.constant 0 : i32
      %dma_start3A_13 = tpu.memref_slice %arg2[%add3A, %dma_start3A_11, %dma_start3A_12] : memref<32x80x128xi32, #tpu.memory_space<hbm>> -> memref<1x80x128xi32, #tpu.memory_space<hbm>>
      %dma_start3A_14 = tpu.memref_squeeze %dma_start3A_13 : memref<1x80x128xi32, #tpu.memory_space<hbm>> -> memref<80x128xi32, #tpu.memory_space<hbm>>
      tpu.enqueue_dma source(%dma_start3A_14 : memref<80x128xi32, #tpu.memory_space<hbm>>) target(%arg6 : memref<80x128xi32, #tpu.memory_space<vmem>>) target_semaphore(%run_scoped3A : memref<!tpu.dma_semaphore, #tpu.memory_space<semaphore_mem>>)
      %dma_wait3A = arith.constant 0 : i32
      %dma_wait3A_15 = arith.constant 0 : i32
      %dma_wait3A_16 = tpu.memref_slice %arg2[%add3A, %dma_wait3A, %dma_wait3A_15] : memref<32x80x128xi32, #tpu.memory_space<hbm>> -> memref<1x80x128xi32, #tpu.memory_space<hbm>>
      %dma_wait3A_17 = tpu.memref_squeeze %dma_wait3A_16 : memref<1x80x128xi32, #tpu.memory_space<hbm>> -> memref<80x128xi32, #tpu.memory_space<hbm>>
      %dma_wait3A_18 = arith.constant 0 : i32
      %dma_wait3A_19 = arith.constant 0 : i32
      %dma_wait3A_20 = tpu.memref_slice %arg2[%add3A, %dma_wait3A_18, %dma_wait3A_19] : memref<32x80x128xi32, #tpu.memory_space<hbm>> -> memref<1x80x128xi32, #tpu.memory_space<hbm>>
      %dma_wait3A_21 = tpu.memref_squeeze %dma_wait3A_20 : memref<1x80x128xi32, #tpu.memory_space<hbm>> -> memref<80x128xi32, #tpu.memory_space<hbm>>
      tpu.wait_dma2 semaphore(%run_scoped3A : memref<!tpu.dma_semaphore, #tpu.memory_space<semaphore_mem>>) src(%dma_wait3A_21 : memref<80x128xi32, #tpu.memory_space<hbm>>) dst(%arg6 : memref<80x128xi32, #tpu.memory_space<vmem>>)
      tpu.yield
    }) : () -> ()
    %barrier3A = arith.constant 0 : index
    tpu.barrier barrier_id(%barrier3A)
    %scan3A = arith.constant 0 : i32
    %scan3A_3 = arith.constant 80 : i32
    %scan3A_4 = arith.addi %scan3A, %scan3A_3 : i32
    %scan3A_5 = arith.constant 1 : i32
    scf.for %scan3A_8 = %scan3A to %scan3A_4 step %scan3A_5  : i32 {
      %mul3A_9 = arith.constant 1 : i32
      %mul3A_10 = arith.muli %scan3A_8, %mul3A_9 : i32
      %add3A_11 = arith.constant 0 : i32
      %add3A_12 = arith.addi %add3A_11, %mul3A_10 : i32
      "tpu.region"() ({
        %run_scoped3A = tpu.sem_alloc : memref<!tpu.dma_semaphore, #tpu.memory_space<semaphore_mem>>
        tpu.enqueue_dma source(%arg4 : memref<128x128xf32, #tpu.memory_space<hbm>>) target(%arg7 : memref<128x128xf32, #tpu.memory_space<vmem>>) target_semaphore(%run_scoped3A : memref<!tpu.dma_semaphore, #tpu.memory_space<semaphore_mem>>)
        tpu.wait_dma2 semaphore(%run_scoped3A : memref<!tpu.dma_semaphore, #tpu.memory_space<semaphore_mem>>) src(%arg4 : memref<128x128xf32, #tpu.memory_space<hbm>>) dst(%arg7 : memref<128x128xf32, #tpu.memory_space<vmem>>)
        tpu.yield
      }) : () -> ()
      "tpu.region"() ({
        %run_scoped3A = tpu.sem_alloc : memref<!tpu.dma_semaphore, #tpu.memory_space<semaphore_mem>>
        %dma_start3A = arith.constant 0 : i32
        %dma_start3A_13 = tpu.memref_slice %arg6[%add3A_12, %dma_start3A] : memref<80x128xi32, #tpu.memory_space<vmem>> -> memref<1x128xi32, #tpu.memory_space<vmem>>
        %dma_start3A_14 = tpu.memref_squeeze %dma_start3A_13 : memref<1x128xi32, #tpu.memory_space<vmem>> -> memref<128xi32, #tpu.memory_space<vmem>>
        %dma_start3A_15 = arith.constant 0 : i32
        %dma_start3A_16 = arith.constant 0 : i32
        %dma_start3A_17 = tpu.memref_slice %arg8[%dma_start3A_15, %dma_start3A_16] : memref<10112x128xf32, #tpu.memory_space<vmem_shared>> -> memref<10112x128xf32, #tpu.memory_space<vmem_shared>>
        tpu.enqueue_indirect_dma source(%arg7 : memref<128x128xf32, #tpu.memory_space<vmem>>) target(%dma_start3A_17 : memref<10112x128xf32, #tpu.memory_space<vmem_shared>>) offsets(%dma_start3A_14 : memref<128xi32, #tpu.memory_space<vmem>>) semaphore(%run_scoped3A : memref<!tpu.dma_semaphore, #tpu.memory_space<semaphore_mem>>) {add = true}
        %dma_wait3A = arith.constant 0 : i32
        %dma_wait3A_18 = tpu.memref_slice %arg6[%add3A_12, %dma_wait3A] : memref<80x128xi32, #tpu.memory_space<vmem>> -> memref<1x128xi32, #tpu.memory_space<vmem>>
        %dma_wait3A_19 = tpu.memref_squeeze %dma_wait3A_18 : memref<1x128xi32, #tpu.memory_space<vmem>> -> memref<128xi32, #tpu.memory_space<vmem>>
        %dma_wait3A_20 = arith.constant 0 : i32
        %dma_wait3A_21 = arith.constant 0 : i32
        %dma_wait3A_22 = tpu.memref_slice %arg8[%dma_wait3A_20, %dma_wait3A_21] : memref<10112x128xf32, #tpu.memory_space<vmem_shared>> -> memref<10112x128xf32, #tpu.memory_space<vmem_shared>>
        tpu.wait_indirect_dma semaphore(%run_scoped3A : memref<!tpu.dma_semaphore, #tpu.memory_space<semaphore_mem>>) src(%arg7 : memref<128x128xf32, #tpu.memory_space<vmem>>) dst(%dma_wait3A_22 : memref<10112x128xf32, #tpu.memory_space<vmem_shared>>)
        tpu.yield
      }) : () -> ()
    }
    %scan3A_6 = arith.constant 80 : i32
    %barrier3A_7 = arith.constant 0 : index
    tpu.barrier barrier_id(%barrier3A_7)
    "tpu.region"() ({
      %run_scoped3A = tpu.sem_alloc : memref<!tpu.dma_semaphore, #tpu.memory_space<semaphore_mem>>
      %dma_start3A = arith.constant 0 : i32
      %dma_start3A_8 = tpu.memref_slice %arg5[%arg0, %mul3A_2, %dma_start3A] : memref<2x10112x128xf32, #tpu.memory_space<hbm>> -> memref<1x632x128xf32, #tpu.memory_space<hbm>>
      %dma_start3A_9 = tpu.memref_squeeze %dma_start3A_8 : memref<1x632x128xf32, #tpu.memory_space<hbm>> -> memref<632x128xf32, #tpu.memory_space<hbm>>
      %dma_start3A_10 = arith.constant 0 : i32
      %dma_start3A_11 = tpu.memref_slice %arg8[%mul3A_2, %dma_start3A_10] : memref<10112x128xf32, #tpu.memory_space<vmem_shared>> -> memref<632x128xf32, #tpu.memory_space<vmem_shared>>
      tpu.enqueue_dma source(%dma_start3A_11 : memref<632x128xf32, #tpu.memory_space<vmem_shared>>) target(%dma_start3A_9 : memref<632x128xf32, #tpu.memory_space<hbm>>) target_semaphore(%run_scoped3A : memref<!tpu.dma_semaphore, #tpu.memory_space<semaphore_mem>>)
      %dma_wait3A = arith.constant 0 : i32
      %dma_wait3A_12 = tpu.memref_slice %arg5[%arg0, %mul3A_2, %dma_wait3A] : memref<2x10112x128xf32, #tpu.memory_space<hbm>> -> memref<1x632x128xf32, #tpu.memory_space<hbm>>
      %dma_wait3A_13 = tpu.memref_squeeze %dma_wait3A_12 : memref<1x632x128xf32, #tpu.memory_space<hbm>> -> memref<632x128xf32, #tpu.memory_space<hbm>>
      %dma_wait3A_14 = arith.constant 0 : i32
      %dma_wait3A_15 = tpu.memref_slice %arg8[%mul3A_2, %dma_wait3A_14] : memref<10112x128xf32, #tpu.memory_space<vmem_shared>> -> memref<632x128xf32, #tpu.memory_space<vmem_shared>>
      tpu.wait_dma2 semaphore(%run_scoped3A : memref<!tpu.dma_semaphore, #tpu.memory_space<semaphore_mem>>) src(%dma_wait3A_15 : memref<632x128xf32, #tpu.memory_space<vmem_shared>>) dst(%dma_wait3A_13 : memref<632x128xf32, #tpu.memory_space<hbm>>)
      tpu.yield
    }) : () -> ()
    return
  }
}

#map = affine_map<(d0, d1) -> (0, 0)>
#map1 = affine_map<(d0, d1) -> (0, 0, 0)>
module attributes {stable_mosaic.version = 14 : i64} {
  func.func @_gcn_agg(%arg0: i32, %arg1: i32, %arg2: memref<10112x128xf32, #tpu.memory_space<hbm>>, %arg3: memref<32x80x128xi32, #tpu.memory_space<hbm>>, %arg4: memref<32x80x128xi32, #tpu.memory_space<hbm>>, %arg5: memref<10112x128xf32, #tpu.memory_space<hbm>>, %arg6: memref<2x10112x128xf32, #tpu.memory_space<hbm>>, %arg7: memref<80x128xi32, #tpu.memory_space<vmem>>, %arg8: memref<80x128xi32, #tpu.memory_space<vmem>>, %arg9: memref<128x128xf32, #tpu.memory_space<vmem>>, %arg10: memref<10112x128xf32, #tpu.memory_space<vmem_shared>>, %arg11: memref<!tpu.dma_semaphore, #tpu.memory_space<semaphore_mem>>) attributes {dimension_semantics = [#tpu.dimension_semantics<core_parallel>, #tpu.dimension_semantics<subcore_parallel>], iteration_bounds = array<i64: 2, 16>, scalar_prefetch = 0 : i64, scratch_operands = 5 : i64, tpu.core_type = #tpu.core_type<sc_vector_subcore>, window_params = [{transform_indices = #map}, {transform_indices = #map1}, {transform_indices = #map1}, {transform_indices = #map}, {transform_indices = #map1}]} {
    %mul3A = arith.constant 16 : i32
    %mul3A_0 = arith.muli %arg0, %mul3A : i32
    %add3A = arith.addi %mul3A_0, %arg1 : i32
    %mul3A_1 = arith.constant 632 : i32
    %mul3A_2 = arith.muli %arg1, %mul3A_1 : i32
    "tpu.region"() ({
      %run_scoped3A = tpu.sem_alloc : memref<!tpu.dma_semaphore, #tpu.memory_space<semaphore_mem>>
      %dma_start3A = arith.constant 0 : i32
      %dma_start3A_8 = tpu.memref_slice %arg10[%mul3A_2, %dma_start3A] : memref<10112x128xf32, #tpu.memory_space<vmem_shared>> -> memref<632x128xf32, #tpu.memory_space<vmem_shared>>
      %dma_start3A_9 = arith.constant 0 : i32
      %dma_start3A_10 = tpu.memref_slice %arg5[%mul3A_2, %dma_start3A_9] : memref<10112x128xf32, #tpu.memory_space<hbm>> -> memref<632x128xf32, #tpu.memory_space<hbm>>
      tpu.enqueue_dma source(%dma_start3A_10 : memref<632x128xf32, #tpu.memory_space<hbm>>) target(%dma_start3A_8 : memref<632x128xf32, #tpu.memory_space<vmem_shared>>) target_semaphore(%run_scoped3A : memref<!tpu.dma_semaphore, #tpu.memory_space<semaphore_mem>>)
      %dma_wait3A = arith.constant 0 : i32
      %dma_wait3A_11 = tpu.memref_slice %arg10[%mul3A_2, %dma_wait3A] : memref<10112x128xf32, #tpu.memory_space<vmem_shared>> -> memref<632x128xf32, #tpu.memory_space<vmem_shared>>
      %dma_wait3A_12 = arith.constant 0 : i32
      %dma_wait3A_13 = tpu.memref_slice %arg5[%mul3A_2, %dma_wait3A_12] : memref<10112x128xf32, #tpu.memory_space<hbm>> -> memref<632x128xf32, #tpu.memory_space<hbm>>
      tpu.wait_dma2 semaphore(%run_scoped3A : memref<!tpu.dma_semaphore, #tpu.memory_space<semaphore_mem>>) src(%dma_wait3A_13 : memref<632x128xf32, #tpu.memory_space<hbm>>) dst(%dma_wait3A_11 : memref<632x128xf32, #tpu.memory_space<vmem_shared>>)
      tpu.yield
    }) : () -> ()
    "tpu.region"() ({
      %run_scoped3A = tpu.sem_alloc : memref<!tpu.dma_semaphore, #tpu.memory_space<semaphore_mem>>
      %dma_start3A = arith.constant 0 : i32
      %dma_start3A_8 = arith.constant 0 : i32
      %dma_start3A_9 = tpu.memref_slice %arg3[%add3A, %dma_start3A, %dma_start3A_8] : memref<32x80x128xi32, #tpu.memory_space<hbm>> -> memref<1x80x128xi32, #tpu.memory_space<hbm>>
      %dma_start3A_10 = tpu.memref_squeeze %dma_start3A_9 : memref<1x80x128xi32, #tpu.memory_space<hbm>> -> memref<80x128xi32, #tpu.memory_space<hbm>>
      %dma_start3A_11 = arith.constant 0 : i32
      %dma_start3A_12 = arith.constant 0 : i32
      %dma_start3A_13 = tpu.memref_slice %arg3[%add3A, %dma_start3A_11, %dma_start3A_12] : memref<32x80x128xi32, #tpu.memory_space<hbm>> -> memref<1x80x128xi32, #tpu.memory_space<hbm>>
      %dma_start3A_14 = tpu.memref_squeeze %dma_start3A_13 : memref<1x80x128xi32, #tpu.memory_space<hbm>> -> memref<80x128xi32, #tpu.memory_space<hbm>>
      tpu.enqueue_dma source(%dma_start3A_14 : memref<80x128xi32, #tpu.memory_space<hbm>>) target(%arg7 : memref<80x128xi32, #tpu.memory_space<vmem>>) target_semaphore(%run_scoped3A : memref<!tpu.dma_semaphore, #tpu.memory_space<semaphore_mem>>)
      %dma_wait3A = arith.constant 0 : i32
      %dma_wait3A_15 = arith.constant 0 : i32
      %dma_wait3A_16 = tpu.memref_slice %arg3[%add3A, %dma_wait3A, %dma_wait3A_15] : memref<32x80x128xi32, #tpu.memory_space<hbm>> -> memref<1x80x128xi32, #tpu.memory_space<hbm>>
      %dma_wait3A_17 = tpu.memref_squeeze %dma_wait3A_16 : memref<1x80x128xi32, #tpu.memory_space<hbm>> -> memref<80x128xi32, #tpu.memory_space<hbm>>
      %dma_wait3A_18 = arith.constant 0 : i32
      %dma_wait3A_19 = arith.constant 0 : i32
      %dma_wait3A_20 = tpu.memref_slice %arg3[%add3A, %dma_wait3A_18, %dma_wait3A_19] : memref<32x80x128xi32, #tpu.memory_space<hbm>> -> memref<1x80x128xi32, #tpu.memory_space<hbm>>
      %dma_wait3A_21 = tpu.memref_squeeze %dma_wait3A_20 : memref<1x80x128xi32, #tpu.memory_space<hbm>> -> memref<80x128xi32, #tpu.memory_space<hbm>>
      tpu.wait_dma2 semaphore(%run_scoped3A : memref<!tpu.dma_semaphore, #tpu.memory_space<semaphore_mem>>) src(%dma_wait3A_21 : memref<80x128xi32, #tpu.memory_space<hbm>>) dst(%arg7 : memref<80x128xi32, #tpu.memory_space<vmem>>)
      tpu.yield
    }) : () -> ()
    "tpu.region"() ({
      %run_scoped3A = tpu.sem_alloc : memref<!tpu.dma_semaphore, #tpu.memory_space<semaphore_mem>>
      %dma_start3A = arith.constant 0 : i32
      %dma_start3A_8 = arith.constant 0 : i32
      %dma_start3A_9 = tpu.memref_slice %arg4[%add3A, %dma_start3A, %dma_start3A_8] : memref<32x80x128xi32, #tpu.memory_space<hbm>> -> memref<1x80x128xi32, #tpu.memory_space<hbm>>
      %dma_start3A_10 = tpu.memref_squeeze %dma_start3A_9 : memref<1x80x128xi32, #tpu.memory_space<hbm>> -> memref<80x128xi32, #tpu.memory_space<hbm>>
      %dma_start3A_11 = arith.constant 0 : i32
      %dma_start3A_12 = arith.constant 0 : i32
      %dma_start3A_13 = tpu.memref_slice %arg4[%add3A, %dma_start3A_11, %dma_start3A_12] : memref<32x80x128xi32, #tpu.memory_space<hbm>> -> memref<1x80x128xi32, #tpu.memory_space<hbm>>
      %dma_start3A_14 = tpu.memref_squeeze %dma_start3A_13 : memref<1x80x128xi32, #tpu.memory_space<hbm>> -> memref<80x128xi32, #tpu.memory_space<hbm>>
      tpu.enqueue_dma source(%dma_start3A_14 : memref<80x128xi32, #tpu.memory_space<hbm>>) target(%arg8 : memref<80x128xi32, #tpu.memory_space<vmem>>) target_semaphore(%run_scoped3A : memref<!tpu.dma_semaphore, #tpu.memory_space<semaphore_mem>>)
      %dma_wait3A = arith.constant 0 : i32
      %dma_wait3A_15 = arith.constant 0 : i32
      %dma_wait3A_16 = tpu.memref_slice %arg4[%add3A, %dma_wait3A, %dma_wait3A_15] : memref<32x80x128xi32, #tpu.memory_space<hbm>> -> memref<1x80x128xi32, #tpu.memory_space<hbm>>
      %dma_wait3A_17 = tpu.memref_squeeze %dma_wait3A_16 : memref<1x80x128xi32, #tpu.memory_space<hbm>> -> memref<80x128xi32, #tpu.memory_space<hbm>>
      %dma_wait3A_18 = arith.constant 0 : i32
      %dma_wait3A_19 = arith.constant 0 : i32
      %dma_wait3A_20 = tpu.memref_slice %arg4[%add3A, %dma_wait3A_18, %dma_wait3A_19] : memref<32x80x128xi32, #tpu.memory_space<hbm>> -> memref<1x80x128xi32, #tpu.memory_space<hbm>>
      %dma_wait3A_21 = tpu.memref_squeeze %dma_wait3A_20 : memref<1x80x128xi32, #tpu.memory_space<hbm>> -> memref<80x128xi32, #tpu.memory_space<hbm>>
      tpu.wait_dma2 semaphore(%run_scoped3A : memref<!tpu.dma_semaphore, #tpu.memory_space<semaphore_mem>>) src(%dma_wait3A_21 : memref<80x128xi32, #tpu.memory_space<hbm>>) dst(%arg8 : memref<80x128xi32, #tpu.memory_space<vmem>>)
      tpu.yield
    }) : () -> ()
    %barrier3A = arith.constant 0 : index
    tpu.barrier barrier_id(%barrier3A)
    %scan3A = arith.constant 0 : i32
    %scan3A_3 = arith.constant 80 : i32
    %scan3A_4 = arith.addi %scan3A, %scan3A_3 : i32
    %scan3A_5 = arith.constant 1 : i32
    scf.for %scan3A_8 = %scan3A to %scan3A_4 step %scan3A_5  : i32 {
      %mul3A_9 = arith.constant 1 : i32
      %mul3A_10 = arith.muli %scan3A_8, %mul3A_9 : i32
      %add3A_11 = arith.constant 0 : i32
      %add3A_12 = arith.addi %add3A_11, %mul3A_10 : i32
      %dma_start3A = arith.constant 0 : i32
      %dma_start3A_13 = tpu.memref_slice %arg7[%add3A_12, %dma_start3A] : memref<80x128xi32, #tpu.memory_space<vmem>> -> memref<1x128xi32, #tpu.memory_space<vmem>>
      %dma_start3A_14 = tpu.memref_squeeze %dma_start3A_13 : memref<1x128xi32, #tpu.memory_space<vmem>> -> memref<128xi32, #tpu.memory_space<vmem>>
      %dma_start3A_15 = arith.constant 0 : i32
      %dma_start3A_16 = arith.constant 0 : i32
      %dma_start3A_17 = tpu.memref_slice %arg2[%dma_start3A_15, %dma_start3A_16] : memref<10112x128xf32, #tpu.memory_space<hbm>> -> memref<10112x128xf32, #tpu.memory_space<hbm>>
      tpu.enqueue_indirect_dma source(%dma_start3A_17 : memref<10112x128xf32, #tpu.memory_space<hbm>>) target(%arg9 : memref<128x128xf32, #tpu.memory_space<vmem>>) offsets(%dma_start3A_14 : memref<128xi32, #tpu.memory_space<vmem>>) semaphore(%arg11 : memref<!tpu.dma_semaphore, #tpu.memory_space<semaphore_mem>>)
      %dma_wait3A = arith.constant 0 : i32
      %dma_wait3A_18 = tpu.memref_slice %arg7[%add3A_12, %dma_wait3A] : memref<80x128xi32, #tpu.memory_space<vmem>> -> memref<1x128xi32, #tpu.memory_space<vmem>>
      %dma_wait3A_19 = tpu.memref_squeeze %dma_wait3A_18 : memref<1x128xi32, #tpu.memory_space<vmem>> -> memref<128xi32, #tpu.memory_space<vmem>>
      %dma_wait3A_20 = arith.constant 0 : i32
      %dma_wait3A_21 = arith.constant 0 : i32
      %dma_wait3A_22 = tpu.memref_slice %arg2[%dma_wait3A_20, %dma_wait3A_21] : memref<10112x128xf32, #tpu.memory_space<hbm>> -> memref<10112x128xf32, #tpu.memory_space<hbm>>
      tpu.wait_indirect_dma semaphore(%arg11 : memref<!tpu.dma_semaphore, #tpu.memory_space<semaphore_mem>>) src(%dma_wait3A_22 : memref<10112x128xf32, #tpu.memory_space<hbm>>) dst(%arg9 : memref<128x128xf32, #tpu.memory_space<vmem>>)
      "tpu.region"() ({
        %run_scoped3A = tpu.sem_alloc : memref<!tpu.dma_semaphore, #tpu.memory_space<semaphore_mem>>
        %dma_start3A_23 = arith.constant 0 : i32
        %dma_start3A_24 = tpu.memref_slice %arg8[%add3A_12, %dma_start3A_23] : memref<80x128xi32, #tpu.memory_space<vmem>> -> memref<1x128xi32, #tpu.memory_space<vmem>>
        %dma_start3A_25 = tpu.memref_squeeze %dma_start3A_24 : memref<1x128xi32, #tpu.memory_space<vmem>> -> memref<128xi32, #tpu.memory_space<vmem>>
        %dma_start3A_26 = arith.constant 0 : i32
        %dma_start3A_27 = arith.constant 0 : i32
        %dma_start3A_28 = tpu.memref_slice %arg10[%dma_start3A_26, %dma_start3A_27] : memref<10112x128xf32, #tpu.memory_space<vmem_shared>> -> memref<10112x128xf32, #tpu.memory_space<vmem_shared>>
        tpu.enqueue_indirect_dma source(%arg9 : memref<128x128xf32, #tpu.memory_space<vmem>>) target(%dma_start3A_28 : memref<10112x128xf32, #tpu.memory_space<vmem_shared>>) offsets(%dma_start3A_25 : memref<128xi32, #tpu.memory_space<vmem>>) semaphore(%run_scoped3A : memref<!tpu.dma_semaphore, #tpu.memory_space<semaphore_mem>>) {add = true}
        %dma_wait3A_29 = arith.constant 0 : i32
        %dma_wait3A_30 = tpu.memref_slice %arg8[%add3A_12, %dma_wait3A_29] : memref<80x128xi32, #tpu.memory_space<vmem>> -> memref<1x128xi32, #tpu.memory_space<vmem>>
        %dma_wait3A_31 = tpu.memref_squeeze %dma_wait3A_30 : memref<1x128xi32, #tpu.memory_space<vmem>> -> memref<128xi32, #tpu.memory_space<vmem>>
        %dma_wait3A_32 = arith.constant 0 : i32
        %dma_wait3A_33 = arith.constant 0 : i32
        %dma_wait3A_34 = tpu.memref_slice %arg10[%dma_wait3A_32, %dma_wait3A_33] : memref<10112x128xf32, #tpu.memory_space<vmem_shared>> -> memref<10112x128xf32, #tpu.memory_space<vmem_shared>>
        tpu.wait_indirect_dma semaphore(%run_scoped3A : memref<!tpu.dma_semaphore, #tpu.memory_space<semaphore_mem>>) src(%arg9 : memref<128x128xf32, #tpu.memory_space<vmem>>) dst(%dma_wait3A_34 : memref<10112x128xf32, #tpu.memory_space<vmem_shared>>)
        tpu.yield
      }) : () -> ()
    }
    %scan3A_6 = arith.constant 80 : i32
    %barrier3A_7 = arith.constant 0 : index
    tpu.barrier barrier_id(%barrier3A_7)
    "tpu.region"() ({
      %run_scoped3A = tpu.sem_alloc : memref<!tpu.dma_semaphore, #tpu.memory_space<semaphore_mem>>
      %dma_start3A = arith.constant 0 : i32
      %dma_start3A_8 = tpu.memref_slice %arg6[%arg0, %mul3A_2, %dma_start3A] : memref<2x10112x128xf32, #tpu.memory_space<hbm>> -> memref<1x632x128xf32, #tpu.memory_space<hbm>>
      %dma_start3A_9 = tpu.memref_squeeze %dma_start3A_8 : memref<1x632x128xf32, #tpu.memory_space<hbm>> -> memref<632x128xf32, #tpu.memory_space<hbm>>
      %dma_start3A_10 = arith.constant 0 : i32
      %dma_start3A_11 = tpu.memref_slice %arg10[%mul3A_2, %dma_start3A_10] : memref<10112x128xf32, #tpu.memory_space<vmem_shared>> -> memref<632x128xf32, #tpu.memory_space<vmem_shared>>
      tpu.enqueue_dma source(%dma_start3A_11 : memref<632x128xf32, #tpu.memory_space<vmem_shared>>) target(%dma_start3A_9 : memref<632x128xf32, #tpu.memory_space<hbm>>) target_semaphore(%run_scoped3A : memref<!tpu.dma_semaphore, #tpu.memory_space<semaphore_mem>>)
      %dma_wait3A = arith.constant 0 : i32
      %dma_wait3A_12 = tpu.memref_slice %arg6[%arg0, %mul3A_2, %dma_wait3A] : memref<2x10112x128xf32, #tpu.memory_space<hbm>> -> memref<1x632x128xf32, #tpu.memory_space<hbm>>
      %dma_wait3A_13 = tpu.memref_squeeze %dma_wait3A_12 : memref<1x632x128xf32, #tpu.memory_space<hbm>> -> memref<632x128xf32, #tpu.memory_space<hbm>>
      %dma_wait3A_14 = arith.constant 0 : i32
      %dma_wait3A_15 = tpu.memref_slice %arg10[%mul3A_2, %dma_wait3A_14] : memref<10112x128xf32, #tpu.memory_space<vmem_shared>> -> memref<632x128xf32, #tpu.memory_space<vmem_shared>>
      tpu.wait_dma2 semaphore(%run_scoped3A : memref<!tpu.dma_semaphore, #tpu.memory_space<semaphore_mem>>) src(%dma_wait3A_15 : memref<632x128xf32, #tpu.memory_space<vmem_shared>>) dst(%dma_wait3A_13 : memref<632x128xf32, #tpu.memory_space<hbm>>)
      tpu.yield
    }) : () -> ()
    return
  }
}

#map = affine_map<(d0, d1) -> (0, 0)>
#map1 = affine_map<(d0, d1) -> (0, 0, 0)>
module attributes {stable_mosaic.version = 14 : i64} {
  func.func @_gcn_agg(%arg0: i32, %arg1: i32, %arg2: memref<10112x128xf32, #tpu.memory_space<hbm>>, %arg3: memref<32x80x128xi32, #tpu.memory_space<hbm>>, %arg4: memref<32x80x128xi32, #tpu.memory_space<hbm>>, %arg5: memref<10112x128xf32, #tpu.memory_space<hbm>>, %arg6: memref<2x10112x128xf32, #tpu.memory_space<hbm>>, %arg7: memref<80x128xi32, #tpu.memory_space<vmem>>, %arg8: memref<80x128xi32, #tpu.memory_space<vmem>>, %arg9: memref<128x128xf32, #tpu.memory_space<vmem>>, %arg10: memref<10112x128xf32, #tpu.memory_space<vmem_shared>>, %arg11: memref<!tpu.dma_semaphore, #tpu.memory_space<semaphore_mem>>) attributes {dimension_semantics = [#tpu.dimension_semantics<core_parallel>, #tpu.dimension_semantics<subcore_parallel>], iteration_bounds = array<i64: 2, 16>, scalar_prefetch = 0 : i64, scratch_operands = 5 : i64, tpu.core_type = #tpu.core_type<sc_vector_subcore>, window_params = [{transform_indices = #map}, {transform_indices = #map1}, {transform_indices = #map1}, {transform_indices = #map}, {transform_indices = #map1}]} {
    %mul3A = arith.constant 16 : i32
    %mul3A_0 = arith.muli %arg0, %mul3A : i32
    %add3A = arith.addi %mul3A_0, %arg1 : i32
    %mul3A_1 = arith.constant 632 : i32
    %mul3A_2 = arith.muli %arg1, %mul3A_1 : i32
    "tpu.region"() ({
      %run_scoped3A = tpu.sem_alloc : memref<!tpu.dma_semaphore, #tpu.memory_space<semaphore_mem>>
      %dma_start3A = arith.constant 0 : i32
      %dma_start3A_8 = tpu.memref_slice %arg10[%mul3A_2, %dma_start3A] : memref<10112x128xf32, #tpu.memory_space<vmem_shared>> -> memref<632x128xf32, #tpu.memory_space<vmem_shared>>
      %dma_start3A_9 = arith.constant 0 : i32
      %dma_start3A_10 = tpu.memref_slice %arg5[%mul3A_2, %dma_start3A_9] : memref<10112x128xf32, #tpu.memory_space<hbm>> -> memref<632x128xf32, #tpu.memory_space<hbm>>
      tpu.enqueue_dma source(%dma_start3A_10 : memref<632x128xf32, #tpu.memory_space<hbm>>) target(%dma_start3A_8 : memref<632x128xf32, #tpu.memory_space<vmem_shared>>) target_semaphore(%run_scoped3A : memref<!tpu.dma_semaphore, #tpu.memory_space<semaphore_mem>>)
      %dma_wait3A = arith.constant 0 : i32
      %dma_wait3A_11 = tpu.memref_slice %arg10[%mul3A_2, %dma_wait3A] : memref<10112x128xf32, #tpu.memory_space<vmem_shared>> -> memref<632x128xf32, #tpu.memory_space<vmem_shared>>
      %dma_wait3A_12 = arith.constant 0 : i32
      %dma_wait3A_13 = tpu.memref_slice %arg5[%mul3A_2, %dma_wait3A_12] : memref<10112x128xf32, #tpu.memory_space<hbm>> -> memref<632x128xf32, #tpu.memory_space<hbm>>
      tpu.wait_dma2 semaphore(%run_scoped3A : memref<!tpu.dma_semaphore, #tpu.memory_space<semaphore_mem>>) src(%dma_wait3A_13 : memref<632x128xf32, #tpu.memory_space<hbm>>) dst(%dma_wait3A_11 : memref<632x128xf32, #tpu.memory_space<vmem_shared>>)
      tpu.yield
    }) : () -> ()
    "tpu.region"() ({
      %run_scoped3A = tpu.sem_alloc : memref<!tpu.dma_semaphore, #tpu.memory_space<semaphore_mem>>
      %dma_start3A = arith.constant 0 : i32
      %dma_start3A_8 = arith.constant 0 : i32
      %dma_start3A_9 = tpu.memref_slice %arg3[%add3A, %dma_start3A, %dma_start3A_8] : memref<32x80x128xi32, #tpu.memory_space<hbm>> -> memref<1x80x128xi32, #tpu.memory_space<hbm>>
      %dma_start3A_10 = tpu.memref_squeeze %dma_start3A_9 : memref<1x80x128xi32, #tpu.memory_space<hbm>> -> memref<80x128xi32, #tpu.memory_space<hbm>>
      %dma_start3A_11 = arith.constant 0 : i32
      %dma_start3A_12 = arith.constant 0 : i32
      %dma_start3A_13 = tpu.memref_slice %arg3[%add3A, %dma_start3A_11, %dma_start3A_12] : memref<32x80x128xi32, #tpu.memory_space<hbm>> -> memref<1x80x128xi32, #tpu.memory_space<hbm>>
      %dma_start3A_14 = tpu.memref_squeeze %dma_start3A_13 : memref<1x80x128xi32, #tpu.memory_space<hbm>> -> memref<80x128xi32, #tpu.memory_space<hbm>>
      tpu.enqueue_dma source(%dma_start3A_14 : memref<80x128xi32, #tpu.memory_space<hbm>>) target(%arg7 : memref<80x128xi32, #tpu.memory_space<vmem>>) target_semaphore(%run_scoped3A : memref<!tpu.dma_semaphore, #tpu.memory_space<semaphore_mem>>)
      %dma_wait3A = arith.constant 0 : i32
      %dma_wait3A_15 = arith.constant 0 : i32
      %dma_wait3A_16 = tpu.memref_slice %arg3[%add3A, %dma_wait3A, %dma_wait3A_15] : memref<32x80x128xi32, #tpu.memory_space<hbm>> -> memref<1x80x128xi32, #tpu.memory_space<hbm>>
      %dma_wait3A_17 = tpu.memref_squeeze %dma_wait3A_16 : memref<1x80x128xi32, #tpu.memory_space<hbm>> -> memref<80x128xi32, #tpu.memory_space<hbm>>
      %dma_wait3A_18 = arith.constant 0 : i32
      %dma_wait3A_19 = arith.constant 0 : i32
      %dma_wait3A_20 = tpu.memref_slice %arg3[%add3A, %dma_wait3A_18, %dma_wait3A_19] : memref<32x80x128xi32, #tpu.memory_space<hbm>> -> memref<1x80x128xi32, #tpu.memory_space<hbm>>
      %dma_wait3A_21 = tpu.memref_squeeze %dma_wait3A_20 : memref<1x80x128xi32, #tpu.memory_space<hbm>> -> memref<80x128xi32, #tpu.memory_space<hbm>>
      tpu.wait_dma2 semaphore(%run_scoped3A : memref<!tpu.dma_semaphore, #tpu.memory_space<semaphore_mem>>) src(%dma_wait3A_21 : memref<80x128xi32, #tpu.memory_space<hbm>>) dst(%arg7 : memref<80x128xi32, #tpu.memory_space<vmem>>)
      tpu.yield
    }) : () -> ()
    "tpu.region"() ({
      %run_scoped3A = tpu.sem_alloc : memref<!tpu.dma_semaphore, #tpu.memory_space<semaphore_mem>>
      %dma_start3A = arith.constant 0 : i32
      %dma_start3A_8 = arith.constant 0 : i32
      %dma_start3A_9 = tpu.memref_slice %arg4[%add3A, %dma_start3A, %dma_start3A_8] : memref<32x80x128xi32, #tpu.memory_space<hbm>> -> memref<1x80x128xi32, #tpu.memory_space<hbm>>
      %dma_start3A_10 = tpu.memref_squeeze %dma_start3A_9 : memref<1x80x128xi32, #tpu.memory_space<hbm>> -> memref<80x128xi32, #tpu.memory_space<hbm>>
      %dma_start3A_11 = arith.constant 0 : i32
      %dma_start3A_12 = arith.constant 0 : i32
      %dma_start3A_13 = tpu.memref_slice %arg4[%add3A, %dma_start3A_11, %dma_start3A_12] : memref<32x80x128xi32, #tpu.memory_space<hbm>> -> memref<1x80x128xi32, #tpu.memory_space<hbm>>
      %dma_start3A_14 = tpu.memref_squeeze %dma_start3A_13 : memref<1x80x128xi32, #tpu.memory_space<hbm>> -> memref<80x128xi32, #tpu.memory_space<hbm>>
      tpu.enqueue_dma source(%dma_start3A_14 : memref<80x128xi32, #tpu.memory_space<hbm>>) target(%arg8 : memref<80x128xi32, #tpu.memory_space<vmem>>) target_semaphore(%run_scoped3A : memref<!tpu.dma_semaphore, #tpu.memory_space<semaphore_mem>>)
      %dma_wait3A = arith.constant 0 : i32
      %dma_wait3A_15 = arith.constant 0 : i32
      %dma_wait3A_16 = tpu.memref_slice %arg4[%add3A, %dma_wait3A, %dma_wait3A_15] : memref<32x80x128xi32, #tpu.memory_space<hbm>> -> memref<1x80x128xi32, #tpu.memory_space<hbm>>
      %dma_wait3A_17 = tpu.memref_squeeze %dma_wait3A_16 : memref<1x80x128xi32, #tpu.memory_space<hbm>> -> memref<80x128xi32, #tpu.memory_space<hbm>>
      %dma_wait3A_18 = arith.constant 0 : i32
      %dma_wait3A_19 = arith.constant 0 : i32
      %dma_wait3A_20 = tpu.memref_slice %arg4[%add3A, %dma_wait3A_18, %dma_wait3A_19] : memref<32x80x128xi32, #tpu.memory_space<hbm>> -> memref<1x80x128xi32, #tpu.memory_space<hbm>>
      %dma_wait3A_21 = tpu.memref_squeeze %dma_wait3A_20 : memref<1x80x128xi32, #tpu.memory_space<hbm>> -> memref<80x128xi32, #tpu.memory_space<hbm>>
      tpu.wait_dma2 semaphore(%run_scoped3A : memref<!tpu.dma_semaphore, #tpu.memory_space<semaphore_mem>>) src(%dma_wait3A_21 : memref<80x128xi32, #tpu.memory_space<hbm>>) dst(%arg8 : memref<80x128xi32, #tpu.memory_space<vmem>>)
      tpu.yield
    }) : () -> ()
    %barrier3A = arith.constant 0 : index
    tpu.barrier barrier_id(%barrier3A)
    %scan3A = arith.constant 0 : i32
    %scan3A_3 = arith.constant 80 : i32
    %scan3A_4 = arith.addi %scan3A, %scan3A_3 : i32
    %scan3A_5 = arith.constant 1 : i32
    scf.for %scan3A_8 = %scan3A to %scan3A_4 step %scan3A_5  : i32 {
      %mul3A_9 = arith.constant 1 : i32
      %mul3A_10 = arith.muli %scan3A_8, %mul3A_9 : i32
      %add3A_11 = arith.constant 0 : i32
      %add3A_12 = arith.addi %add3A_11, %mul3A_10 : i32
      %dma_start3A = arith.constant 0 : i32
      %dma_start3A_13 = tpu.memref_slice %arg7[%add3A_12, %dma_start3A] : memref<80x128xi32, #tpu.memory_space<vmem>> -> memref<1x128xi32, #tpu.memory_space<vmem>>
      %dma_start3A_14 = tpu.memref_squeeze %dma_start3A_13 : memref<1x128xi32, #tpu.memory_space<vmem>> -> memref<128xi32, #tpu.memory_space<vmem>>
      %dma_start3A_15 = arith.constant 0 : i32
      %dma_start3A_16 = arith.constant 0 : i32
      %dma_start3A_17 = tpu.memref_slice %arg2[%dma_start3A_15, %dma_start3A_16] : memref<10112x128xf32, #tpu.memory_space<hbm>> -> memref<10112x128xf32, #tpu.memory_space<hbm>>
      tpu.enqueue_indirect_dma source(%dma_start3A_17 : memref<10112x128xf32, #tpu.memory_space<hbm>>) target(%arg9 : memref<128x128xf32, #tpu.memory_space<vmem>>) offsets(%dma_start3A_14 : memref<128xi32, #tpu.memory_space<vmem>>) semaphore(%arg11 : memref<!tpu.dma_semaphore, #tpu.memory_space<semaphore_mem>>)
      %dma_wait3A = arith.constant 0 : i32
      %dma_wait3A_18 = tpu.memref_slice %arg7[%add3A_12, %dma_wait3A] : memref<80x128xi32, #tpu.memory_space<vmem>> -> memref<1x128xi32, #tpu.memory_space<vmem>>
      %dma_wait3A_19 = tpu.memref_squeeze %dma_wait3A_18 : memref<1x128xi32, #tpu.memory_space<vmem>> -> memref<128xi32, #tpu.memory_space<vmem>>
      %dma_wait3A_20 = arith.constant 0 : i32
      %dma_wait3A_21 = arith.constant 0 : i32
      %dma_wait3A_22 = tpu.memref_slice %arg2[%dma_wait3A_20, %dma_wait3A_21] : memref<10112x128xf32, #tpu.memory_space<hbm>> -> memref<10112x128xf32, #tpu.memory_space<hbm>>
      tpu.wait_indirect_dma semaphore(%arg11 : memref<!tpu.dma_semaphore, #tpu.memory_space<semaphore_mem>>) src(%dma_wait3A_22 : memref<10112x128xf32, #tpu.memory_space<hbm>>) dst(%arg9 : memref<128x128xf32, #tpu.memory_space<vmem>>)
      "tpu.region"() ({
        %run_scoped3A = tpu.sem_alloc : memref<!tpu.dma_semaphore, #tpu.memory_space<semaphore_mem>>
        %dma_start3A_23 = arith.constant 0 : i32
        %dma_start3A_24 = tpu.memref_slice %arg8[%add3A_12, %dma_start3A_23] : memref<80x128xi32, #tpu.memory_space<vmem>> -> memref<1x128xi32, #tpu.memory_space<vmem>>
        %dma_start3A_25 = tpu.memref_squeeze %dma_start3A_24 : memref<1x128xi32, #tpu.memory_space<vmem>> -> memref<128xi32, #tpu.memory_space<vmem>>
        %dma_start3A_26 = arith.constant 0 : i32
        %dma_start3A_27 = arith.constant 0 : i32
        %dma_start3A_28 = tpu.memref_slice %arg10[%dma_start3A_26, %dma_start3A_27] : memref<10112x128xf32, #tpu.memory_space<vmem_shared>> -> memref<10112x128xf32, #tpu.memory_space<vmem_shared>>
        tpu.enqueue_indirect_dma source(%arg9 : memref<128x128xf32, #tpu.memory_space<vmem>>) target(%dma_start3A_28 : memref<10112x128xf32, #tpu.memory_space<vmem_shared>>) offsets(%dma_start3A_25 : memref<128xi32, #tpu.memory_space<vmem>>) semaphore(%run_scoped3A : memref<!tpu.dma_semaphore, #tpu.memory_space<semaphore_mem>>) {add = true}
        %dma_wait3A_29 = arith.constant 0 : i32
        %dma_wait3A_30 = tpu.memref_slice %arg8[%add3A_12, %dma_wait3A_29] : memref<80x128xi32, #tpu.memory_space<vmem>> -> memref<1x128xi32, #tpu.memory_space<vmem>>
        %dma_wait3A_31 = tpu.memref_squeeze %dma_wait3A_30 : memref<1x128xi32, #tpu.memory_space<vmem>> -> memref<128xi32, #tpu.memory_space<vmem>>
        %dma_wait3A_32 = arith.constant 0 : i32
        %dma_wait3A_33 = arith.constant 0 : i32
        %dma_wait3A_34 = tpu.memref_slice %arg10[%dma_wait3A_32, %dma_wait3A_33] : memref<10112x128xf32, #tpu.memory_space<vmem_shared>> -> memref<10112x128xf32, #tpu.memory_space<vmem_shared>>
        tpu.wait_indirect_dma semaphore(%run_scoped3A : memref<!tpu.dma_semaphore, #tpu.memory_space<semaphore_mem>>) src(%arg9 : memref<128x128xf32, #tpu.memory_space<vmem>>) dst(%dma_wait3A_34 : memref<10112x128xf32, #tpu.memory_space<vmem_shared>>)
        tpu.yield
      }) : () -> ()
    }
    %scan3A_6 = arith.constant 80 : i32
    %barrier3A_7 = arith.constant 0 : index
    tpu.barrier barrier_id(%barrier3A_7)
    "tpu.region"() ({
      %run_scoped3A = tpu.sem_alloc : memref<!tpu.dma_semaphore, #tpu.memory_space<semaphore_mem>>
      %dma_start3A = arith.constant 0 : i32
      %dma_start3A_8 = tpu.memref_slice %arg6[%arg0, %mul3A_2, %dma_start3A] : memref<2x10112x128xf32, #tpu.memory_space<hbm>> -> memref<1x632x128xf32, #tpu.memory_space<hbm>>
      %dma_start3A_9 = tpu.memref_squeeze %dma_start3A_8 : memref<1x632x128xf32, #tpu.memory_space<hbm>> -> memref<632x128xf32, #tpu.memory_space<hbm>>
      %dma_start3A_10 = arith.constant 0 : i32
      %dma_start3A_11 = tpu.memref_slice %arg10[%mul3A_2, %dma_start3A_10] : memref<10112x128xf32, #tpu.memory_space<vmem_shared>> -> memref<632x128xf32, #tpu.memory_space<vmem_shared>>
      tpu.enqueue_dma source(%dma_start3A_11 : memref<632x128xf32, #tpu.memory_space<vmem_shared>>) target(%dma_start3A_9 : memref<632x128xf32, #tpu.memory_space<hbm>>) target_semaphore(%run_scoped3A : memref<!tpu.dma_semaphore, #tpu.memory_space<semaphore_mem>>)
      %dma_wait3A = arith.constant 0 : i32
      %dma_wait3A_12 = tpu.memref_slice %arg6[%arg0, %mul3A_2, %dma_wait3A] : memref<2x10112x128xf32, #tpu.memory_space<hbm>> -> memref<1x632x128xf32, #tpu.memory_space<hbm>>
      %dma_wait3A_13 = tpu.memref_squeeze %dma_wait3A_12 : memref<1x632x128xf32, #tpu.memory_space<hbm>> -> memref<632x128xf32, #tpu.memory_space<hbm>>
      %dma_wait3A_14 = arith.constant 0 : i32
      %dma_wait3A_15 = tpu.memref_slice %arg10[%mul3A_2, %dma_wait3A_14] : memref<10112x128xf32, #tpu.memory_space<vmem_shared>> -> memref<632x128xf32, #tpu.memory_space<vmem_shared>>
      tpu.wait_dma2 semaphore(%run_scoped3A : memref<!tpu.dma_semaphore, #tpu.memory_space<semaphore_mem>>) src(%dma_wait3A_15 : memref<632x128xf32, #tpu.memory_space<vmem_shared>>) dst(%dma_wait3A_13 : memref<632x128xf32, #tpu.memory_space<hbm>>)
      tpu.yield
    }) : () -> ()
    return
  }
}

#map = affine_map<(d0, d1) -> (0, 0)>
#map1 = affine_map<(d0, d1) -> (0, 0, 0)>
module attributes {stable_mosaic.version = 14 : i64} {
  func.func @_gcn_agg(%arg0: i32, %arg1: i32, %arg2: memref<10112x128xf32, #tpu.memory_space<hbm>>, %arg3: memref<32x80x128xi32, #tpu.memory_space<hbm>>, %arg4: memref<32x80x128xi32, #tpu.memory_space<hbm>>, %arg5: memref<10112x128xf32, #tpu.memory_space<hbm>>, %arg6: memref<2x10112x128xf32, #tpu.memory_space<hbm>>, %arg7: memref<80x128xi32, #tpu.memory_space<vmem>>, %arg8: memref<80x128xi32, #tpu.memory_space<vmem>>, %arg9: memref<128x128xf32, #tpu.memory_space<vmem>>, %arg10: memref<10112x128xf32, #tpu.memory_space<vmem_shared>>, %arg11: memref<!tpu.dma_semaphore, #tpu.memory_space<semaphore_mem>>) attributes {dimension_semantics = [#tpu.dimension_semantics<core_parallel>, #tpu.dimension_semantics<subcore_parallel>], iteration_bounds = array<i64: 2, 16>, scalar_prefetch = 0 : i64, scratch_operands = 5 : i64, tpu.core_type = #tpu.core_type<sc_vector_subcore>, window_params = [{transform_indices = #map}, {transform_indices = #map1}, {transform_indices = #map1}, {transform_indices = #map}, {transform_indices = #map1}]} {
    %mul3A = arith.constant 16 : i32
    %mul3A_0 = arith.muli %arg0, %mul3A : i32
    %add3A = arith.addi %mul3A_0, %arg1 : i32
    %mul3A_1 = arith.constant 632 : i32
    %mul3A_2 = arith.muli %arg1, %mul3A_1 : i32
    "tpu.region"() ({
      %run_scoped3A = tpu.sem_alloc : memref<!tpu.dma_semaphore, #tpu.memory_space<semaphore_mem>>
      %dma_start3A = arith.constant 0 : i32
      %dma_start3A_8 = tpu.memref_slice %arg10[%mul3A_2, %dma_start3A] : memref<10112x128xf32, #tpu.memory_space<vmem_shared>> -> memref<632x128xf32, #tpu.memory_space<vmem_shared>>
      %dma_start3A_9 = arith.constant 0 : i32
      %dma_start3A_10 = tpu.memref_slice %arg5[%mul3A_2, %dma_start3A_9] : memref<10112x128xf32, #tpu.memory_space<hbm>> -> memref<632x128xf32, #tpu.memory_space<hbm>>
      tpu.enqueue_dma source(%dma_start3A_10 : memref<632x128xf32, #tpu.memory_space<hbm>>) target(%dma_start3A_8 : memref<632x128xf32, #tpu.memory_space<vmem_shared>>) target_semaphore(%run_scoped3A : memref<!tpu.dma_semaphore, #tpu.memory_space<semaphore_mem>>)
      %dma_wait3A = arith.constant 0 : i32
      %dma_wait3A_11 = tpu.memref_slice %arg10[%mul3A_2, %dma_wait3A] : memref<10112x128xf32, #tpu.memory_space<vmem_shared>> -> memref<632x128xf32, #tpu.memory_space<vmem_shared>>
      %dma_wait3A_12 = arith.constant 0 : i32
      %dma_wait3A_13 = tpu.memref_slice %arg5[%mul3A_2, %dma_wait3A_12] : memref<10112x128xf32, #tpu.memory_space<hbm>> -> memref<632x128xf32, #tpu.memory_space<hbm>>
      tpu.wait_dma2 semaphore(%run_scoped3A : memref<!tpu.dma_semaphore, #tpu.memory_space<semaphore_mem>>) src(%dma_wait3A_13 : memref<632x128xf32, #tpu.memory_space<hbm>>) dst(%dma_wait3A_11 : memref<632x128xf32, #tpu.memory_space<vmem_shared>>)
      tpu.yield
    }) : () -> ()
    "tpu.region"() ({
      %run_scoped3A = tpu.sem_alloc : memref<!tpu.dma_semaphore, #tpu.memory_space<semaphore_mem>>
      %dma_start3A = arith.constant 0 : i32
      %dma_start3A_8 = arith.constant 0 : i32
      %dma_start3A_9 = tpu.memref_slice %arg3[%add3A, %dma_start3A, %dma_start3A_8] : memref<32x80x128xi32, #tpu.memory_space<hbm>> -> memref<1x80x128xi32, #tpu.memory_space<hbm>>
      %dma_start3A_10 = tpu.memref_squeeze %dma_start3A_9 : memref<1x80x128xi32, #tpu.memory_space<hbm>> -> memref<80x128xi32, #tpu.memory_space<hbm>>
      %dma_start3A_11 = arith.constant 0 : i32
      %dma_start3A_12 = arith.constant 0 : i32
      %dma_start3A_13 = tpu.memref_slice %arg3[%add3A, %dma_start3A_11, %dma_start3A_12] : memref<32x80x128xi32, #tpu.memory_space<hbm>> -> memref<1x80x128xi32, #tpu.memory_space<hbm>>
      %dma_start3A_14 = tpu.memref_squeeze %dma_start3A_13 : memref<1x80x128xi32, #tpu.memory_space<hbm>> -> memref<80x128xi32, #tpu.memory_space<hbm>>
      tpu.enqueue_dma source(%dma_start3A_14 : memref<80x128xi32, #tpu.memory_space<hbm>>) target(%arg7 : memref<80x128xi32, #tpu.memory_space<vmem>>) target_semaphore(%run_scoped3A : memref<!tpu.dma_semaphore, #tpu.memory_space<semaphore_mem>>)
      %dma_wait3A = arith.constant 0 : i32
      %dma_wait3A_15 = arith.constant 0 : i32
      %dma_wait3A_16 = tpu.memref_slice %arg3[%add3A, %dma_wait3A, %dma_wait3A_15] : memref<32x80x128xi32, #tpu.memory_space<hbm>> -> memref<1x80x128xi32, #tpu.memory_space<hbm>>
      %dma_wait3A_17 = tpu.memref_squeeze %dma_wait3A_16 : memref<1x80x128xi32, #tpu.memory_space<hbm>> -> memref<80x128xi32, #tpu.memory_space<hbm>>
      %dma_wait3A_18 = arith.constant 0 : i32
      %dma_wait3A_19 = arith.constant 0 : i32
      %dma_wait3A_20 = tpu.memref_slice %arg3[%add3A, %dma_wait3A_18, %dma_wait3A_19] : memref<32x80x128xi32, #tpu.memory_space<hbm>> -> memref<1x80x128xi32, #tpu.memory_space<hbm>>
      %dma_wait3A_21 = tpu.memref_squeeze %dma_wait3A_20 : memref<1x80x128xi32, #tpu.memory_space<hbm>> -> memref<80x128xi32, #tpu.memory_space<hbm>>
      tpu.wait_dma2 semaphore(%run_scoped3A : memref<!tpu.dma_semaphore, #tpu.memory_space<semaphore_mem>>) src(%dma_wait3A_21 : memref<80x128xi32, #tpu.memory_space<hbm>>) dst(%arg7 : memref<80x128xi32, #tpu.memory_space<vmem>>)
      tpu.yield
    }) : () -> ()
    "tpu.region"() ({
      %run_scoped3A = tpu.sem_alloc : memref<!tpu.dma_semaphore, #tpu.memory_space<semaphore_mem>>
      %dma_start3A = arith.constant 0 : i32
      %dma_start3A_8 = arith.constant 0 : i32
      %dma_start3A_9 = tpu.memref_slice %arg4[%add3A, %dma_start3A, %dma_start3A_8] : memref<32x80x128xi32, #tpu.memory_space<hbm>> -> memref<1x80x128xi32, #tpu.memory_space<hbm>>
      %dma_start3A_10 = tpu.memref_squeeze %dma_start3A_9 : memref<1x80x128xi32, #tpu.memory_space<hbm>> -> memref<80x128xi32, #tpu.memory_space<hbm>>
      %dma_start3A_11 = arith.constant 0 : i32
      %dma_start3A_12 = arith.constant 0 : i32
      %dma_start3A_13 = tpu.memref_slice %arg4[%add3A, %dma_start3A_11, %dma_start3A_12] : memref<32x80x128xi32, #tpu.memory_space<hbm>> -> memref<1x80x128xi32, #tpu.memory_space<hbm>>
      %dma_start3A_14 = tpu.memref_squeeze %dma_start3A_13 : memref<1x80x128xi32, #tpu.memory_space<hbm>> -> memref<80x128xi32, #tpu.memory_space<hbm>>
      tpu.enqueue_dma source(%dma_start3A_14 : memref<80x128xi32, #tpu.memory_space<hbm>>) target(%arg8 : memref<80x128xi32, #tpu.memory_space<vmem>>) target_semaphore(%run_scoped3A : memref<!tpu.dma_semaphore, #tpu.memory_space<semaphore_mem>>)
      %dma_wait3A = arith.constant 0 : i32
      %dma_wait3A_15 = arith.constant 0 : i32
      %dma_wait3A_16 = tpu.memref_slice %arg4[%add3A, %dma_wait3A, %dma_wait3A_15] : memref<32x80x128xi32, #tpu.memory_space<hbm>> -> memref<1x80x128xi32, #tpu.memory_space<hbm>>
      %dma_wait3A_17 = tpu.memref_squeeze %dma_wait3A_16 : memref<1x80x128xi32, #tpu.memory_space<hbm>> -> memref<80x128xi32, #tpu.memory_space<hbm>>
      %dma_wait3A_18 = arith.constant 0 : i32
      %dma_wait3A_19 = arith.constant 0 : i32
      %dma_wait3A_20 = tpu.memref_slice %arg4[%add3A, %dma_wait3A_18, %dma_wait3A_19] : memref<32x80x128xi32, #tpu.memory_space<hbm>> -> memref<1x80x128xi32, #tpu.memory_space<hbm>>
      %dma_wait3A_21 = tpu.memref_squeeze %dma_wait3A_20 : memref<1x80x128xi32, #tpu.memory_space<hbm>> -> memref<80x128xi32, #tpu.memory_space<hbm>>
      tpu.wait_dma2 semaphore(%run_scoped3A : memref<!tpu.dma_semaphore, #tpu.memory_space<semaphore_mem>>) src(%dma_wait3A_21 : memref<80x128xi32, #tpu.memory_space<hbm>>) dst(%arg8 : memref<80x128xi32, #tpu.memory_space<vmem>>)
      tpu.yield
    }) : () -> ()
    %barrier3A = arith.constant 0 : index
    tpu.barrier barrier_id(%barrier3A)
    %scan3A = arith.constant 0 : i32
    %scan3A_3 = arith.constant 80 : i32
    %scan3A_4 = arith.addi %scan3A, %scan3A_3 : i32
    %scan3A_5 = arith.constant 1 : i32
    scf.for %scan3A_8 = %scan3A to %scan3A_4 step %scan3A_5  : i32 {
      %mul3A_9 = arith.constant 1 : i32
      %mul3A_10 = arith.muli %scan3A_8, %mul3A_9 : i32
      %add3A_11 = arith.constant 0 : i32
      %add3A_12 = arith.addi %add3A_11, %mul3A_10 : i32
      %dma_start3A = arith.constant 0 : i32
      %dma_start3A_13 = tpu.memref_slice %arg7[%add3A_12, %dma_start3A] : memref<80x128xi32, #tpu.memory_space<vmem>> -> memref<1x128xi32, #tpu.memory_space<vmem>>
      %dma_start3A_14 = tpu.memref_squeeze %dma_start3A_13 : memref<1x128xi32, #tpu.memory_space<vmem>> -> memref<128xi32, #tpu.memory_space<vmem>>
      %dma_start3A_15 = arith.constant 0 : i32
      %dma_start3A_16 = arith.constant 0 : i32
      %dma_start3A_17 = tpu.memref_slice %arg2[%dma_start3A_15, %dma_start3A_16] : memref<10112x128xf32, #tpu.memory_space<hbm>> -> memref<10112x128xf32, #tpu.memory_space<hbm>>
      tpu.enqueue_indirect_dma source(%dma_start3A_17 : memref<10112x128xf32, #tpu.memory_space<hbm>>) target(%arg9 : memref<128x128xf32, #tpu.memory_space<vmem>>) offsets(%dma_start3A_14 : memref<128xi32, #tpu.memory_space<vmem>>) semaphore(%arg11 : memref<!tpu.dma_semaphore, #tpu.memory_space<semaphore_mem>>)
      %dma_wait3A = arith.constant 0 : i32
      %dma_wait3A_18 = tpu.memref_slice %arg7[%add3A_12, %dma_wait3A] : memref<80x128xi32, #tpu.memory_space<vmem>> -> memref<1x128xi32, #tpu.memory_space<vmem>>
      %dma_wait3A_19 = tpu.memref_squeeze %dma_wait3A_18 : memref<1x128xi32, #tpu.memory_space<vmem>> -> memref<128xi32, #tpu.memory_space<vmem>>
      %dma_wait3A_20 = arith.constant 0 : i32
      %dma_wait3A_21 = arith.constant 0 : i32
      %dma_wait3A_22 = tpu.memref_slice %arg2[%dma_wait3A_20, %dma_wait3A_21] : memref<10112x128xf32, #tpu.memory_space<hbm>> -> memref<10112x128xf32, #tpu.memory_space<hbm>>
      tpu.wait_indirect_dma semaphore(%arg11 : memref<!tpu.dma_semaphore, #tpu.memory_space<semaphore_mem>>) src(%dma_wait3A_22 : memref<10112x128xf32, #tpu.memory_space<hbm>>) dst(%arg9 : memref<128x128xf32, #tpu.memory_space<vmem>>)
      "tpu.region"() ({
        %run_scoped3A = tpu.sem_alloc : memref<!tpu.dma_semaphore, #tpu.memory_space<semaphore_mem>>
        %dma_start3A_23 = arith.constant 0 : i32
        %dma_start3A_24 = tpu.memref_slice %arg8[%add3A_12, %dma_start3A_23] : memref<80x128xi32, #tpu.memory_space<vmem>> -> memref<1x128xi32, #tpu.memory_space<vmem>>
        %dma_start3A_25 = tpu.memref_squeeze %dma_start3A_24 : memref<1x128xi32, #tpu.memory_space<vmem>> -> memref<128xi32, #tpu.memory_space<vmem>>
        %dma_start3A_26 = arith.constant 0 : i32
        %dma_start3A_27 = arith.constant 0 : i32
        %dma_start3A_28 = tpu.memref_slice %arg10[%dma_start3A_26, %dma_start3A_27] : memref<10112x128xf32, #tpu.memory_space<vmem_shared>> -> memref<10112x128xf32, #tpu.memory_space<vmem_shared>>
        tpu.enqueue_indirect_dma source(%arg9 : memref<128x128xf32, #tpu.memory_space<vmem>>) target(%dma_start3A_28 : memref<10112x128xf32, #tpu.memory_space<vmem_shared>>) offsets(%dma_start3A_25 : memref<128xi32, #tpu.memory_space<vmem>>) semaphore(%run_scoped3A : memref<!tpu.dma_semaphore, #tpu.memory_space<semaphore_mem>>) {add = true}
        %dma_wait3A_29 = arith.constant 0 : i32
        %dma_wait3A_30 = tpu.memref_slice %arg8[%add3A_12, %dma_wait3A_29] : memref<80x128xi32, #tpu.memory_space<vmem>> -> memref<1x128xi32, #tpu.memory_space<vmem>>
        %dma_wait3A_31 = tpu.memref_squeeze %dma_wait3A_30 : memref<1x128xi32, #tpu.memory_space<vmem>> -> memref<128xi32, #tpu.memory_space<vmem>>
        %dma_wait3A_32 = arith.constant 0 : i32
        %dma_wait3A_33 = arith.constant 0 : i32
        %dma_wait3A_34 = tpu.memref_slice %arg10[%dma_wait3A_32, %dma_wait3A_33] : memref<10112x128xf32, #tpu.memory_space<vmem_shared>> -> memref<10112x128xf32, #tpu.memory_space<vmem_shared>>
        tpu.wait_indirect_dma semaphore(%run_scoped3A : memref<!tpu.dma_semaphore, #tpu.memory_space<semaphore_mem>>) src(%arg9 : memref<128x128xf32, #tpu.memory_space<vmem>>) dst(%dma_wait3A_34 : memref<10112x128xf32, #tpu.memory_space<vmem_shared>>)
        tpu.yield
      }) : () -> ()
    }
    %scan3A_6 = arith.constant 80 : i32
    %barrier3A_7 = arith.constant 0 : index
    tpu.barrier barrier_id(%barrier3A_7)
    "tpu.region"() ({
      %run_scoped3A = tpu.sem_alloc : memref<!tpu.dma_semaphore, #tpu.memory_space<semaphore_mem>>
      %dma_start3A = arith.constant 0 : i32
      %dma_start3A_8 = tpu.memref_slice %arg6[%arg0, %mul3A_2, %dma_start3A] : memref<2x10112x128xf32, #tpu.memory_space<hbm>> -> memref<1x632x128xf32, #tpu.memory_space<hbm>>
      %dma_start3A_9 = tpu.memref_squeeze %dma_start3A_8 : memref<1x632x128xf32, #tpu.memory_space<hbm>> -> memref<632x128xf32, #tpu.memory_space<hbm>>
      %dma_start3A_10 = arith.constant 0 : i32
      %dma_start3A_11 = tpu.memref_slice %arg10[%mul3A_2, %dma_start3A_10] : memref<10112x128xf32, #tpu.memory_space<vmem_shared>> -> memref<632x128xf32, #tpu.memory_space<vmem_shared>>
      tpu.enqueue_dma source(%dma_start3A_11 : memref<632x128xf32, #tpu.memory_space<vmem_shared>>) target(%dma_start3A_9 : memref<632x128xf32, #tpu.memory_space<hbm>>) target_semaphore(%run_scoped3A : memref<!tpu.dma_semaphore, #tpu.memory_space<semaphore_mem>>)
      %dma_wait3A = arith.constant 0 : i32
      %dma_wait3A_12 = tpu.memref_slice %arg6[%arg0, %mul3A_2, %dma_wait3A] : memref<2x10112x128xf32, #tpu.memory_space<hbm>> -> memref<1x632x128xf32, #tpu.memory_space<hbm>>
      %dma_wait3A_13 = tpu.memref_squeeze %dma_wait3A_12 : memref<1x632x128xf32, #tpu.memory_space<hbm>> -> memref<632x128xf32, #tpu.memory_space<hbm>>
      %dma_wait3A_14 = arith.constant 0 : i32
      %dma_wait3A_15 = tpu.memref_slice %arg10[%mul3A_2, %dma_wait3A_14] : memref<10112x128xf32, #tpu.memory_space<vmem_shared>> -> memref<632x128xf32, #tpu.memory_space<vmem_shared>>
      tpu.wait_dma2 semaphore(%run_scoped3A : memref<!tpu.dma_semaphore, #tpu.memory_space<semaphore_mem>>) src(%dma_wait3A_15 : memref<632x128xf32, #tpu.memory_space<vmem_shared>>) dst(%dma_wait3A_13 : memref<632x128xf32, #tpu.memory_space<hbm>>)
      tpu.yield
    }) : () -> ()
    return
  }
}

module attributes {stable_mosaic.version = 14 : i64} {
  func.func @_edge_mlp_body(%arg0: i32, %arg1: memref<2048x4xf32, #tpu.memory_space<vmem>>, %arg2: memref<4x64xf32, #tpu.memory_space<vmem>>, %arg3: memref<1x64xf32, #tpu.memory_space<vmem>>, %arg4: memref<64x64xf32, #tpu.memory_space<vmem>>, %arg5: memref<1x64xf32, #tpu.memory_space<vmem>>, %arg6: memref<2048x128xf32, #tpu.memory_space<vmem>>) attributes {dimension_semantics = [#tpu.dimension_semantics<arbitrary>], iteration_bounds = array<i64: 160>, scalar_prefetch = 0 : i64, scratch_operands = 0 : i64, tpu.core_type = #tpu.core_type<tc>, window_params = [{transform_indices = @transform_0, window_bounds = array<i64: 2048, 4>}, {pipeline_mode = #tpu.pipeline_mode<synchronous>, transform_indices = @transform_1, window_bounds = array<i64: 4, 64>}, {pipeline_mode = #tpu.pipeline_mode<synchronous>, transform_indices = @transform_2, window_bounds = array<i64: 1, 64>}, {pipeline_mode = #tpu.pipeline_mode<synchronous>, transform_indices = @transform_3, window_bounds = array<i64: 64, 64>}, {pipeline_mode = #tpu.pipeline_mode<synchronous>, transform_indices = @transform_4, window_bounds = array<i64: 1, 64>}, {transform_indices = @transform_5, window_bounds = array<i64: 2048, 128>}]} {
    %get3A = arith.constant 0 : index
    %get3A_0 = arith.constant 0 : index
    %get3A_1 = vector.load %arg1[%get3A, %get3A_0] : memref<2048x4xf32, #tpu.memory_space<vmem>>, vector<2048x4xf32>
    %get3A_2 = arith.constant 0 : index
    %get3A_3 = arith.constant 0 : index
    %get3A_4 = vector.load %arg2[%get3A_2, %get3A_3] : memref<4x64xf32, #tpu.memory_space<vmem>>, vector<4x64xf32>
    %dot_general3A = arith.constant dense<0.000000e+00> : vector<2048x64xf32>
    %dot_general3A_5 = tpu.matmul %get3A_1, %get3A_4, %dot_general3A {dimension_numbers = #tpu.dot_dimension_numbers<[1], [0], [0], [1], [0, 0, 1, 1], [], []>, transpose_lhs_hint = false} : vector<2048x4xf32>, vector<4x64xf32>, vector<2048x64xf32> -> vector<2048x64xf32>
    %get3A_6 = arith.constant 0 : index
    %get3A_7 = arith.constant 0 : index
    %get3A_8 = vector.load %arg3[%get3A_6, %get3A_7] : memref<1x64xf32, #tpu.memory_space<vmem>>, vector<1x64xf32>
    %add3A = vector.broadcast %get3A_8 : vector<1x64xf32> to vector<2048x64xf32>
    %add3A_9 = arith.addf %dot_general3A_5, %add3A : vector<2048x64xf32>
    %max3A = arith.constant 0.000000e+00 : f32
    %max3A_10 = vector.broadcast %max3A : f32 to vector<2048x64xf32>
    %max3A_11 = arith.maximumf %add3A_9, %max3A_10 : vector<2048x64xf32>
    %get3A_12 = arith.constant 0 : index
    %get3A_13 = arith.constant 0 : index
    %get3A_14 = vector.load %arg4[%get3A_12, %get3A_13] : memref<64x64xf32, #tpu.memory_space<vmem>>, vector<64x64xf32>
    %dot_general3A_15 = arith.constant dense<0.000000e+00> : vector<2048x64xf32>
    %dot_general3A_16 = tpu.matmul %max3A_11, %get3A_14, %dot_general3A_15 {dimension_numbers = #tpu.dot_dimension_numbers<[1], [0], [0], [1], [0, 0, 1, 1], [], []>, transpose_lhs_hint = false} : vector<2048x64xf32>, vector<64x64xf32>, vector<2048x64xf32> -> vector<2048x64xf32>
    %get3A_17 = arith.constant 0 : index
    %get3A_18 = arith.constant 0 : index
    %get3A_19 = vector.load %arg5[%get3A_17, %get3A_18] : memref<1x64xf32, #tpu.memory_space<vmem>>, vector<1x64xf32>
    %add3A_20 = vector.broadcast %get3A_19 : vector<1x64xf32> to vector<2048x64xf32>
    %add3A_21 = arith.addf %dot_general3A_16, %add3A_20 : vector<2048x64xf32>
    %broadcast_in_dim3A = arith.constant 0.000000e+00 : f32
    %broadcast_in_dim3A_22 = vector.broadcast %broadcast_in_dim3A : f32 to vector<2048x64xf32>
    %concatenate3A = tpu.concatenate %add3A_21, %broadcast_in_dim3A_22 in 1 : vector<2048x64xf32>, vector<2048x64xf32> -> vector<2048x128xf32>
    %swap3A = arith.constant 0 : index
    %swap3A_23 = arith.constant 0 : index
    %swap3A_24 = vector.load %arg6[%swap3A, %swap3A_23] : memref<2048x128xf32, #tpu.memory_space<vmem>>, vector<2048x128xf32>
    tpu.vector_store %arg6[%swap3A, %swap3A_23], %concatenate3A {strides = array<i32>} : memref<2048x128xf32, #tpu.memory_space<vmem>>, vector<2048x128xf32>,
    return
  }
  func.func @transform_0(%arg0: i32) -> (i32, i32) {
    %c0_i32 = arith.constant 0 : i32
    %c0_i32_0 = arith.constant 0 : i32
    return %arg0, %c0_i32 : i32, i32
  }
  func.func @transform_1(%arg0: i32) -> (i32, i32) {
    %c0_i32 = arith.constant 0 : i32
    %c0_i32_0 = arith.constant 0 : i32
    %c0_i32_1 = arith.constant 0 : i32
    return %c0_i32, %c0_i32_0 : i32, i32
  }
  func.func @transform_2(%arg0: i32) -> (i32, i32) {
    %c0_i32 = arith.constant 0 : i32
    %c0_i32_0 = arith.constant 0 : i32
    %c0_i32_1 = arith.constant 0 : i32
    return %c0_i32, %c0_i32_0 : i32, i32
  }
  func.func @transform_3(%arg0: i32) -> (i32, i32) {
    %c0_i32 = arith.constant 0 : i32
    %c0_i32_0 = arith.constant 0 : i32
    %c0_i32_1 = arith.constant 0 : i32
    return %c0_i32, %c0_i32_0 : i32, i32
  }
  func.func @transform_4(%arg0: i32) -> (i32, i32) {
    %c0_i32 = arith.constant 0 : i32
    %c0_i32_0 = arith.constant 0 : i32
    %c0_i32_1 = arith.constant 0 : i32
    return %c0_i32, %c0_i32_0 : i32, i32
  }
  func.func @transform_5(%arg0: i32) -> (i32, i32) {
    %c0_i32 = arith.constant 0 : i32
    %c0_i32_0 = arith.constant 0 : i32
    return %arg0, %c0_i32 : i32, i32
  }
}

module attributes {stable_mosaic.version = 14 : i64} {
  func.func @_layer0_body(%arg0: i32, %arg1: memref<1264x128xf32, #tpu.memory_space<vmem>>, %arg2: memref<2x1264x128xf32, #tpu.memory_space<vmem>>, %arg3: memref<2x1264x128xf32, #tpu.memory_space<vmem>>, %arg4: memref<2x1264x128xf32, #tpu.memory_space<vmem>>, %arg5: memref<128x64xf32, #tpu.memory_space<vmem>>, %arg6: memref<1x64xf32, #tpu.memory_space<vmem>>, %arg7: memref<1264x128xf32, #tpu.memory_space<vmem>>, %arg8: memref<1264x64xf32, #tpu.memory_space<vmem>>, %arg9: memref<1264x1xf32, #tpu.memory_space<vmem>>) attributes {dimension_semantics = [#tpu.dimension_semantics<arbitrary>], iteration_bounds = array<i64: 8>, scalar_prefetch = 0 : i64, scratch_operands = 0 : i64, tpu.core_type = #tpu.core_type<tc>, window_params = [{transform_indices = @transform_0, window_bounds = array<i64: 1264, 128>}, {transform_indices = @transform_1, window_bounds = array<i64: 2, 1264, 128>}, {transform_indices = @transform_2, window_bounds = array<i64: 2, 1264, 128>}, {transform_indices = @transform_3, window_bounds = array<i64: 2, 1264, 128>}, {pipeline_mode = #tpu.pipeline_mode<synchronous>, transform_indices = @transform_4, window_bounds = array<i64: 128, 64>}, {pipeline_mode = #tpu.pipeline_mode<synchronous>, transform_indices = @transform_5, window_bounds = array<i64: 1, 64>}, {transform_indices = @transform_6, window_bounds = array<i64: 1264, 128>}, {transform_indices = @transform_7, window_bounds = array<i64: 1264, 64>}, {transform_indices = @transform_8, window_bounds = array<i64: 1264, 1>}]} {
    %get3A = arith.constant 0 : index
    %get3A_0 = arith.constant 0 : index
    %get3A_1 = arith.constant 0 : index
    %get3A_2 = vector.load %arg3[%get3A, %get3A_0, %get3A_1] : memref<2x1264x128xf32, #tpu.memory_space<vmem>>, vector<1x1264x128xf32>
    %get3A_3 = vector.shape_cast %get3A_2 : vector<1x1264x128xf32> to vector<1264x128xf32>
    %get3A_4 = arith.constant 1 : index
    %get3A_5 = arith.constant 0 : index
    %get3A_6 = arith.constant 0 : index
    %get3A_7 = vector.load %arg3[%get3A_4, %get3A_5, %get3A_6] : memref<2x1264x128xf32, #tpu.memory_space<vmem>>, vector<1x1264x128xf32>
    %get3A_8 = vector.shape_cast %get3A_7 : vector<1x1264x128xf32> to vector<1264x128xf32>
    %add3A = arith.addf %get3A_3, %get3A_8 : vector<1264x128xf32>
    %get3A_9 = arith.constant 0 : index
    %get3A_10 = arith.constant 0 : index
    %get3A_11 = arith.constant 0 : index
    %get3A_12 = vector.load %arg4[%get3A_9, %get3A_10, %get3A_11] : memref<2x1264x128xf32, #tpu.memory_space<vmem>>, vector<1x1264x128xf32>
    %get3A_13 = vector.shape_cast %get3A_12 : vector<1x1264x128xf32> to vector<1264x128xf32>
    %get3A_14 = arith.constant 1 : index
    %get3A_15 = arith.constant 0 : index
    %get3A_16 = arith.constant 0 : index
    %get3A_17 = vector.load %arg4[%get3A_14, %get3A_15, %get3A_16] : memref<2x1264x128xf32, #tpu.memory_space<vmem>>, vector<1x1264x128xf32>
    %get3A_18 = vector.shape_cast %get3A_17 : vector<1x1264x128xf32> to vector<1264x128xf32>
    %add3A_19 = arith.addf %get3A_13, %get3A_18 : vector<1264x128xf32>
    %slice3A = vector.extract_strided_slice %add3A {offsets = [0, 0], sizes = [1264, 1], strides = [1, 1]} : vector<1264x128xf32> to vector<1264x1xf32>
    %slice3A_20 = vector.extract_strided_slice %add3A_19 {offsets = [0, 0], sizes = [1264, 1], strides = [1, 1]} : vector<1264x128xf32> to vector<1264x1xf32>
    %add3A_21 = arith.addf %slice3A, %slice3A_20 : vector<1264x1xf32>
    %max3A = arith.constant 1.000000e+00 : f32
    %max3A_22 = vector.broadcast %max3A : f32 to vector<1264x1xf32>
    %max3A_23 = arith.maximumf %add3A_21, %max3A_22 : vector<1264x1xf32>
    %slice3A_24 = vector.extract_strided_slice %add3A_19 {offsets = [0, 0], sizes = [1264, 1], strides = [1, 1]} : vector<1264x128xf32> to vector<1264x1xf32>
    %add3A_25 = arith.constant 1.000000e+00 : f32
    %add3A_26 = vector.broadcast %add3A_25 : f32 to vector<1264x1xf32>
    %add3A_27 = arith.addf %slice3A_24, %add3A_26 : vector<1264x1xf32>
    %rsqrt3A = math.rsqrt %add3A_27 : vector<1264x1xf32>
    %get3A_28 = arith.constant 0 : index
    %get3A_29 = arith.constant 0 : index
    %get3A_30 = arith.constant 0 : index
    %get3A_31 = vector.load %arg2[%get3A_28, %get3A_29, %get3A_30] : memref<2x1264x128xf32, #tpu.memory_space<vmem>>, vector<1x1264x64xf32>
    %get3A_32 = vector.shape_cast %get3A_31 : vector<1x1264x64xf32> to vector<1264x64xf32>
    %get3A_33 = arith.constant 1 : index
    %get3A_34 = arith.constant 0 : index
    %get3A_35 = arith.constant 0 : index
    %get3A_36 = vector.load %arg2[%get3A_33, %get3A_34, %get3A_35] : memref<2x1264x128xf32, #tpu.memory_space<vmem>>, vector<1x1264x64xf32>
    %get3A_37 = vector.shape_cast %get3A_36 : vector<1x1264x64xf32> to vector<1264x64xf32>
    %add3A_38 = arith.addf %get3A_32, %get3A_37 : vector<1264x64xf32>
    %div3A = arith.constant 5.000000e-01 : f32
    %div3A_39 = vector.broadcast %div3A : f32 to vector<1264x1xf32>
    %div3A_40 = arith.divf %div3A_39, %max3A_23 : vector<1264x1xf32>
    %mul3A = vector.broadcast %div3A_40 : vector<1264x1xf32> to vector<1264x64xf32>
    %mul3A_41 = arith.mulf %add3A_38, %mul3A : vector<1264x64xf32>
    %get3A_42 = arith.constant 0 : index
    %get3A_43 = arith.constant 0 : index
    %get3A_44 = vector.load %arg1[%get3A_42, %get3A_43] : memref<1264x128xf32, #tpu.memory_space<vmem>>, vector<1264x128xf32>
    %get3A_45 = arith.constant 0 : index
    %get3A_46 = arith.constant 0 : index
    %get3A_47 = vector.load %arg5[%get3A_45, %get3A_46] : memref<128x64xf32, #tpu.memory_space<vmem>>, vector<128x64xf32>
    %dot_general3A = arith.constant dense<0.000000e+00> : vector<1264x64xf32>
    %dot_general3A_48 = tpu.matmul %get3A_44, %get3A_47, %dot_general3A {dimension_numbers = #tpu.dot_dimension_numbers<[1], [0], [0], [1], [0, 0, 1, 1], [], []>, transpose_lhs_hint = false} : vector<1264x128xf32>, vector<128x64xf32>, vector<1264x64xf32> -> vector<1264x64xf32>
    %get3A_49 = arith.constant 0 : index
    %get3A_50 = arith.constant 0 : index
    %get3A_51 = vector.load %arg5[%get3A_49, %get3A_50] : memref<128x64xf32, #tpu.memory_space<vmem>>, vector<64x64xf32>
    %dot_general3A_52 = arith.constant dense<0.000000e+00> : vector<1264x64xf32>
    %dot_general3A_53 = tpu.matmul %mul3A_41, %get3A_51, %dot_general3A_52 {dimension_numbers = #tpu.dot_dimension_numbers<[1], [0], [0], [1], [0, 0, 1, 1], [], []>, transpose_lhs_hint = false} : vector<1264x64xf32>, vector<64x64xf32>, vector<1264x64xf32> -> vector<1264x64xf32>
    %add3A_54 = arith.addf %dot_general3A_48, %dot_general3A_53 : vector<1264x64xf32>
    %mul3A_55 = vector.broadcast %rsqrt3A : vector<1264x1xf32> to vector<1264x64xf32>
    %mul3A_56 = arith.mulf %mul3A_55, %add3A_54 : vector<1264x64xf32>
    %broadcast_in_dim3A = arith.constant 0.000000e+00 : f32
    %broadcast_in_dim3A_57 = vector.broadcast %broadcast_in_dim3A : f32 to vector<1264x64xf32>
    %concatenate3A = tpu.concatenate %mul3A_56, %broadcast_in_dim3A_57 in 1 : vector<1264x64xf32>, vector<1264x64xf32> -> vector<1264x128xf32>
    %swap3A = arith.constant 0 : index
    %swap3A_58 = arith.constant 0 : index
    %swap3A_59 = vector.load %arg7[%swap3A, %swap3A_58] : memref<1264x128xf32, #tpu.memory_space<vmem>>, vector<1264x128xf32>
    tpu.vector_store %arg7[%swap3A, %swap3A_58], %concatenate3A {strides = array<i32>} : memref<1264x128xf32, #tpu.memory_space<vmem>>, vector<1264x128xf32>,
    %mul3A_60 = arith.mulf %rsqrt3A, %rsqrt3A : vector<1264x1xf32>
    %mul3A_61 = vector.broadcast %mul3A_60 : vector<1264x1xf32> to vector<1264x64xf32>
    %mul3A_62 = arith.mulf %mul3A_61, %add3A_54 : vector<1264x64xf32>
    %get3A_63 = arith.constant 0 : index
    %get3A_64 = arith.constant 0 : index
    %get3A_65 = vector.load %arg6[%get3A_63, %get3A_64] : memref<1x64xf32, #tpu.memory_space<vmem>>, vector<1x64xf32>
    %add3A_66 = vector.broadcast %get3A_65 : vector<1x64xf32> to vector<1264x64xf32>
    %add3A_67 = arith.addf %mul3A_62, %add3A_66 : vector<1264x64xf32>
    %swap3A_68 = arith.constant 0 : index
    %swap3A_69 = arith.constant 0 : index
    %swap3A_70 = vector.load %arg8[%swap3A_68, %swap3A_69] : memref<1264x64xf32, #tpu.memory_space<vmem>>, vector<1264x64xf32>
    tpu.vector_store %arg8[%swap3A_68, %swap3A_69], %add3A_67 {strides = array<i32>} : memref<1264x64xf32, #tpu.memory_space<vmem>>, vector<1264x64xf32>,
    %swap3A_71 = arith.constant 0 : index
    %swap3A_72 = arith.constant 0 : index
    %swap3A_73 = vector.load %arg9[%swap3A_71, %swap3A_72] : memref<1264x1xf32, #tpu.memory_space<vmem>>, vector<1264x1xf32>
    tpu.vector_store %arg9[%swap3A_71, %swap3A_72], %rsqrt3A {strides = array<i32>} : memref<1264x1xf32, #tpu.memory_space<vmem>>, vector<1264x1xf32>,
    return
  }
  func.func @transform_0(%arg0: i32) -> (i32, i32) {
    %c0_i32 = arith.constant 0 : i32
    %c0_i32_0 = arith.constant 0 : i32
    return %arg0, %c0_i32 : i32, i32
  }
  func.func @transform_1(%arg0: i32) -> (i32, i32, i32) {
    %c0_i32 = arith.constant 0 : i32
    %c0_i32_0 = arith.constant 0 : i32
    %c0_i32_1 = arith.constant 0 : i32
    return %c0_i32, %arg0, %c0_i32_0 : i32, i32, i32
  }
  func.func @transform_2(%arg0: i32) -> (i32, i32, i32) {
    %c0_i32 = arith.constant 0 : i32
    %c0_i32_0 = arith.constant 0 : i32
    %c0_i32_1 = arith.constant 0 : i32
    return %c0_i32, %arg0, %c0_i32_0 : i32, i32, i32
  }
  func.func @transform_3(%arg0: i32) -> (i32, i32, i32) {
    %c0_i32 = arith.constant 0 : i32
    %c0_i32_0 = arith.constant 0 : i32
    %c0_i32_1 = arith.constant 0 : i32
    return %c0_i32, %arg0, %c0_i32_0 : i32, i32, i32
  }
  func.func @transform_4(%arg0: i32) -> (i32, i32) {
    %c0_i32 = arith.constant 0 : i32
    %c0_i32_0 = arith.constant 0 : i32
    %c0_i32_1 = arith.constant 0 : i32
    return %c0_i32, %c0_i32_0 : i32, i32
  }
  func.func @transform_5(%arg0: i32) -> (i32, i32) {
    %c0_i32 = arith.constant 0 : i32
    %c0_i32_0 = arith.constant 0 : i32
    %c0_i32_1 = arith.constant 0 : i32
    return %c0_i32, %c0_i32_0 : i32, i32
  }
  func.func @transform_6(%arg0: i32) -> (i32, i32) {
    %c0_i32 = arith.constant 0 : i32
    %c0_i32_0 = arith.constant 0 : i32
    return %arg0, %c0_i32 : i32, i32
  }
  func.func @transform_7(%arg0: i32) -> (i32, i32) {
    %c0_i32 = arith.constant 0 : i32
    %c0_i32_0 = arith.constant 0 : i32
    return %arg0, %c0_i32 : i32, i32
  }
  func.func @transform_8(%arg0: i32) -> (i32, i32) {
    %c0_i32 = arith.constant 0 : i32
    %c0_i32_0 = arith.constant 0 : i32
    return %arg0, %c0_i32 : i32, i32
  }
}

module attributes {stable_mosaic.version = 14 : i64} {
  func.func @_layer_body(%arg0: i32, %arg1: memref<2x1264x128xf32, #tpu.memory_space<vmem>>, %arg2: memref<1264x64xf32, #tpu.memory_space<vmem>>, %arg3: memref<1264x1xf32, #tpu.memory_space<vmem>>, %arg4: memref<64x64xf32, #tpu.memory_space<vmem>>, %arg5: memref<1x64xf32, #tpu.memory_space<vmem>>, %arg6: memref<1264x128xf32, #tpu.memory_space<vmem>>, %arg7: memref<1264x64xf32, #tpu.memory_space<vmem>>) attributes {dimension_semantics = [#tpu.dimension_semantics<arbitrary>], iteration_bounds = array<i64: 8>, scalar_prefetch = 0 : i64, scratch_operands = 0 : i64, tpu.core_type = #tpu.core_type<tc>, window_params = [{transform_indices = @transform_0, window_bounds = array<i64: 2, 1264, 128>}, {transform_indices = @transform_1, window_bounds = array<i64: 1264, 64>}, {transform_indices = @transform_2, window_bounds = array<i64: 1264, 1>}, {pipeline_mode = #tpu.pipeline_mode<synchronous>, transform_indices = @transform_3, window_bounds = array<i64: 64, 64>}, {pipeline_mode = #tpu.pipeline_mode<synchronous>, transform_indices = @transform_4, window_bounds = array<i64: 1, 64>}, {transform_indices = @transform_5, window_bounds = array<i64: 1264, 128>}, {transform_indices = @transform_6, window_bounds = array<i64: 1264, 64>}]} {
    %get3A = arith.constant 0 : index
    %get3A_0 = arith.constant 0 : index
    %get3A_1 = vector.load %arg3[%get3A, %get3A_0] : memref<1264x1xf32, #tpu.memory_space<vmem>>, vector<1264x1xf32>
    %get3A_2 = arith.constant 0 : index
    %get3A_3 = arith.constant 0 : index
    %get3A_4 = arith.constant 0 : index
    %get3A_5 = vector.load %arg1[%get3A_2, %get3A_3, %get3A_4] : memref<2x1264x128xf32, #tpu.memory_space<vmem>>, vector<1x1264x64xf32>
    %get3A_6 = vector.shape_cast %get3A_5 : vector<1x1264x64xf32> to vector<1264x64xf32>
    %get3A_7 = arith.constant 1 : index
    %get3A_8 = arith.constant 0 : index
    %get3A_9 = arith.constant 0 : index
    %get3A_10 = vector.load %arg1[%get3A_7, %get3A_8, %get3A_9] : memref<2x1264x128xf32, #tpu.memory_space<vmem>>, vector<1x1264x64xf32>
    %get3A_11 = vector.shape_cast %get3A_10 : vector<1x1264x64xf32> to vector<1264x64xf32>
    %add3A = arith.addf %get3A_6, %get3A_11 : vector<1264x64xf32>
    %mul3A = vector.broadcast %get3A_1 : vector<1264x1xf32> to vector<1264x64xf32>
    %mul3A_12 = arith.mulf %mul3A, %add3A : vector<1264x64xf32>
    %get3A_13 = arith.constant 0 : index
    %get3A_14 = arith.constant 0 : index
    %get3A_15 = vector.load %arg2[%get3A_13, %get3A_14] : memref<1264x64xf32, #tpu.memory_space<vmem>>, vector<1264x64xf32>
    %add3A_16 = arith.addf %mul3A_12, %get3A_15 : vector<1264x64xf32>
    %max3A = arith.constant 0.000000e+00 : f32
    %max3A_17 = vector.broadcast %max3A : f32 to vector<1264x64xf32>
    %max3A_18 = arith.maximumf %add3A_16, %max3A_17 : vector<1264x64xf32>
    %get3A_19 = arith.constant 0 : index
    %get3A_20 = arith.constant 0 : index
    %get3A_21 = vector.load %arg4[%get3A_19, %get3A_20] : memref<64x64xf32, #tpu.memory_space<vmem>>, vector<64x64xf32>
    %dot_general3A = arith.constant dense<0.000000e+00> : vector<1264x64xf32>
    %dot_general3A_22 = tpu.matmul %max3A_18, %get3A_21, %dot_general3A {dimension_numbers = #tpu.dot_dimension_numbers<[1], [0], [0], [1], [0, 0, 1, 1], [], []>, transpose_lhs_hint = false} : vector<1264x64xf32>, vector<64x64xf32>, vector<1264x64xf32> -> vector<1264x64xf32>
    %mul3A_23 = vector.broadcast %get3A_1 : vector<1264x1xf32> to vector<1264x64xf32>
    %mul3A_24 = arith.mulf %mul3A_23, %dot_general3A_22 : vector<1264x64xf32>
    %broadcast_in_dim3A = arith.constant 0.000000e+00 : f32
    %broadcast_in_dim3A_25 = vector.broadcast %broadcast_in_dim3A : f32 to vector<1264x64xf32>
    %concatenate3A = tpu.concatenate %mul3A_24, %broadcast_in_dim3A_25 in 1 : vector<1264x64xf32>, vector<1264x64xf32> -> vector<1264x128xf32>
    %swap3A = arith.constant 0 : index
    %swap3A_26 = arith.constant 0 : index
    %swap3A_27 = vector.load %arg6[%swap3A, %swap3A_26] : memref<1264x128xf32, #tpu.memory_space<vmem>>, vector<1264x128xf32>
    tpu.vector_store %arg6[%swap3A, %swap3A_26], %concatenate3A {strides = array<i32>} : memref<1264x128xf32, #tpu.memory_space<vmem>>, vector<1264x128xf32>,
    %mul3A_28 = arith.mulf %get3A_1, %get3A_1 : vector<1264x1xf32>
    %mul3A_29 = vector.broadcast %mul3A_28 : vector<1264x1xf32> to vector<1264x64xf32>
    %mul3A_30 = arith.mulf %mul3A_29, %dot_general3A_22 : vector<1264x64xf32>
    %get3A_31 = arith.constant 0 : index
    %get3A_32 = arith.constant 0 : index
    %get3A_33 = vector.load %arg5[%get3A_31, %get3A_32] : memref<1x64xf32, #tpu.memory_space<vmem>>, vector<1x64xf32>
    %add3A_34 = vector.broadcast %get3A_33 : vector<1x64xf32> to vector<1264x64xf32>
    %add3A_35 = arith.addf %mul3A_30, %add3A_34 : vector<1264x64xf32>
    %swap3A_36 = arith.constant 0 : index
    %swap3A_37 = arith.constant 0 : index
    %swap3A_38 = vector.load %arg7[%swap3A_36, %swap3A_37] : memref<1264x64xf32, #tpu.memory_space<vmem>>, vector<1264x64xf32>
    tpu.vector_store %arg7[%swap3A_36, %swap3A_37], %add3A_35 {strides = array<i32>} : memref<1264x64xf32, #tpu.memory_space<vmem>>, vector<1264x64xf32>,
    return
  }
  func.func @transform_0(%arg0: i32) -> (i32, i32, i32) {
    %c0_i32 = arith.constant 0 : i32
    %c0_i32_0 = arith.constant 0 : i32
    %c0_i32_1 = arith.constant 0 : i32
    return %c0_i32, %arg0, %c0_i32_0 : i32, i32, i32
  }
  func.func @transform_1(%arg0: i32) -> (i32, i32) {
    %c0_i32 = arith.constant 0 : i32
    %c0_i32_0 = arith.constant 0 : i32
    return %arg0, %c0_i32 : i32, i32
  }
  func.func @transform_2(%arg0: i32) -> (i32, i32) {
    %c0_i32 = arith.constant 0 : i32
    %c0_i32_0 = arith.constant 0 : i32
    return %arg0, %c0_i32 : i32, i32
  }
  func.func @transform_3(%arg0: i32) -> (i32, i32) {
    %c0_i32 = arith.constant 0 : i32
    %c0_i32_0 = arith.constant 0 : i32
    %c0_i32_1 = arith.constant 0 : i32
    return %c0_i32, %c0_i32_0 : i32, i32
  }
  func.func @transform_4(%arg0: i32) -> (i32, i32) {
    %c0_i32 = arith.constant 0 : i32
    %c0_i32_0 = arith.constant 0 : i32
    %c0_i32_1 = arith.constant 0 : i32
    return %c0_i32, %c0_i32_0 : i32, i32
  }
  func.func @transform_5(%arg0: i32) -> (i32, i32) {
    %c0_i32 = arith.constant 0 : i32
    %c0_i32_0 = arith.constant 0 : i32
    return %arg0, %c0_i32 : i32, i32
  }
  func.func @transform_6(%arg0: i32) -> (i32, i32) {
    %c0_i32 = arith.constant 0 : i32
    %c0_i32_0 = arith.constant 0 : i32
    return %arg0, %c0_i32 : i32, i32
  }
}

module attributes {stable_mosaic.version = 14 : i64} {
  func.func @_head_body(%arg0: memref<2x10112x128xf32, #tpu.memory_space<vmem>>, %arg1: memref<10112x64xf32, #tpu.memory_space<vmem>>, %arg2: memref<10112x1xf32, #tpu.memory_space<vmem>>, %arg3: memref<192x64xf32, #tpu.memory_space<vmem>>, %arg4: memref<1x64xf32, #tpu.memory_space<vmem>>, %arg5: memref<64x32xf32, #tpu.memory_space<vmem>>, %arg6: memref<1x32xf32, #tpu.memory_space<vmem>>, %arg7: memref<32x1xf32, #tpu.memory_space<vmem>>, %arg8: memref<1x1xf32, #tpu.memory_space<vmem>>, %arg9: memref<1x1xf32, #tpu.memory_space<vmem>>) attributes {dimension_semantics = [], scalar_prefetch = 0 : i64, scratch_operands = 0 : i64, tpu.core_type = #tpu.core_type<tc>} {
    %get3A = arith.constant 0 : index
    %get3A_0 = arith.constant 0 : index
    %get3A_1 = vector.load %arg2[%get3A, %get3A_0] : memref<10112x1xf32, #tpu.memory_space<vmem>>, vector<10112x1xf32>
    %get3A_2 = arith.constant 0 : index
    %get3A_3 = arith.constant 0 : index
    %get3A_4 = arith.constant 0 : index
    %get3A_5 = vector.load %arg0[%get3A_2, %get3A_3, %get3A_4] : memref<2x10112x128xf32, #tpu.memory_space<vmem>>, vector<1x10112x64xf32>
    %get3A_6 = vector.shape_cast %get3A_5 : vector<1x10112x64xf32> to vector<10112x64xf32>
    %get3A_7 = arith.constant 1 : index
    %get3A_8 = arith.constant 0 : index
    %get3A_9 = arith.constant 0 : index
    %get3A_10 = vector.load %arg0[%get3A_7, %get3A_8, %get3A_9] : memref<2x10112x128xf32, #tpu.memory_space<vmem>>, vector<1x10112x64xf32>
    %get3A_11 = vector.shape_cast %get3A_10 : vector<1x10112x64xf32> to vector<10112x64xf32>
    %add3A = arith.addf %get3A_6, %get3A_11 : vector<10112x64xf32>
    %mul3A = vector.broadcast %get3A_1 : vector<10112x1xf32> to vector<10112x64xf32>
    %mul3A_12 = arith.mulf %mul3A, %add3A : vector<10112x64xf32>
    %get3A_13 = arith.constant 0 : index
    %get3A_14 = arith.constant 0 : index
    %get3A_15 = vector.load %arg1[%get3A_13, %get3A_14] : memref<10112x64xf32, #tpu.memory_space<vmem>>, vector<10112x64xf32>
    %add3A_16 = arith.addf %mul3A_12, %get3A_15 : vector<10112x64xf32>
    %iota3A = tpu.iota {dimensions = array<i32: 0>} : vector<10112x1xi32>
    %lt3A = arith.constant 10000 : i32
    %lt3A_17 = vector.broadcast %lt3A : i32 to vector<10112x1xi32>
    %lt3A_18 = arith.cmpi slt, %iota3A, %lt3A_17 : vector<10112x1xi32>
    %convert_element_type3A = arith.extui %lt3A_18 : vector<10112x1xi1> to vector<10112x1xi32>
    %convert_element_type3A_19 = arith.sitofp %convert_element_type3A : vector<10112x1xi32> to vector<10112x1xf32>
    %mul3A_20 = vector.broadcast %convert_element_type3A_19 : vector<10112x1xf32> to vector<10112x64xf32>
    %mul3A_21 = arith.mulf %add3A_16, %mul3A_20 : vector<10112x64xf32>
    %reduce_sum3A = arith.constant dense<0.000000e+00> : vector<64xf32>
    %reduce_sum3A_22 = vector.multi_reduction <add>, %mul3A_21, %reduce_sum3A [0] : vector<10112x64xf32> to vector<64xf32>
    %broadcast_in_dim3A = vector.shape_cast %reduce_sum3A_22 : vector<64xf32> to vector<1x64xf32>
    %mul3A_23 = arith.constant 9.99999974E-5 : f32
    %mul3A_24 = vector.broadcast %mul3A_23 : f32 to vector<1x64xf32>
    %mul3A_25 = arith.mulf %broadcast_in_dim3A, %mul3A_24 : vector<1x64xf32>
    %sub3A = vector.broadcast %mul3A_25 : vector<1x64xf32> to vector<10112x64xf32>
    %sub3A_26 = arith.subf %add3A_16, %sub3A : vector<10112x64xf32>
    %mul3A_27 = vector.broadcast %convert_element_type3A_19 : vector<10112x1xf32> to vector<10112x64xf32>
    %mul3A_28 = arith.mulf %sub3A_26, %mul3A_27 : vector<10112x64xf32>
    %mul3A_29 = arith.mulf %mul3A_28, %mul3A_28 : vector<10112x64xf32>
    %reduce_sum3A_30 = arith.constant dense<0.000000e+00> : vector<64xf32>
    %reduce_sum3A_31 = vector.multi_reduction <add>, %mul3A_29, %reduce_sum3A_30 [0] : vector<10112x64xf32> to vector<64xf32>
    %broadcast_in_dim3A_32 = vector.shape_cast %reduce_sum3A_31 : vector<64xf32> to vector<1x64xf32>
    %mul3A_33 = arith.constant 1.000100e-04 : f32
    %mul3A_34 = vector.broadcast %mul3A_33 : f32 to vector<1x64xf32>
    %mul3A_35 = arith.mulf %broadcast_in_dim3A_32, %mul3A_34 : vector<1x64xf32>
    %sqrt3A = math.sqrt %mul3A_35 : vector<1x64xf32>
    %concatenate3A = tpu.concatenate %mul3A_25, %mul3A_25, %sqrt3A in 1 : vector<1x64xf32>, vector<1x64xf32>, vector<1x64xf32> -> vector<1x192xf32>
    %get3A_36 = arith.constant 0 : index
    %get3A_37 = arith.constant 0 : index
    %get3A_38 = vector.load %arg3[%get3A_36, %get3A_37] : memref<192x64xf32, #tpu.memory_space<vmem>>, vector<192x64xf32>
    %dot_general3A = arith.constant dense<0.000000e+00> : vector<1x64xf32>
    %dot_general3A_39 = tpu.matmul %concatenate3A, %get3A_38, %dot_general3A {dimension_numbers = #tpu.dot_dimension_numbers<[1], [0], [0], [1], [0, 0, 1, 1], [], []>, transpose_lhs_hint = false} : vector<1x192xf32>, vector<192x64xf32>, vector<1x64xf32> -> vector<1x64xf32>
    %get3A_40 = arith.constant 0 : index
    %get3A_41 = arith.constant 0 : index
    %get3A_42 = vector.load %arg4[%get3A_40, %get3A_41] : memref<1x64xf32, #tpu.memory_space<vmem>>, vector<1x64xf32>
    %add3A_43 = arith.addf %dot_general3A_39, %get3A_42 : vector<1x64xf32>
    %max3A = arith.constant 0.000000e+00 : f32
    %max3A_44 = vector.broadcast %max3A : f32 to vector<1x64xf32>
    %max3A_45 = arith.maximumf %add3A_43, %max3A_44 : vector<1x64xf32>
    %get3A_46 = arith.constant 0 : index
    %get3A_47 = arith.constant 0 : index
    %get3A_48 = vector.load %arg5[%get3A_46, %get3A_47] : memref<64x32xf32, #tpu.memory_space<vmem>>, vector<64x32xf32>
    %dot_general3A_49 = arith.constant dense<0.000000e+00> : vector<1x32xf32>
    %dot_general3A_50 = tpu.matmul %max3A_45, %get3A_48, %dot_general3A_49 {dimension_numbers = #tpu.dot_dimension_numbers<[1], [0], [0], [1], [0, 0, 1, 1], [], []>, transpose_lhs_hint = false} : vector<1x64xf32>, vector<64x32xf32>, vector<1x32xf32> -> vector<1x32xf32>
    %get3A_51 = arith.constant 0 : index
    %get3A_52 = arith.constant 0 : index
    %get3A_53 = vector.load %arg6[%get3A_51, %get3A_52] : memref<1x32xf32, #tpu.memory_space<vmem>>, vector<1x32xf32>
    %add3A_54 = arith.addf %dot_general3A_50, %get3A_53 : vector<1x32xf32>
    %max3A_55 = arith.constant 0.000000e+00 : f32
    %max3A_56 = vector.broadcast %max3A_55 : f32 to vector<1x32xf32>
    %max3A_57 = arith.maximumf %add3A_54, %max3A_56 : vector<1x32xf32>
    %get3A_58 = arith.constant 0 : index
    %get3A_59 = arith.constant 0 : index
    %get3A_60 = vector.load %arg7[%get3A_58, %get3A_59] : memref<32x1xf32, #tpu.memory_space<vmem>>, vector<32x1xf32>
    %dot_general3A_61 = arith.constant dense<0.000000e+00> : vector<1x1xf32>
    %dot_general3A_62 = tpu.matmul %max3A_57, %get3A_60, %dot_general3A_61 {dimension_numbers = #tpu.dot_dimension_numbers<[1], [0], [0], [1], [0, 0, 1, 1], [], []>, transpose_lhs_hint = false} : vector<1x32xf32>, vector<32x1xf32>, vector<1x1xf32> -> vector<1x1xf32>
    %get3A_63 = arith.constant 0 : index
    %get3A_64 = arith.constant 0 : index
    %get3A_65 = vector.load %arg8[%get3A_63, %get3A_64] : memref<1x1xf32, #tpu.memory_space<vmem>>, vector<1x1xf32>
    %add3A_66 = arith.addf %dot_general3A_62, %get3A_65 : vector<1x1xf32>
    %neg3A = arith.constant 0.000000e+00 : f32
    %neg3A_67 = vector.broadcast %neg3A : f32 to vector<1x1xf32>
    %neg3A_68 = arith.subf %neg3A_67, %add3A_66 : vector<1x1xf32>
    %exp3A = math.exp %neg3A_68 : vector<1x1xf32>
    %add3A_69 = arith.constant 1.000000e+00 : f32
    %add3A_70 = vector.broadcast %add3A_69 : f32 to vector<1x1xf32>
    %add3A_71 = arith.addf %add3A_70, %exp3A : vector<1x1xf32>
    %div3A = arith.constant 1.000000e+00 : f32
    %div3A_72 = vector.broadcast %div3A : f32 to vector<1x1xf32>
    %div3A_73 = arith.divf %div3A_72, %add3A_71 : vector<1x1xf32>
    %swap3A = arith.constant 0 : index
    %swap3A_74 = arith.constant 0 : index
    %swap3A_75 = vector.load %arg9[%swap3A, %swap3A_74] : memref<1x1xf32, #tpu.memory_space<vmem>>, vector<1x1xf32>
    tpu.vector_store %arg9[%swap3A, %swap3A_74], %div3A_73 {strides = array<i32>} : memref<1x1xf32, #tpu.memory_space<vmem>>, vector<1x1xf32>,
    return
  }
}

</mosaic_0001>

<sc_bundles>
// kernel: kernel.13.cloned.1.call-start
scs
__scs_entry_jumppad:
0x0: {  	(pc) =	sbr.rel $0x88, $3  }
0x1: {  	(tag) =	ssettag $0x0;
	lr =	simm.s32 $0x1  }
0x2: {  	[smem:$0x3F8E] =	sst lr;
	_ =	strace $0xD0000000  }
0x3: {  	_ = 	snop  }
0x4: {  	_ = 	snop  }
0x5: {  	_ = 	snop  }
0x6: {  	_ = 	snop  }
0x7: {  	_ = 	snop  }
__scs_overlays_trampoline_lowered:
0x8: {  	[smem:$0x3F9D] =	sst s0  }
0x9: {  	[smem:$0x3F9E] =	sst s1  }
0xa: {  	[smem:$0x3F9F] =	sst s2  }
0xb: {  	[smem:$0x3FA0] =	sst s3  }
0xc: {  	[smem:$0x3FA1] =	sst s4  }
0xd: {  	[smem:$0x3FA2] =	sst s5  }
0xe: {  	[smem:$0x3FA3] =	sst s6  }
0xf: {  	[smem:$0x3FA4] =	sst s7  }
0x10: {  	[smem:$0x3FA5] =	sst s8  }
0x11: {  	[smem:$0x3FA6] =	sst s9;
	s0 =	simm.s32 @!p0 $0x0  }
0x12: {  	s1 =	sld [smem:$0x3F8C];
	s0 =	simm.s32 @p0 $0x1  }
0x13: {  	[smem:$0x3FA7] =	sst s0;
	s0 =	simm.s32 @!p1 $0x0  }
0x14: {  	s2 =	sld [smem:$0x3F8B];
	s0 =	simm.s32 @p1 $0x1  }
0x15: {  	[smem:$0x3FA8] =	sst s0;
	s0 =	simm.s32 @!p2 $0x0  }
0x16: {  	s3 =	sld [smem:$0x3FDB];
	s0 =	simm.s32 @p2 $0x1  }
0x17: {  	s4 =	simm.s32 $0x1BF5;
	[smem:$0x3FAA] =	sst s0  }
0x18: {  	s0 =	sld [smem:$0x3F8D];
	_ =	swait.ge [sflag:s4], $0x0  }
0x19: {  	s7 =	sld [smem:$0x3F8E]  }
0x1a: {  	s8 =	sadd.s32 $0xFFFFE003, lr  }
0x1b: {  	s9 =	sadd.s32 $0xFFFFFEF7, lr;
	s5 =	simm.s32 $0xFFFFFFFF;
	p2 =	slt.u32 s8, $0xFFFFF086  }
0x1c: {  	p1 =	slt.u32 s9, $0xF7A;
	s5 =	simm.s32 @!p2 $0x0  }
0x1d: {  	s5 =	simm.s32 @p1 $0x1;
	p0 =	seq.s32 s7, s2  }
0x1e: {  	s7 =	smul.u32 @!p0 $0xF7A, s2;
	p2 =	seq.s32 @!p0 s5, $0x0  }
0x1f: {  	s9 =	smul.u32 $0xF7A, s1;
	s8 =	simm.s32 @!p0 $0x1BF5;
	p2 =	por !p2, p0  }
0x20: {  	[sflag:s8] =	ssyncset.s32 @!p0 $0xFFFFF086;
	s6 =	sadd.s32 @!p0 s3, s7;
	s7 =	simm.s32 @!p0 $0x108  }
0x21: {  	s3 =	sadd.s32 s3, s9;
	s6 =	sadd.s32 @!p0 $0x88, s6;
	s7 =	simm.s32 @p2 $0x1082  }
0x22: {  	[simem:s7], [sflag:s8] =	dma.local @!p0 [hbm:s6], $0xF7A  }
0x23: {  	s9 =	sor.u32 $0xD0000000, s2;
	s6 =	simm.s32 $0x108;
	_ =	swait.ge @!p0 [sflag:s8], $0x0  }
0x24: {  	s3 =	sadd.s32 $0x88, s3;
	s6 =	simm.s32 @!p1 $0x1082;
	[sflag:s4] =	ssyncset.s32 $0xFFFFF086  }
0x25: {  	[simem:s6], [sflag:s4] =	dma.local [hbm:s3], $0xF7A  }
0x26: {  	[smem:$0x3F8E] =	sst s1;
	(tag) =	ssettag s2;
	_ =	strace s9  }
0x27: {  	s1 =	sld [smem:$0x3F9E]  }
0x28: {  	s2 =	sld [smem:$0x3F9F]  }
0x29: {  	s4 =	sld [smem:$0x3FA1]  }
0x2a: {  	p0 =	seq.s32 s5, $0x0;
	s5 =	sld [smem:$0x3FA2]  }
0x2b: {  	s6 =	sld [smem:$0x3FA3]  }
0x2c: {  	s7 =	sld [smem:$0x3FA4]  }
0x2d: {  	s3 =	simm.s32 $0x108;
	s8 =	sld [smem:$0x3FA5]  }
0x2e: {  	s3 =	simm.s32 @!p0 $0x1082;
	s9 =	sld [smem:$0x3FA6]  }
0x2f: {  	lr =	sadd.s32 s0, s3;
	s0 =	sld [smem:$0x3F9D]  }
0x30: {  	s3 =	sld [smem:$0x3FA0]  }
0x31: {  	[smem:$0x3FA9] =	sst s10  }
0x32: {  	s10 =	sld [smem:$0x3FA7];
	_ =	sdelay $0x3  }
0x33: {  	p0 =	seq.s32 s10, $0x1;
	s10 =	sld [smem:$0x3FA9];
	_ =	sdelay $0x3  }
0x34: {  	[smem:$0x3FA9] =	sst s10  }
0x35: {  	s10 =	sld [smem:$0x3FA8];
	_ =	sdelay $0x3  }
0x36: {  	p1 =	seq.s32 s10, $0x1;
	s10 =	sld [smem:$0x3FA9];
	_ =	sdelay $0x3  }
0x37: {  	[smem:$0x3FA9] =	sst s10  }
0x38: {  	s10 =	sld [smem:$0x3FAA]  }
0x39: {  	_ = 	snop;
	(pc) =	sbr.ind lr, $3  }
0x3a: {  	_ = 	snop  }
0x3b: {  	_ = 	snop  }
0x3c: {  	p2 =	seq.s32 s10, $0x1;
	s10 =	sld [smem:$0x3FA9]  }
0x3d: {  	_ =	shalt  }
0x3e: {  	_ =	shalt  }
0x3f: {  	_ =	shalt  }
0x40: {  	_ =	shalt  }
0x41: {  	_ =	shalt  }
0x42: {  	_ =	shalt  }
0x43: {  	_ =	shalt  }
0x44: {  	_ =	shalt  }
0x45: {  	_ =	shalt  }
0x46: {  	_ =	shalt  }
0x47: {  	_ =	shalt  }
0x48: {  	_ =	shalt  }
0x49: {  	_ =	shalt  }
0x4a: {  	_ =	shalt  }
0x4b: {  	_ =	shalt  }
0x4c: {  	_ =	shalt  }
0x4d: {  	_ =	shalt  }
0x4e: {  	_ =	shalt  }
0x4f: {  	_ =	shalt  }
0x50: {  	_ =	shalt  }
0x51: {  	_ =	shalt  }
0x52: {  	_ =	shalt  }
0x53: {  	_ =	shalt  }
0x54: {  	_ =	shalt  }
0x55: {  	_ =	shalt  }
0x56: {  	_ =	shalt  }
0x57: {  	_ =	shalt  }
0x58: {  	_ =	shalt  }
0x59: {  	_ =	shalt  }
0x5a: {  	_ =	shalt  }
0x5b: {  	_ =	shalt  }
0x5c: {  	_ =	shalt  }
0x5d: {  	_ =	shalt  }
0x5e: {  	_ =	shalt  }
0x5f: {  	_ =	shalt  }
0x60: {  	_ =	shalt  }
0x61: {  	_ =	shalt  }
0x62: {  	_ =	shalt  }
0x63: {  	_ =	shalt  }
0x64: {  	_ =	shalt  }
0x65: {  	_ =	shalt  }
0x66: {  	_ =	shalt  }
0x67: {  	_ =	shalt  }
0x68: {  	_ =	shalt  }
0x69: {  	_ =	shalt  }
0x6a: {  	_ =	shalt  }
0x6b: {  	_ =	shalt  }
0x6c: {  	_ =	shalt  }
0x6d: {  	_ =	shalt  }
0x6e: {  	_ =	shalt  }
0x6f: {  	_ =	shalt  }
0x70: {  	_ =	shalt  }
0x71: {  	_ =	shalt  }
0x72: {  	_ =	shalt  }
0x73: {  	_ =	shalt  }
0x74: {  	_ =	shalt  }
0x75: {  	_ =	shalt  }
0x76: {  	_ =	shalt  }
0x77: {  	_ =	shalt  }
0x78: {  	_ =	shalt  }
0x79: {  	_ =	shalt  }
0x7a: {  	_ =	shalt  }
0x7b: {  	_ =	shalt  }
0x7c: {  	_ =	shalt  }
0x7d: {  	_ =	shalt  }
0x7e: {  	_ =	shalt  }
0x7f: {  	_ =	shalt  }
0x80: {  	_ =	shalt  }
0x81: {  	_ =	shalt  }
0x82: {  	_ =	shalt  }
0x83: {  	_ =	shalt  }
0x84: {  	_ =	shalt  }
0x85: {  	_ =	shalt  }
0x86: {  	_ =	shalt  }
0x87: {  	_ =	shalt  }
.Lfunc_end0:
.L_simem_size_0:
called_computation_lowered:
.L_overlay_start_0:
0x88: {  	s2 =	sld [smem:$0x3FD9]  }
0x89: {  	s3 =	sld [smem:$0x3FFE];
	_ =	sdelay $0x1  }
0x8a: {  	s1 =	srdreg.scid  }
0x8b: {  	s0 =	sand.u32 $0x1, s1  }
0x8c: {  	s16 =	sshll.u32 s0, $0xA;
	s2 =	sadd.s32 s3, s2  }
0x8d: {  	s2 =	sadd.s32 s2, s16  }
0x8e: {  	[smem:$0x3FB5] =	sst s2  }
0x8f: {  	_ = 	snop  }
0x90: {  	(tm) =	ssettm $0x1  }
0x91: {  	s17 =	sld [smem:$0x3FFB];
	_ =	sdelay $0x3  }
0x92: {  	_ =	strace s17  }
0x93: {  	s2 =	sld [smem:$0x3FFC];
	_ =	sdelay $0x3  }
0x94: {  	_ =	strace s2  }
0x95: {  	s2 =	sld [smem:$0x3FFD];
	_ =	sdelay $0x3  }
0x96: {  	_ =	strace s2  }
0x97: {  	_ =	strace $0x8FFFFFFF  }
0x98: {  	s18 =	sld [smem:$0x3FDB];
	_ =	sdelay $0x1  }
0x99: {  	s19 =	simm.s32 $_scs_section_size  }
0x9a: {  	s4 =	simm.s32 $_size__tile_overlayer_lowered;
	s5 =	simm.s32 $_tile_overlayer_lowered  }
0x9b: {  	s22 =	simm.s32 $0x1BFF;
	s21 =	sshll.u32 s5, $0x1;
	s2 =	sadd.s32 s19, s18  }
0x9c: {  	s6 =	simm.s32 $0x0;
	s20 =	sshll.u32 s4, $0x1;
	s4 =	sadd.s32 s21, s2  }
0x9d: {  	[timem:s6], [sflag:s22] =	dma.local [hbm:s4], s20  }
0x9e: {  	_ =	swait.ge [sflag:s22], s20  }
0x9f: {  	s3 =	ssub.s32 $0x0, s20;
	[sflag:s22] =	ssyncset.done $0x0  }
0xa0: {  	[sflag:s22] =	ssyncadd.s32 s3;
	_ =	sdelay $0x1  }
0xa1: {  	s23 =	simm.s32 $0x1B8B  }
0xa2: {  	_ =	swait.ge [sflag:s23], $0x1  }
0xa3: {  	[sflag:s23] =	ssyncset.done $0x0  }
0xa4: {  	s25 =	simm.s32 $0x1B8E;
	s24 =	sld [smem:$0x3FFE];
	[sflag:s23] =	ssyncadd.s32 $0xFFFFFFFF  }
0xa5: {  	s26 =	simm.s32 $execute0_lowered;
	[smem:$0x3FD2] =	sst s25  }
0xa6: {  	s4 =	sshll.u32 s26, $0x1;
	_ =	strace $0x80000046;
	[dreg:$0x1] =	wrdreg $0xFFFFFFFF  }
0xa7: {  	s28 =	simm.s32 $_size_execute0_lowered;
	s2 =	sadd.s32 s2, s4;
	[dreg:$0x0] =	wrdreg $0x0  }
0xa8: {  	s4 =	sshll.u32 s28, $0x1;
	[dreg:$0x2] =	wrdreg s2  }
0xa9: {  	[dreg:$0x3] =	wrdreg s4  }
0xaa: {  	[dreg:$0x4] =	wrdreg $0xC0  }
0xab: {  	_ =	task [dreg:s6], $0x5FFFF  }
0xac: {  	[dreg:$0x1] =	wrdreg $0xFFFFFFFF  }
0xad: {  	[dreg:$0x0] =	wrdreg $0x60  }
0xae: {  	[dreg:$0x2] =	wrdreg s24  }
0xaf: {  	[dreg:$0x3] =	wrdreg $0x90000  }
0xb0: {  	[dreg:$0x4] =	wrdreg $0x9  }
0xb1: {  	_ =	task.clear_ibuf [dreg:s6], $0x5FFFF;
	_ =	strace $0x90000046  }
0xb2: {  	s29 =	simm.s32 $0x9;
	_ =	strace $0x80000048  }
0xb3: {  	_ =	swait.ge [sflag:s29], $0x1  }
0xb4: {  	[sflag:s29] =	ssyncadd.s32 $0xFFFFFFFF  }
0xb5: {  	_ =	strace $0x90000048  }
0xb6: {  	_ =	sfence  }
0xb7: {  	s30 =	sld [smem:$0x0];
	_ =	sdelay $0x2  }
0xb8: {  	s31 =	sshll.u32 s1, $0xD;
	s1 =	sshrl.u32 s1, $0x2  }
0xb9: {  	s3 =	sand.u32 $0x4000, s31;
	s1 =	sadd.s32 s1, s30  }
0xba: {  	s0 =	sor.u32 s3, s0;
	s1 =	sshll.u32 s1, $0x11  }
0xbb: {  	s0 =	sor.u32 s1, s0  }
0xbc: {  	s0 =	sadd.s32 $0x8F2B, s0  }
0xbd: {  	[sflag:s0] =	ssyncadd.remote.s32 $0x1  }
0xbe: {  	_ =	sfence.sel $0xFFFF  }
0xbf: {  	[dreg:$0x0] =	wrdreg $0xFFFFFFFF;
	(pc) =	sbr.abs _section_cstart, $3  }
0xc0: {  	[dreg:$0x1] =	wrdreg $0xFFFFFFFF  }
0xc1: {  	_ =	task.clear_ibuf [dreg:s6], $0x2FFFF;
	_ =	strace $0x9FFFFFFF  }
0xc2: {  	(tm) =	ssettm $0x7FFFFFFF  }
0xc3: {  	_ =	shalt  }
tec
execute0_lowered:
.L_overlay_start_1:
0x0: {  	(tag) =	ssettag $0x1  }
0x1: {  	s5 =	rddreg [dreg:$0x0]  }
0x2: {  	s0 =	srdreg.scid;
	s2 =	rddreg [dreg:$0x1]  }
0x3: {  	s3 =	simm.s32 $0x0;
	s13 =	simm.s32 $0x2800;
	s4 =	sand.u32 $0x1, s0  }
0x4: {  	s14 =	simm.s32 $0x5000;
	s0 =	stileid.u32;
	s6 =	smul.u32 $0x280000, s4  }
0x5: {  	s15 =	simm.s32 $0x80;
	s16 =	simm.s32 $0x0;
	s8 =	smul.u32 $0x13C00, s0  }
0x6: {  	[smem:$0x7FF] =	sst s3;
	s1 =	sshll.u32 s4, $0x4;
	s9 =	smul.u32 $0x13C000, s4  }
0x7: {  	s4 =	ssub.s32 $0x2, s4;
	s11 =	smul.u32 $0x4F000, s0;
	s30 =	sshll.u32 s0, $0x6  }
0x8: {  	s31 =	smul.u32 $0x28000, s0;
	s1 =	sor.u32 s0, s1;
	s28 =	sshrl.u32 s4, $0x1  }
0x9: {  	s7 =	smul.u32 $0x2800, s1;
	s1 =	rddreg [dreg:$0x2];
	_ =	strace $0x80000047  }
0xa: {  	s10 =	sadd.s32 s6, s5;
	s26 =	sshrl.u32 s8, $0x3;
	s8 =	sadd.s32 s8, s9  }
0xb: {  	s9 =	ssub.s32 s4, s28;
	s29 =	sshrl.u32 s11, $0x2;
	s8 =	sshrl.u32 s8, $0x3  }
0xc: {  	s6 =	sadd.s32 s26, s5;
	s12 =	sadd.s32 s29, s2;
	s10 =	sadd.s32 s31, s10  }
0xd: {  	s9 =	smax.u32 s9, $0x1;
	s7 =	sshrl.u32 s7, $0x3;
	s8 =	sadd.s32 s8, s5  }
0xe: {  	s4 =	sadd.s32 $0x4800, s6;
	s10 =	sadd.s32 $0x9FA800, s10;
	s11 =	sshrl.u32 s12, $0x3  }
0xf: {  	s7 =	sadd.s32 s7, s5;
	s5 =	sor.u32 $0x1C01, s30;
	s8 =	sadd.s32 $0x2C000, s8  }
0x10: {  	s12 =	simm.s32 $0x1;
	s6 =	sadd.s32 $0x4E6800, s7;
	s7 =	sadd.s32 $0x4F0800, s7  }
.LBB2_1:
0x11: {  	[spmem:s11], [sflag:s5] =	dma.local [hbm:s4], $0x2780  }
0x12: {  	_ =	swait.ge [sflag:s12], $0x2780  }
0x13: {  	[sflag:s12] =	ssyncset.done $0x0  }
0x14: {  	[sflag:s12] =	ssyncadd.s32 $0xFFFFD880  }
0x15: {  	[tilespmem:s3], [sflag:$0x1] =	stream.linear.gather [hbm4b:s6+s3], $0x2800, $0x38;
	[tilespmem:$0x1CC00] =	vst v63  }
0x16: {  	_ =	swait.ge [sflag:s12], $0x2800  }
0x17: {  	[sflag:s12] =	ssyncset.done $0x0  }
0x18: {  	[sflag:s12] =	ssyncadd.s32 $0xFFFFD800  }
0x19: {  	[tilespmem:s13], [sflag:$0x1] =	stream.linear.gather [hbm4b:s7+s3], $0x2800, $0x38;
	[tilespmem:$0x1CC00] =	vst v63  }
0x1a: {  	_ =	swait.ge [sflag:s12], $0x2800  }
0x1b: {  	[sflag:s12] =	ssyncset.done $0x0  }
0x1c: {  	[sflag:s12] =	ssyncadd.s32 $0xFFFFD800  }
0x1d: {  	[bflag:$0x0] =	sbarrier.arrive $0xFFFF  }
0x1e: {  	[tilespmem:s14], [sflag:$0x1] =	stream.linear.gather [hbm4b:s10+s3], $0x4000, $0x38;
	[tilespmem:$0x1CC00] =	vst v63  }
0x1f: {  	_ =	swait.ge [sflag:s12], $0x4000  }
0x20: {  	[sflag:s12] =	ssyncset.done $0x0  }
0x21: {  	s17 =	simm.s32 $0x0;
	[sflag:s12] =	ssyncadd.s32 $0xFFFFC000  }
0x22: {  	[spmem:s2] =	stream.indirect.scatter.add.f32 [tilespmem:s14], [sflag:$0x1], $0x80, s17, s15, $0xb8;
	[tilespmem:$0x1CC00] =	vst v63  }
0x23: {  	_ =	swait.ge [sflag:s12], $0x4000  }
0x24: {  	[sflag:s12] =	ssyncset.done $0x0  }
0x25: {  	s31 =	simm.s32 $0x2800;
	[sflag:s12] =	ssyncadd.s32 $0xFFFFC000  }
0x26: {  	[spmem:s2] =	stream.indirect.scatter.add.f32 [tilespmem:s14], [sflag:$0x1], $0x80, s31, s15, $0xb8;
	[tilespmem:$0x1CC00] =	vst v63  }
0x27: {  	_ =	swait.ge [sflag:s12], $0x4000  }
0x28: {  	s18 =	smov.u32 s10;
	s17 =	simm.s32 $0x200;
	[sflag:s12] =	ssyncset.done $0x0  }
.LBB2_2:
0x29: {  	p0 =	sne.s32 s17, $0x9E00;
	[sflag:s12] =	ssyncadd.s32 $0xFFFFC000;
	s18 =	sadd.s32 $0x800, s18  }
0x2a: {  	[tilespmem:s14], [sflag:$0x1] =	stream.linear.gather [hbm4b:s18+s3], $0x4000, $0x38;
	[tilespmem:$0x1CC00] =	vst v63  }
0x2b: {  	s19 =	smov.u32 s17;
	s17 =	sadd.s32 $0x200, s17;
	_ =	swait.ge [sflag:s12], $0x4000  }
0x2c: {  	[sflag:s12] =	ssyncset.done $0x0  }
0x2d: {  	s19 =	sshra.s32 s19, $0x2;
	[sflag:s12] =	ssyncadd.s32 $0xFFFFC000  }
0x2e: {  	[spmem:s2] =	stream.indirect.scatter.add.f32 [tilespmem:s14], [sflag:$0x1], $0x80, s19, s15, $0xb8;
	[tilespmem:$0x1CC00] =	vst v63  }
0x2f: {  	_ =	swait.ge [sflag:s12], $0x4000  }
.Ltmp0:
0x30: {  	[sflag:s12] =	ssyncset.done $0x0;
	(pc) =	sbr.rel @p0 .LBB2_2-.Ltmp0, $4  }
0x31: {  	s19 =	sadd.s32 $0x2800, s19;
	[sflag:s12] =	ssyncadd.s32 $0xFFFFC000  }
0x32: {  	[spmem:s2] =	stream.indirect.scatter.add.f32 [tilespmem:s14], [sflag:$0x1], $0x80, s19, s15, $0xb8;
	[tilespmem:$0x1CC00] =	vst v63  }
0x33: {  	_ =	swait.ge [sflag:s12], $0x4000  }
0x34: {  	[sflag:s12] =	ssyncset.done $0x0  }
0x35: {  	s16 =	sadd.s32 $0x1, s16  }
0x36: {  	[sflag:s12] =	ssyncadd.s32 $0xFFFFC000;
	p0 =	sne.s32 s16, s9  }
.Ltmp1:
0x37: {  	[bflag:$0x0] =	sbarrier.arrive $0xFFFF;
	(pc) =	sbr.rel @p0 .LBB2_1-.Ltmp1, $4  }
0x38: {  	[hbm:s8], [sflag:s5] =	dma.local [spmem:s11], $0x2780  }
0x39: {  	_ =	swait.ge [sflag:s12], $0x2780  }
0x3a: {  	[sflag:s12] =	ssyncset.done $0x0  }
0x3b: {  	[sflag:s12] =	ssyncadd.s32 $0xFFFFD880  }
0x3c: {  	_ =	sfence.sel $0x180000  }
0x3d: {  	[bflag:$0x0] =	sbarrier.arrive $0xFFFF  }
0x3e: {  	p0 =	sne.s32 s0, $0x0;
	_ =	strace $0x90000047  }
0x3f: {  	s0 =	sadd.s32 @!p0 $0x100000, s1;
	[bflag:$0x2] =	sbarrier.arrive $0xFFFF  }
0x40: {  	[sflag:s0] =	ssyncadd.tile.s32 @!p0 $0x1;
	_ =	shalt  }
.Lfunc_end2:
_tile_overlayer_lowered:
.L_overlay_start_2:
0x41: {  	(tag) =	ssettag $0x2  }
0x42: {  	s0 =	rddreg [dreg:$0x0];
	s2 =	stileid.u32  }
0x43: {  	s1 =	rddreg [dreg:$0x1];
	p0 =	sne.s32 s2, $0x0  }
0x44: {  	s3 =	rddreg [dreg:$0x2];
	[bflag:$0x3] =	sbarrier.arrive $0xFFFF;
	s2 =	simm.s32 @!p0 $0x1C01  }
0x45: {  	[timem:s3], [sflag:s2] =	dma.local @!p0 [hbm:s0], s1  }
0x46: {  	s0 =	simm.s32 @!p0 $0x1  }
0x47: {  	_ =	swait.ge @!p0 [sflag:s0], s1  }
0x48: {  	s1 =	ssub.s32 @!p0 $0x0, s1;
	[sflag:s0] =	ssyncset.done @!p0 $0x0  }
0x49: {  	[sflag:s0] =	ssyncadd.s32 @!p0 s1  }
0x4a: {  	[bflag:$0x3] =	sbarrier.arrive $0xFFFF  }
0x4b: {  	_ =	shalt  }

// kernel: kernel.16.cloned.1.call-start
scs
__scs_entry_jumppad:
0x0: {  	(pc) =	sbr.rel $0x88, $3  }
0x1: {  	(tag) =	ssettag $0x0;
	lr =	simm.s32 $0x1  }
0x2: {  	[smem:$0x3F8E] =	sst lr;
	_ =	strace $0xD0000000  }
0x3: {  	_ = 	snop  }
0x4: {  	_ = 	snop  }
0x5: {  	_ = 	snop  }
0x6: {  	_ = 	snop  }
0x7: {  	_ = 	snop  }
__scs_overlays_trampoline_lowered:
0x8: {  	[smem:$0x3F9D] =	sst s0  }
0x9: {  	[smem:$0x3F9E] =	sst s1  }
0xa: {  	[smem:$0x3F9F] =	sst s2  }
0xb: {  	[smem:$0x3FA0] =	sst s3  }
0xc: {  	[smem:$0x3FA1] =	sst s4  }
0xd: {  	[smem:$0x3FA2] =	sst s5  }
0xe: {  	[smem:$0x3FA3] =	sst s6  }
0xf: {  	[smem:$0x3FA4] =	sst s7  }
0x10: {  	[smem:$0x3FA5] =	sst s8  }
0x11: {  	[smem:$0x3FA6] =	sst s9;
	s0 =	simm.s32 @!p0 $0x0  }
0x12: {  	s1 =	sld [smem:$0x3F8C];
	s0 =	simm.s32 @p0 $0x1  }
0x13: {  	[smem:$0x3FA7] =	sst s0;
	s0 =	simm.s32 @!p1 $0x0  }
0x14: {  	s2 =	sld [smem:$0x3F8B];
	s0 =	simm.s32 @p1 $0x1  }
0x15: {  	[smem:$0x3FA8] =	sst s0;
	s0 =	simm.s32 @!p2 $0x0  }
0x16: {  	s3 =	sld [smem:$0x3FDB];
	s0 =	simm.s32 @p2 $0x1  }
0x17: {  	s4 =	simm.s32 $0x1BF5;
	[smem:$0x3FAA] =	sst s0  }
0x18: {  	s0 =	sld [smem:$0x3F8D];
	_ =	swait.ge [sflag:s4], $0x0  }
0x19: {  	s7 =	sld [smem:$0x3F8E]  }
0x1a: {  	s8 =	sadd.s32 $0xFFFFE003, lr  }
0x1b: {  	s9 =	sadd.s32 $0xFFFFFEF7, lr;
	s5 =	simm.s32 $0xFFFFFFFF;
	p2 =	slt.u32 s8, $0xFFFFF086  }
0x1c: {  	p1 =	slt.u32 s9, $0xF7A;
	s5 =	simm.s32 @!p2 $0x0  }
0x1d: {  	s5 =	simm.s32 @p1 $0x1;
	p0 =	seq.s32 s7, s2  }
0x1e: {  	s7 =	smul.u32 @!p0 $0xF7A, s2;
	p2 =	seq.s32 @!p0 s5, $0x0  }
0x1f: {  	s9 =	smul.u32 $0xF7A, s1;
	s8 =	simm.s32 @!p0 $0x1BF5;
	p2 =	por !p2, p0  }
0x20: {  	[sflag:s8] =	ssyncset.s32 @!p0 $0xFFFFF086;
	s6 =	sadd.s32 @!p0 s3, s7;
	s7 =	simm.s32 @!p0 $0x108  }
0x21: {  	s3 =	sadd.s32 s3, s9;
	s6 =	sadd.s32 @!p0 $0x88, s6;
	s7 =	simm.s32 @p2 $0x1082  }
0x22: {  	[simem:s7], [sflag:s8] =	dma.local @!p0 [hbm:s6], $0xF7A  }
0x23: {  	s9 =	sor.u32 $0xD0000000, s2;
	s6 =	simm.s32 $0x108;
	_ =	swait.ge @!p0 [sflag:s8], $0x0  }
0x24: {  	s3 =	sadd.s32 $0x88, s3;
	s6 =	simm.s32 @!p1 $0x1082;
	[sflag:s4] =	ssyncset.s32 $0xFFFFF086  }
0x25: {  	[simem:s6], [sflag:s4] =	dma.local [hbm:s3], $0xF7A  }
0x26: {  	[smem:$0x3F8E] =	sst s1;
	(tag) =	ssettag s2;
	_ =	strace s9  }
0x27: {  	s1 =	sld [smem:$0x3F9E]  }
0x28: {  	s2 =	sld [smem:$0x3F9F]  }
0x29: {  	s4 =	sld [smem:$0x3FA1]  }
0x2a: {  	p0 =	seq.s32 s5, $0x0;
	s5 =	sld [smem:$0x3FA2]  }
0x2b: {  	s6 =	sld [smem:$0x3FA3]  }
0x2c: {  	s7 =	sld [smem:$0x3FA4]  }
0x2d: {  	s3 =	simm.s32 $0x108;
	s8 =	sld [smem:$0x3FA5]  }
0x2e: {  	s3 =	simm.s32 @!p0 $0x1082;
	s9 =	sld [smem:$0x3FA6]  }
0x2f: {  	lr =	sadd.s32 s0, s3;
	s0 =	sld [smem:$0x3F9D]  }
0x30: {  	s3 =	sld [smem:$0x3FA0]  }
0x31: {  	[smem:$0x3FA9] =	sst s10  }
0x32: {  	s10 =	sld [smem:$0x3FA7];
	_ =	sdelay $0x3  }
0x33: {  	p0 =	seq.s32 s10, $0x1;
	s10 =	sld [smem:$0x3FA9];
	_ =	sdelay $0x3  }
0x34: {  	[smem:$0x3FA9] =	sst s10  }
0x35: {  	s10 =	sld [smem:$0x3FA8];
	_ =	sdelay $0x3  }
0x36: {  	p1 =	seq.s32 s10, $0x1;
	s10 =	sld [smem:$0x3FA9];
	_ =	sdelay $0x3  }
0x37: {  	[smem:$0x3FA9] =	sst s10  }
0x38: {  	s10 =	sld [smem:$0x3FAA]  }
0x39: {  	_ = 	snop;
	(pc) =	sbr.ind lr, $3  }
0x3a: {  	_ = 	snop  }
0x3b: {  	_ = 	snop  }
0x3c: {  	p2 =	seq.s32 s10, $0x1;
	s10 =	sld [smem:$0x3FA9]  }
0x3d: {  	_ =	shalt  }
0x3e: {  	_ =	shalt  }
0x3f: {  	_ =	shalt  }
0x40: {  	_ =	shalt  }
0x41: {  	_ =	shalt  }
0x42: {  	_ =	shalt  }
0x43: {  	_ =	shalt  }
0x44: {  	_ =	shalt  }
0x45: {  	_ =	shalt  }
0x46: {  	_ =	shalt  }
0x47: {  	_ =	shalt  }
0x48: {  	_ =	shalt  }
0x49: {  	_ =	shalt  }
0x4a: {  	_ =	shalt  }
0x4b: {  	_ =	shalt  }
0x4c: {  	_ =	shalt  }
0x4d: {  	_ =	shalt  }
0x4e: {  	_ =	shalt  }
0x4f: {  	_ =	shalt  }
0x50: {  	_ =	shalt  }
0x51: {  	_ =	shalt  }
0x52: {  	_ =	shalt  }
0x53: {  	_ =	shalt  }
0x54: {  	_ =	shalt  }
0x55: {  	_ =	shalt  }
0x56: {  	_ =	shalt  }
0x57: {  	_ =	shalt  }
0x58: {  	_ =	shalt  }
0x59: {  	_ =	shalt  }
0x5a: {  	_ =	shalt  }
0x5b: {  	_ =	shalt  }
0x5c: {  	_ =	shalt  }
0x5d: {  	_ =	shalt  }
0x5e: {  	_ =	shalt  }
0x5f: {  	_ =	shalt  }
0x60: {  	_ =	shalt  }
0x61: {  	_ =	shalt  }
0x62: {  	_ =	shalt  }
0x63: {  	_ =	shalt  }
0x64: {  	_ =	shalt  }
0x65: {  	_ =	shalt  }
0x66: {  	_ =	shalt  }
0x67: {  	_ =	shalt  }
0x68: {  	_ =	shalt  }
0x69: {  	_ =	shalt  }
0x6a: {  	_ =	shalt  }
0x6b: {  	_ =	shalt  }
0x6c: {  	_ =	shalt  }
0x6d: {  	_ =	shalt  }
0x6e: {  	_ =	shalt  }
0x6f: {  	_ =	shalt  }
0x70: {  	_ =	shalt  }
0x71: {  	_ =	shalt  }
0x72: {  	_ =	shalt  }
0x73: {  	_ =	shalt  }
0x74: {  	_ =	shalt  }
0x75: {  	_ =	shalt  }
0x76: {  	_ =	shalt  }
0x77: {  	_ =	shalt  }
0x78: {  	_ =	shalt  }
0x79: {  	_ =	shalt  }
0x7a: {  	_ =	shalt  }
0x7b: {  	_ =	shalt  }
0x7c: {  	_ =	shalt  }
0x7d: {  	_ =	shalt  }
0x7e: {  	_ =	shalt  }
0x7f: {  	_ =	shalt  }
0x80: {  	_ =	shalt  }
0x81: {  	_ =	shalt  }
0x82: {  	_ =	shalt  }
0x83: {  	_ =	shalt  }
0x84: {  	_ =	shalt  }
0x85: {  	_ =	shalt  }
0x86: {  	_ =	shalt  }
0x87: {  	_ =	shalt  }
.Lfunc_end0:
.L_simem_size_0:
called_computation.1_lowered:
.L_overlay_start_0:
0x88: {  	s2 =	sld [smem:$0x3FD9]  }
0x89: {  	s3 =	sld [smem:$0x3FFE];
	_ =	sdelay $0x1  }
0x8a: {  	s1 =	srdreg.scid  }
0x8b: {  	s0 =	sand.u32 $0x1, s1  }
0x8c: {  	s17 =	sshll.u32 s0, $0xA;
	s2 =	sadd.s32 s3, s2  }
0x8d: {  	s2 =	sadd.s32 s2, s17  }
0x8e: {  	[smem:$0x3FB5] =	sst s2  }
0x8f: {  	_ = 	snop  }
0x90: {  	(tm) =	ssettm $0x1  }
0x91: {  	s18 =	sld [smem:$0x3FFB];
	_ =	sdelay $0x3  }
0x92: {  	_ =	strace s18  }
0x93: {  	s2 =	sld [smem:$0x3FFC];
	_ =	sdelay $0x3  }
0x94: {  	_ =	strace s2  }
0x95: {  	s2 =	sld [smem:$0x3FFD];
	_ =	sdelay $0x3  }
0x96: {  	_ =	strace s2  }
0x97: {  	_ =	strace $0x8FFFFFFF  }
0x98: {  	s19 =	sld [smem:$0x3FDB];
	_ =	sdelay $0x1  }
0x99: {  	s20 =	simm.s32 $_scs_section_size  }
0x9a: {  	s4 =	simm.s32 $_size__tile_overlayer_lowered;
	s5 =	simm.s32 $_tile_overlayer_lowered  }
0x9b: {  	s6 =	simm.s32 $0x1BFF;
	s21 =	sshll.u32 s5, $0x1;
	s3 =	sadd.s32 s20, s19  }
0x9c: {  	s22 =	simm.s32 $0x0;
	s4 =	sshll.u32 s4, $0x1;
	s5 =	sadd.s32 s21, s3  }
0x9d: {  	[timem:s22], [sflag:s6] =	dma.local [hbm:s5], s4  }
0x9e: {  	_ =	swait.ge [sflag:s6], s4  }
0x9f: {  	s4 =	ssub.s32 $0x0, s4;
	[sflag:s6] =	ssyncset.done $0x0  }
0xa0: {  	[sflag:s6] =	ssyncadd.s32 s4;
	_ =	sdelay $0x1  }
0xa1: {  	s23 =	simm.s32 $0x1B8B  }
0xa2: {  	_ =	swait.ge [sflag:s23], $0x1  }
0xa3: {  	[sflag:s23] =	ssyncset.done $0x0  }
0xa4: {  	[sflag:s23] =	ssyncadd.s32 $0xFFFFFFFF  }
0xa5: {  	s4 =	sld [smem:$0x0]  }
0xa6: {  	s5 =	sand.u32 $0xFFFFFFFE, s1  }
0xa7: {  	p0 =	sne.s32 s1, s5  }
0xa8: {  	s5 =	sshll.u32 @p0 s5, $0xE  }
0xa9: {  	s5 =	sadd.s32 @p0 $0x11B8D, s5;
	s6 =	sshll.u32 @p0 s4, $0x11  }
0xaa: {  	s5 =	sor.u32 @p0 s6, s5  }
0xab: {  	[sflag:s5] =	ssyncadd.remote.s32 @p0 $0x1;
	_ =	sdelay $0x1  }
0xac: {  	s5 =	simm.s32 @p0 $0x1B8D  }
0xad: {  	_ =	swait.eq @p0 [sflag:s5], $0x1  }
0xae: {  	[sflag:s5] =	ssyncadd.s32 @p0 $0xFFFFFFFF  }
0xaf: {  	s6 =	sshll.u32 @!p0 s1, $0xE  }
0xb0: {  	s6 =	sor.u32 @!p0 $0x4000, s6;
	s5 =	simm.s32 @!p0 $0x1B8D  }
0xb1: {  	s4 =	sshll.u32 @!p0 s4, $0x11;
	s6 =	sadd.s32 @!p0 $0x11B8D, s6;
	_ =	swait.eq @!p0 [sflag:s5], $0x1  }
0xb2: {  	s4 =	sor.u32 @!p0 s4, s6;
	[sflag:s5] =	ssyncadd.s32 @!p0 $0xFFFFFFFF  }
0xb3: {  	s25 =	simm.s32 $0x1B8E;
	s24 =	sld [smem:$0x3FFE];
	[sflag:s4] =	ssyncadd.remote.s32 @!p0 $0x1  }
0xb4: {  	s26 =	simm.s32 $execute0_lowered;
	[smem:$0x3FD2] =	sst s25  }
0xb5: {  	s5 =	sshll.u32 s26, $0x1;
	_ =	strace $0x80000049;
	[dreg:$0x1] =	wrdreg $0xFFFFFFFF  }
0xb6: {  	s28 =	simm.s32 $_size_execute0_lowered;
	s3 =	sadd.s32 s3, s5;
	[dreg:$0x0] =	wrdreg $0x0  }
0xb7: {  	s5 =	sshll.u32 s28, $0x1;
	[dreg:$0x2] =	wrdreg s3  }
0xb8: {  	[dreg:$0x3] =	wrdreg s5  }
0xb9: {  	[dreg:$0x4] =	wrdreg $0xC0  }
0xba: {  	_ =	task [dreg:s22], $0x5FFFF  }
0xbb: {  	[dreg:$0x1] =	wrdreg $0xFFFFFFFF  }
0xbc: {  	[dreg:$0x0] =	wrdreg $0x60  }
0xbd: {  	[dreg:$0x2] =	wrdreg s24  }
0xbe: {  	[dreg:$0x3] =	wrdreg $0x68000  }
0xbf: {  	[dreg:$0x4] =	wrdreg $0xA  }
0xc0: {  	_ =	task.clear_ibuf [dreg:s22], $0x5FFFF;
	_ =	strace $0x90000049  }
0xc1: {  	s29 =	simm.s32 $0xA;
	_ =	strace $0x8000004B  }
0xc2: {  	_ =	swait.ge [sflag:s29], $0x1  }
0xc3: {  	[sflag:s29] =	ssyncadd.s32 $0xFFFFFFFF  }
0xc4: {  	_ =	strace $0x9000004B  }
0xc5: {  	_ =	sfence  }
0xc6: {  	s30 =	sld [smem:$0x0];
	_ =	sdelay $0x2  }
0xc7: {  	s31 =	sshll.u32 s1, $0xD;
	s1 =	sshrl.u32 s1, $0x2  }
0xc8: {  	s4 =	sand.u32 $0x4000, s31;
	s1 =	sadd.s32 s1, s30  }
0xc9: {  	s0 =	sor.u32 s4, s0;
	s1 =	sshll.u32 s1, $0x11  }
0xca: {  	s0 =	sor.u32 s1, s0  }
0xcb: {  	s0 =	sadd.s32 $0x8F2B, s0  }
0xcc: {  	[sflag:s0] =	ssyncadd.remote.s32 $0x1  }
0xcd: {  	_ =	sfence.sel $0xFFFF  }
0xce: {  	[dreg:$0x0] =	wrdreg $0xFFFFFFFF;
	(pc) =	sbr.abs _section_cstart, $3  }
0xcf: {  	[dreg:$0x1] =	wrdreg $0xFFFFFFFF  }
0xd0: {  	_ =	task.clear_ibuf [dreg:s22], $0x2FFFF;
	_ =	strace $0x9FFFFFFF  }
0xd1: {  	(tm) =	ssettm $0x7FFFFFFF  }
tec
execute0_lowered:
.L_overlay_start_1:
0x0: {  	(tag) =	ssettag $0x1  }
0x1: {  	s0 =	srdreg.scid;
	s5 =	rddreg [dreg:$0x0]  }
0x2: {  	s2 =	rddreg [dreg:$0x1];
	s4 =	sand.u32 $0x1, s0;
	s0 =	stileid.u32  }
0x3: {  	s3 =	simm.s32 $0x0;
	s14 =	simm.s32 $0x0;
	s7 =	smul.u32 $0x13C00, s0  }
0x4: {  	[smem:$0x7FF] =	sst s3;
	s1 =	sshll.u32 s4, $0x4;
	s9 =	smul.u32 $0x13C000, s4  }
0x5: {  	s28 =	ssub.s32 $0x2, s4;
	s29 =	smul.u32 $0x4F000, s0;
	s4 =	sadd.s32 $0x7B000, s5  }
0x6: {  	s31 =	sshll.u32 s0, $0x6;
	s6 =	sor.u32 s0, s1;
	s1 =	rddreg [dreg:$0x2]  }
0x7: {  	_ =	strace $0x8000004A;
	s11 =	sshrl.u32 s28, $0x1;
	s6 =	smul.u32 $0x500, s6  }
0x8: {  	s8 =	sshrl.u32 s7, $0x3;
	s7 =	sadd.s32 s7, s9;
	s11 =	ssub.s32 s28, s11  }
0x9: {  	s30 =	sshrl.u32 s29, $0x2;
	s26 =	sadd.s32 s8, s5;
	s7 =	sshrl.u32 s7, $0x3  }
0xa: {  	s13 =	sadd.s32 s30, s2;
	s9 =	smax.u32 s11, $0x1;
	s11 =	simm.s32 $0x1  }
0xb: {  	s10 =	sadd.s32 s6, s5;
	s12 =	sadd.s32 s7, s5;
	s5 =	sadd.s32 $0x4800, s26  }
0xc: {  	s6 =	sor.u32 $0x1C01, s31;
	s7 =	sadd.s32 $0x4E6800, s10;
	s8 =	sadd.s32 $0x7B800, s12  }
0xd: {  	s10 =	sshrl.u32 s13, $0x3;
	s12 =	simm.s32 $0x2800;
	s13 =	simm.s32 $0x80  }
.LBB2_1:
0xe: {  	[spmem:s10], [sflag:s6] =	dma.local [hbm:s5], $0x2780  }
0xf: {  	_ =	swait.ge [sflag:s11], $0x2780  }
0x10: {  	[sflag:s11] =	ssyncset.done $0x0  }
0x11: {  	[sflag:s11] =	ssyncadd.s32 $0xFFFFD880  }
0x12: {  	[tilespmem:s3], [sflag:$0x1] =	stream.linear.gather [hbm4b:s7+s3], $0x2800, $0x38;
	[tilespmem:$0x1A400] =	vst v63  }
0x13: {  	_ =	swait.ge [sflag:s11], $0x2800  }
0x14: {  	[sflag:s11] =	ssyncset.done $0x0  }
0x15: {  	[sflag:s11] =	ssyncadd.s32 $0xFFFFD800  }
0x16: {  	[bflag:$0x0] =	sbarrier.arrive $0xFFFF  }
0x17: {  	[tilespmem:s12], [sflag:$0x1] =	stream.linear.gather [hbm4b:s4+s3], $0x4000, $0x38;
	[tilespmem:$0x1A400] =	vst v63  }
0x18: {  	_ =	swait.ge [sflag:s11], $0x4000  }
0x19: {  	[sflag:s11] =	ssyncset.done $0x0  }
0x1a: {  	s15 =	simm.s32 $0x0;
	[sflag:s11] =	ssyncadd.s32 $0xFFFFC000  }
0x1b: {  	[spmem:s2] =	stream.indirect.scatter.add.f32 [tilespmem:s12], [sflag:$0x1], $0x80, s15, s13, $0xb8;
	[tilespmem:$0x1A400] =	vst v63  }
0x1c: {  	_ =	swait.ge [sflag:s11], $0x4000  }
0x1d: {  	s15 =	simm.s32 $0x200;
	[sflag:s11] =	ssyncset.done $0x0  }
.LBB2_2:
0x1e: {  	p0 =	sne.s32 s15, $0x9E00  }
0x1f: {  	[sflag:s11] =	ssyncadd.s32 $0xFFFFC000;
	s16 =	smov.u32 s15;
	s15 =	sadd.s32 $0x200, s15  }
0x20: {  	[tilespmem:s12], [sflag:$0x1] =	stream.linear.gather [hbm4b:s4+s3], $0x4000, $0x38;
	[tilespmem:$0x1A400] =	vst v63  }
0x21: {  	_ =	swait.ge [sflag:s11], $0x4000  }
.Ltmp0:
0x22: {  	[sflag:s11] =	ssyncset.done $0x0;
	(pc) =	sbr.rel @p0 .LBB2_2-.Ltmp0, $4  }
0x23: {  	s16 =	sshra.s32 s16, $0x2;
	[sflag:s11] =	ssyncadd.s32 $0xFFFFC000  }
0x24: {  	[spmem:s2] =	stream.indirect.scatter.add.f32 [tilespmem:s12], [sflag:$0x1], $0x80, s16, s13, $0xb8;
	[tilespmem:$0x1A400] =	vst v63  }
0x25: {  	_ =	swait.ge [sflag:s11], $0x4000  }
0x26: {  	[sflag:s11] =	ssyncset.done $0x0  }
0x27: {  	s14 =	sadd.s32 $0x1, s14  }
0x28: {  	[sflag:s11] =	ssyncadd.s32 $0xFFFFC000;
	p0 =	sne.s32 s14, s9  }
.Ltmp1:
0x29: {  	[bflag:$0x0] =	sbarrier.arrive $0xFFFF;
	(pc) =	sbr.rel @p0 .LBB2_1-.Ltmp1, $4  }
0x2a: {  	[hbm:s8], [sflag:s6] =	dma.local [spmem:s10], $0x2780  }
0x2b: {  	_ =	swait.ge [sflag:s11], $0x2780  }
0x2c: {  	[sflag:s11] =	ssyncset.done $0x0  }
0x2d: {  	[sflag:s11] =	ssyncadd.s32 $0xFFFFD880  }
0x2e: {  	_ =	sfence.sel $0x180000  }
0x2f: {  	[bflag:$0x0] =	sbarrier.arrive $0xFFFF  }
0x30: {  	p0 =	sne.s32 s0, $0x0;
	_ =	strace $0x9000004A  }
0x31: {  	s0 =	sadd.s32 @!p0 $0x100000, s1;
	[bflag:$0x2] =	sbarrier.arrive $0xFFFF  }
0x32: {  	[sflag:s0] =	ssyncadd.tile.s32 @!p0 $0x1;
	_ =	shalt  }
.Lfunc_end2:
_tile_overlayer_lowered:
.L_overlay_start_2:
0x33: {  	(tag) =	ssettag $0x2  }
0x34: {  	s0 =	rddreg [dreg:$0x0];
	s2 =	stileid.u32  }
0x35: {  	s1 =	rddreg [dreg:$0x1];
	p0 =	sne.s32 s2, $0x0  }
0x36: {  	s3 =	rddreg [dreg:$0x2];
	[bflag:$0x3] =	sbarrier.arrive $0xFFFF;
	s2 =	simm.s32 @!p0 $0x1C01  }
0x37: {  	[timem:s3], [sflag:s2] =	dma.local @!p0 [hbm:s0], s1  }
0x38: {  	s0 =	simm.s32 @!p0 $0x1  }
0x39: {  	_ =	swait.ge @!p0 [sflag:s0], s1  }
0x3a: {  	s1 =	ssub.s32 @!p0 $0x0, s1;
	[sflag:s0] =	ssyncset.done @!p0 $0x0  }
0x3b: {  	[sflag:s0] =	ssyncadd.s32 @!p0 s1  }
0x3c: {  	[bflag:$0x3] =	sbarrier.arrive $0xFFFF  }
0x3d: {  	_ =	shalt  }

// kernel: kernel.19.cloned.1.call-start
scs
__scs_entry_jumppad:
0x0: {  	(pc) =	sbr.rel $0x88, $3  }
0x1: {  	(tag) =	ssettag $0x0;
	lr =	simm.s32 $0x1  }
0x2: {  	[smem:$0x3F8E] =	sst lr;
	_ =	strace $0xD0000000  }
0x3: {  	_ = 	snop  }
0x4: {  	_ = 	snop  }
0x5: {  	_ = 	snop  }
0x6: {  	_ = 	snop  }
0x7: {  	_ = 	snop  }
__scs_overlays_trampoline_lowered:
0x8: {  	[smem:$0x3F9D] =	sst s0  }
0x9: {  	[smem:$0x3F9E] =	sst s1  }
0xa: {  	[smem:$0x3F9F] =	sst s2  }
0xb: {  	[smem:$0x3FA0] =	sst s3  }
0xc: {  	[smem:$0x3FA1] =	sst s4  }
0xd: {  	[smem:$0x3FA2] =	sst s5  }
0xe: {  	[smem:$0x3FA3] =	sst s6  }
0xf: {  	[smem:$0x3FA4] =	sst s7  }
0x10: {  	[smem:$0x3FA5] =	sst s8  }
0x11: {  	[smem:$0x3FA6] =	sst s9;
	s0 =	simm.s32 @!p0 $0x0  }
0x12: {  	s1 =	sld [smem:$0x3F8C];
	s0 =	simm.s32 @p0 $0x1  }
0x13: {  	[smem:$0x3FA7] =	sst s0;
	s0 =	simm.s32 @!p1 $0x0  }
0x14: {  	s2 =	sld [smem:$0x3F8B];
	s0 =	simm.s32 @p1 $0x1  }
0x15: {  	[smem:$0x3FA8] =	sst s0;
	s0 =	simm.s32 @!p2 $0x0  }
0x16: {  	s3 =	sld [smem:$0x3FDB];
	s0 =	simm.s32 @p2 $0x1  }
0x17: {  	s4 =	simm.s32 $0x1BF5;
	[smem:$0x3FAA] =	sst s0  }
0x18: {  	s0 =	sld [smem:$0x3F8D];
	_ =	swait.ge [sflag:s4], $0x0  }
0x19: {  	s7 =	sld [smem:$0x3F8E]  }
0x1a: {  	s8 =	sadd.s32 $0xFFFFE003, lr  }
0x1b: {  	s9 =	sadd.s32 $0xFFFFFEF7, lr;
	s5 =	simm.s32 $0xFFFFFFFF;
	p2 =	slt.u32 s8, $0xFFFFF086  }
0x1c: {  	p1 =	slt.u32 s9, $0xF7A;
	s5 =	simm.s32 @!p2 $0x0  }
0x1d: {  	s5 =	simm.s32 @p1 $0x1;
	p0 =	seq.s32 s7, s2  }
0x1e: {  	s7 =	smul.u32 @!p0 $0xF7A, s2;
	p2 =	seq.s32 @!p0 s5, $0x0  }
0x1f: {  	s9 =	smul.u32 $0xF7A, s1;
	s8 =	simm.s32 @!p0 $0x1BF5;
	p2 =	por !p2, p0  }
0x20: {  	[sflag:s8] =	ssyncset.s32 @!p0 $0xFFFFF086;
	s6 =	sadd.s32 @!p0 s3, s7;
	s7 =	simm.s32 @!p0 $0x108  }
0x21: {  	s3 =	sadd.s32 s3, s9;
	s6 =	sadd.s32 @!p0 $0x88, s6;
	s7 =	simm.s32 @p2 $0x1082  }
0x22: {  	[simem:s7], [sflag:s8] =	dma.local @!p0 [hbm:s6], $0xF7A  }
0x23: {  	s9 =	sor.u32 $0xD0000000, s2;
	s6 =	simm.s32 $0x108;
	_ =	swait.ge @!p0 [sflag:s8], $0x0  }
0x24: {  	s3 =	sadd.s32 $0x88, s3;
	s6 =	simm.s32 @!p1 $0x1082;
	[sflag:s4] =	ssyncset.s32 $0xFFFFF086  }
0x25: {  	[simem:s6], [sflag:s4] =	dma.local [hbm:s3], $0xF7A  }
0x26: {  	[smem:$0x3F8E] =	sst s1;
	(tag) =	ssettag s2;
	_ =	strace s9  }
0x27: {  	s1 =	sld [smem:$0x3F9E]  }
0x28: {  	s2 =	sld [smem:$0x3F9F]  }
0x29: {  	s4 =	sld [smem:$0x3FA1]  }
0x2a: {  	p0 =	seq.s32 s5, $0x0;
	s5 =	sld [smem:$0x3FA2]  }
0x2b: {  	s6 =	sld [smem:$0x3FA3]  }
0x2c: {  	s7 =	sld [smem:$0x3FA4]  }
0x2d: {  	s3 =	simm.s32 $0x108;
	s8 =	sld [smem:$0x3FA5]  }
0x2e: {  	s3 =	simm.s32 @!p0 $0x1082;
	s9 =	sld [smem:$0x3FA6]  }
0x2f: {  	lr =	sadd.s32 s0, s3;
	s0 =	sld [smem:$0x3F9D]  }
0x30: {  	s3 =	sld [smem:$0x3FA0]  }
0x31: {  	[smem:$0x3FA9] =	sst s10  }
0x32: {  	s10 =	sld [smem:$0x3FA7];
	_ =	sdelay $0x3  }
0x33: {  	p0 =	seq.s32 s10, $0x1;
	s10 =	sld [smem:$0x3FA9];
	_ =	sdelay $0x3  }
0x34: {  	[smem:$0x3FA9] =	sst s10  }
0x35: {  	s10 =	sld [smem:$0x3FA8];
	_ =	sdelay $0x3  }
0x36: {  	p1 =	seq.s32 s10, $0x1;
	s10 =	sld [smem:$0x3FA9];
	_ =	sdelay $0x3  }
0x37: {  	[smem:$0x3FA9] =	sst s10  }
0x38: {  	s10 =	sld [smem:$0x3FAA]  }
0x39: {  	_ = 	snop;
	(pc) =	sbr.ind lr, $3  }
0x3a: {  	_ = 	snop  }
0x3b: {  	_ = 	snop  }
0x3c: {  	p2 =	seq.s32 s10, $0x1;
	s10 =	sld [smem:$0x3FA9]  }
0x3d: {  	_ =	shalt  }
0x3e: {  	_ =	shalt  }
0x3f: {  	_ =	shalt  }
0x40: {  	_ =	shalt  }
0x41: {  	_ =	shalt  }
0x42: {  	_ =	shalt  }
0x43: {  	_ =	shalt  }
0x44: {  	_ =	shalt  }
0x45: {  	_ =	shalt  }
0x46: {  	_ =	shalt  }
0x47: {  	_ =	shalt  }
0x48: {  	_ =	shalt  }
0x49: {  	_ =	shalt  }
0x4a: {  	_ =	shalt  }
0x4b: {  	_ =	shalt  }
0x4c: {  	_ =	shalt  }
0x4d: {  	_ =	shalt  }
0x4e: {  	_ =	shalt  }
0x4f: {  	_ =	shalt  }
0x50: {  	_ =	shalt  }
0x51: {  	_ =	shalt  }
0x52: {  	_ =	shalt  }
0x53: {  	_ =	shalt  }
0x54: {  	_ =	shalt  }
0x55: {  	_ =	shalt  }
0x56: {  	_ =	shalt  }
0x57: {  	_ =	shalt  }
0x58: {  	_ =	shalt  }
0x59: {  	_ =	shalt  }
0x5a: {  	_ =	shalt  }
0x5b: {  	_ =	shalt  }
0x5c: {  	_ =	shalt  }
0x5d: {  	_ =	shalt  }
0x5e: {  	_ =	shalt  }
0x5f: {  	_ =	shalt  }
0x60: {  	_ =	shalt  }
0x61: {  	_ =	shalt  }
0x62: {  	_ =	shalt  }
0x63: {  	_ =	shalt  }
0x64: {  	_ =	shalt  }
0x65: {  	_ =	shalt  }
0x66: {  	_ =	shalt  }
0x67: {  	_ =	shalt  }
0x68: {  	_ =	shalt  }
0x69: {  	_ =	shalt  }
0x6a: {  	_ =	shalt  }
0x6b: {  	_ =	shalt  }
0x6c: {  	_ =	shalt  }
0x6d: {  	_ =	shalt  }
0x6e: {  	_ =	shalt  }
0x6f: {  	_ =	shalt  }
0x70: {  	_ =	shalt  }
0x71: {  	_ =	shalt  }
0x72: {  	_ =	shalt  }
0x73: {  	_ =	shalt  }
0x74: {  	_ =	shalt  }
0x75: {  	_ =	shalt  }
0x76: {  	_ =	shalt  }
0x77: {  	_ =	shalt  }
0x78: {  	_ =	shalt  }
0x79: {  	_ =	shalt  }
0x7a: {  	_ =	shalt  }
0x7b: {  	_ =	shalt  }
0x7c: {  	_ =	shalt  }
0x7d: {  	_ =	shalt  }
0x7e: {  	_ =	shalt  }
0x7f: {  	_ =	shalt  }
0x80: {  	_ =	shalt  }
0x81: {  	_ =	shalt  }
0x82: {  	_ =	shalt  }
0x83: {  	_ =	shalt  }
0x84: {  	_ =	shalt  }
0x85: {  	_ =	shalt  }
0x86: {  	_ =	shalt  }
0x87: {  	_ =	shalt  }
.Lfunc_end0:
.L_simem_size_0:
called_computation.2_lowered:
.L_overlay_start_0:
0x88: {  	s2 =	sld [smem:$0x3FD9]  }
0x89: {  	s3 =	sld [smem:$0x3FFE];
	_ =	sdelay $0x1  }
0x8a: {  	s1 =	srdreg.scid  }
0x8b: {  	s0 =	sand.u32 $0x1, s1  }
0x8c: {  	s17 =	sshll.u32 s0, $0xA;
	s2 =	sadd.s32 s3, s2  }
0x8d: {  	s2 =	sadd.s32 s2, s17  }
0x8e: {  	[smem:$0x3FB5] =	sst s2  }
0x8f: {  	_ = 	snop  }
0x90: {  	(tm) =	ssettm $0x1  }
0x91: {  	s18 =	sld [smem:$0x3FFB];
	_ =	sdelay $0x3  }
0x92: {  	_ =	strace s18  }
0x93: {  	s2 =	sld [smem:$0x3FFC];
	_ =	sdelay $0x3  }
0x94: {  	_ =	strace s2  }
0x95: {  	s2 =	sld [smem:$0x3FFD];
	_ =	sdelay $0x3  }
0x96: {  	_ =	strace s2  }
0x97: {  	_ =	strace $0x8FFFFFFF  }
0x98: {  	s19 =	sld [smem:$0x3FDB];
	_ =	sdelay $0x1  }
0x99: {  	s20 =	simm.s32 $_scs_section_size  }
0x9a: {  	s4 =	simm.s32 $_size__tile_overlayer_lowered;
	s5 =	simm.s32 $_tile_overlayer_lowered  }
0x9b: {  	s6 =	simm.s32 $0x1BFF;
	s21 =	sshll.u32 s5, $0x1;
	s3 =	sadd.s32 s20, s19  }
0x9c: {  	s22 =	simm.s32 $0x0;
	s4 =	sshll.u32 s4, $0x1;
	s5 =	sadd.s32 s21, s3  }
0x9d: {  	[timem:s22], [sflag:s6] =	dma.local [hbm:s5], s4  }
0x9e: {  	_ =	swait.ge [sflag:s6], s4  }
0x9f: {  	s4 =	ssub.s32 $0x0, s4;
	[sflag:s6] =	ssyncset.done $0x0  }
0xa0: {  	[sflag:s6] =	ssyncadd.s32 s4;
	_ =	sdelay $0x1  }
0xa1: {  	s23 =	simm.s32 $0x1B8B  }
0xa2: {  	_ =	swait.ge [sflag:s23], $0x1  }
0xa3: {  	[sflag:s23] =	ssyncset.done $0x0  }
0xa4: {  	[sflag:s23] =	ssyncadd.s32 $0xFFFFFFFF  }
0xa5: {  	s4 =	sld [smem:$0x0]  }
0xa6: {  	s5 =	sand.u32 $0xFFFFFFFE, s1  }
0xa7: {  	p0 =	sne.s32 s1, s5  }
0xa8: {  	s5 =	sshll.u32 @p0 s5, $0xE  }
0xa9: {  	s5 =	sadd.s32 @p0 $0x11B8D, s5;
	s6 =	sshll.u32 @p0 s4, $0x11  }
0xaa: {  	s5 =	sor.u32 @p0 s6, s5  }
0xab: {  	[sflag:s5] =	ssyncadd.remote.s32 @p0 $0x1;
	_ =	sdelay $0x1  }
0xac: {  	s5 =	simm.s32 @p0 $0x1B8D  }
0xad: {  	_ =	swait.eq @p0 [sflag:s5], $0x1  }
0xae: {  	[sflag:s5] =	ssyncadd.s32 @p0 $0xFFFFFFFF  }
0xaf: {  	s6 =	sshll.u32 @!p0 s1, $0xE  }
0xb0: {  	s6 =	sor.u32 @!p0 $0x4000, s6;
	s5 =	simm.s32 @!p0 $0x1B8D  }
0xb1: {  	s4 =	sshll.u32 @!p0 s4, $0x11;
	s6 =	sadd.s32 @!p0 $0x11B8D, s6;
	_ =	swait.eq @!p0 [sflag:s5], $0x1  }
0xb2: {  	s4 =	sor.u32 @!p0 s4, s6;
	[sflag:s5] =	ssyncadd.s32 @!p0 $0xFFFFFFFF  }
0xb3: {  	s25 =	simm.s32 $0x1B8E;
	s24 =	sld [smem:$0x3FFE];
	[sflag:s4] =	ssyncadd.remote.s32 @!p0 $0x1  }
0xb4: {  	s26 =	simm.s32 $execute0_lowered;
	[smem:$0x3FD2] =	sst s25  }
0xb5: {  	s5 =	sshll.u32 s26, $0x1;
	_ =	strace $0x8000004C;
	[dreg:$0x1] =	wrdreg $0xFFFFFFFF  }
0xb6: {  	s28 =	simm.s32 $_size_execute0_lowered;
	s3 =	sadd.s32 s3, s5;
	[dreg:$0x0] =	wrdreg $0x0  }
0xb7: {  	s5 =	sshll.u32 s28, $0x1;
	[dreg:$0x2] =	wrdreg s3  }
0xb8: {  	[dreg:$0x3] =	wrdreg s5  }
0xb9: {  	[dreg:$0x4] =	wrdreg $0xC0  }
0xba: {  	_ =	task [dreg:s22], $0x5FFFF  }
0xbb: {  	[dreg:$0x1] =	wrdreg $0xFFFFFFFF  }
0xbc: {  	[dreg:$0x0] =	wrdreg $0x60  }
0xbd: {  	[dreg:$0x2] =	wrdreg s24  }
0xbe: {  	[dreg:$0x3] =	wrdreg $0x68000  }
0xbf: {  	[dreg:$0x4] =	wrdreg $0xB  }
0xc0: {  	_ =	task.clear_ibuf [dreg:s22], $0x5FFFF;
	_ =	strace $0x9000004C  }
0xc1: {  	s29 =	simm.s32 $0xB;
	_ =	strace $0x8000004E  }
0xc2: {  	_ =	swait.ge [sflag:s29], $0x1  }
0xc3: {  	[sflag:s29] =	ssyncadd.s32 $0xFFFFFFFF  }
0xc4: {  	_ =	strace $0x9000004E  }
0xc5: {  	_ =	sfence  }
0xc6: {  	s30 =	sld [smem:$0x0];
	_ =	sdelay $0x2  }
0xc7: {  	s31 =	sshll.u32 s1, $0xD;
	s1 =	sshrl.u32 s1, $0x2  }
0xc8: {  	s4 =	sand.u32 $0x4000, s31;
	s1 =	sadd.s32 s1, s30  }
0xc9: {  	s0 =	sor.u32 s4, s0;
	s1 =	sshll.u32 s1, $0x11  }
0xca: {  	s0 =	sor.u32 s1, s0  }
0xcb: {  	s0 =	sadd.s32 $0x8F2B, s0  }
0xcc: {  	[sflag:s0] =	ssyncadd.remote.s32 $0x1  }
0xcd: {  	_ =	sfence.sel $0xFFFF  }
0xce: {  	[dreg:$0x0] =	wrdreg $0xFFFFFFFF;
	(pc) =	sbr.abs _section_cstart, $3  }
0xcf: {  	[dreg:$0x1] =	wrdreg $0xFFFFFFFF  }
0xd0: {  	_ =	task.clear_ibuf [dreg:s22], $0x2FFFF;
	_ =	strace $0x9FFFFFFF  }
0xd1: {  	(tm) =	ssettm $0x7FFFFFFF  }
tec
execute0_lowered:
.L_overlay_start_1:
0x0: {  	(tag) =	ssettag $0x1  }
0x1: {  	s0 =	srdreg.scid;
	s5 =	rddreg [dreg:$0x0]  }
0x2: {  	s2 =	rddreg [dreg:$0x1];
	s4 =	sand.u32 $0x1, s0;
	s0 =	stileid.u32  }
0x3: {  	s3 =	simm.s32 $0x0;
	s14 =	simm.s32 $0x0;
	s7 =	smul.u32 $0x13C00, s0  }
0x4: {  	[smem:$0x7FF] =	sst s3;
	s1 =	sshll.u32 s4, $0x4;
	s9 =	smul.u32 $0x13C000, s4  }
0x5: {  	s28 =	ssub.s32 $0x2, s4;
	s29 =	smul.u32 $0x4F000, s0;
	s4 =	sadd.s32 $0x7B000, s5  }
0x6: {  	s31 =	sshll.u32 s0, $0x6;
	s6 =	sor.u32 s0, s1;
	s1 =	rddreg [dreg:$0x2]  }
0x7: {  	_ =	strace $0x8000004D;
	s11 =	sshrl.u32 s28, $0x1;
	s6 =	smul.u32 $0x500, s6  }
0x8: {  	s8 =	sshrl.u32 s7, $0x3;
	s7 =	sadd.s32 s7, s9;
	s11 =	ssub.s32 s28, s11  }
0x9: {  	s30 =	sshrl.u32 s29, $0x2;
	s26 =	sadd.s32 s8, s5;
	s7 =	sshrl.u32 s7, $0x3  }
0xa: {  	s13 =	sadd.s32 s30, s2;
	s9 =	smax.u32 s11, $0x1;
	s11 =	simm.s32 $0x1  }
0xb: {  	s10 =	sadd.s32 s6, s5;
	s12 =	sadd.s32 s7, s5;
	s5 =	sadd.s32 $0x4800, s26  }
0xc: {  	s6 =	sor.u32 $0x1C01, s31;
	s7 =	sadd.s32 $0x4F0800, s10;
	s8 =	sadd.s32 $0xCA800, s12  }
0xd: {  	s10 =	sshrl.u32 s13, $0x3;
	s12 =	simm.s32 $0x2800;
	s13 =	simm.s32 $0x80  }
.LBB2_1:
0xe: {  	[spmem:s10], [sflag:s6] =	dma.local [hbm:s5], $0x2780  }
0xf: {  	_ =	swait.ge [sflag:s11], $0x2780  }
0x10: {  	[sflag:s11] =	ssyncset.done $0x0  }
0x11: {  	[sflag:s11] =	ssyncadd.s32 $0xFFFFD880  }
0x12: {  	[tilespmem:s3], [sflag:$0x1] =	stream.linear.gather [hbm4b:s7+s3], $0x2800, $0x38;
	[tilespmem:$0x1A400] =	vst v63  }
0x13: {  	_ =	swait.ge [sflag:s11], $0x2800  }
0x14: {  	[sflag:s11] =	ssyncset.done $0x0  }
0x15: {  	[sflag:s11] =	ssyncadd.s32 $0xFFFFD800  }
0x16: {  	[bflag:$0x0] =	sbarrier.arrive $0xFFFF  }
0x17: {  	[tilespmem:s12], [sflag:$0x1] =	stream.linear.gather [hbm4b:s4+s3], $0x4000, $0x38;
	[tilespmem:$0x1A400] =	vst v63  }
0x18: {  	_ =	swait.ge [sflag:s11], $0x4000  }
0x19: {  	[sflag:s11] =	ssyncset.done $0x0  }
0x1a: {  	s15 =	simm.s32 $0x0;
	[sflag:s11] =	ssyncadd.s32 $0xFFFFC000  }
0x1b: {  	[spmem:s2] =	stream.indirect.scatter.add.f32 [tilespmem:s12], [sflag:$0x1], $0x80, s15, s13, $0xb8;
	[tilespmem:$0x1A400] =	vst v63  }
0x1c: {  	_ =	swait.ge [sflag:s11], $0x4000  }
0x1d: {  	s15 =	simm.s32 $0x200;
	[sflag:s11] =	ssyncset.done $0x0  }
.LBB2_2:
0x1e: {  	p0 =	sne.s32 s15, $0x9E00  }
0x1f: {  	[sflag:s11] =	ssyncadd.s32 $0xFFFFC000;
	s16 =	smov.u32 s15;
	s15 =	sadd.s32 $0x200, s15  }
0x20: {  	[tilespmem:s12], [sflag:$0x1] =	stream.linear.gather [hbm4b:s4+s3], $0x4000, $0x38;
	[tilespmem:$0x1A400] =	vst v63  }
0x21: {  	_ =	swait.ge [sflag:s11], $0x4000  }
.Ltmp0:
0x22: {  	[sflag:s11] =	ssyncset.done $0x0;
	(pc) =	sbr.rel @p0 .LBB2_2-.Ltmp0, $4  }
0x23: {  	s16 =	sshra.s32 s16, $0x2;
	[sflag:s11] =	ssyncadd.s32 $0xFFFFC000  }
0x24: {  	[spmem:s2] =	stream.indirect.scatter.add.f32 [tilespmem:s12], [sflag:$0x1], $0x80, s16, s13, $0xb8;
	[tilespmem:$0x1A400] =	vst v63  }
0x25: {  	_ =	swait.ge [sflag:s11], $0x4000  }
0x26: {  	[sflag:s11] =	ssyncset.done $0x0  }
0x27: {  	s14 =	sadd.s32 $0x1, s14  }
0x28: {  	[sflag:s11] =	ssyncadd.s32 $0xFFFFC000;
	p0 =	sne.s32 s14, s9  }
.Ltmp1:
0x29: {  	[bflag:$0x0] =	sbarrier.arrive $0xFFFF;
	(pc) =	sbr.rel @p0 .LBB2_1-.Ltmp1, $4  }
0x2a: {  	[hbm:s8], [sflag:s6] =	dma.local [spmem:s10], $0x2780  }
0x2b: {  	_ =	swait.ge [sflag:s11], $0x2780  }
0x2c: {  	[sflag:s11] =	ssyncset.done $0x0  }
0x2d: {  	[sflag:s11] =	ssyncadd.s32 $0xFFFFD880  }
0x2e: {  	_ =	sfence.sel $0x180000  }
0x2f: {  	[bflag:$0x0] =	sbarrier.arrive $0xFFFF  }
0x30: {  	p0 =	sne.s32 s0, $0x0;
	_ =	strace $0x9000004D  }
0x31: {  	s0 =	sadd.s32 @!p0 $0x100000, s1;
	[bflag:$0x2] =	sbarrier.arrive $0xFFFF  }
0x32: {  	[sflag:s0] =	ssyncadd.tile.s32 @!p0 $0x1;
	_ =	shalt  }
.Lfunc_end2:
_tile_overlayer_lowered:
.L_overlay_start_2:
0x33: {  	(tag) =	ssettag $0x2  }
0x34: {  	s0 =	rddreg [dreg:$0x0];
	s2 =	stileid.u32  }
0x35: {  	s1 =	rddreg [dreg:$0x1];
	p0 =	sne.s32 s2, $0x0  }
0x36: {  	s3 =	rddreg [dreg:$0x2];
	[bflag:$0x3] =	sbarrier.arrive $0xFFFF;
	s2 =	simm.s32 @!p0 $0x1C01  }
0x37: {  	[timem:s3], [sflag:s2] =	dma.local @!p0 [hbm:s0], s1  }
0x38: {  	s0 =	simm.s32 @!p0 $0x1  }
0x39: {  	_ =	swait.ge @!p0 [sflag:s0], s1  }
0x3a: {  	s1 =	ssub.s32 @!p0 $0x0, s1;
	[sflag:s0] =	ssyncset.done @!p0 $0x0  }
0x3b: {  	[sflag:s0] =	ssyncadd.s32 @!p0 s1  }
0x3c: {  	[bflag:$0x3] =	sbarrier.arrive $0xFFFF  }
0x3d: {  	_ =	shalt  }

// kernel: kernel.22.cloned.1.call-start
scs
__scs_entry_jumppad:
0x0: {  	(pc) =	sbr.rel $0x88, $3  }
0x1: {  	(tag) =	ssettag $0x0;
	lr =	simm.s32 $0x1  }
0x2: {  	[smem:$0x3F8E] =	sst lr;
	_ =	strace $0xD0000000  }
0x3: {  	_ = 	snop  }
0x4: {  	_ = 	snop  }
0x5: {  	_ = 	snop  }
0x6: {  	_ = 	snop  }
0x7: {  	_ = 	snop  }
__scs_overlays_trampoline_lowered:
0x8: {  	[smem:$0x3F9D] =	sst s0  }
0x9: {  	[smem:$0x3F9E] =	sst s1  }
0xa: {  	[smem:$0x3F9F] =	sst s2  }
0xb: {  	[smem:$0x3FA0] =	sst s3  }
0xc: {  	[smem:$0x3FA1] =	sst s4  }
0xd: {  	[smem:$0x3FA2] =	sst s5  }
0xe: {  	[smem:$0x3FA3] =	sst s6  }
0xf: {  	[smem:$0x3FA4] =	sst s7  }
0x10: {  	[smem:$0x3FA5] =	sst s8  }
0x11: {  	[smem:$0x3FA6] =	sst s9;
	s0 =	simm.s32 @!p0 $0x0  }
0x12: {  	s1 =	sld [smem:$0x3F8C];
	s0 =	simm.s32 @p0 $0x1  }
0x13: {  	[smem:$0x3FA7] =	sst s0;
	s0 =	simm.s32 @!p1 $0x0  }
0x14: {  	s2 =	sld [smem:$0x3F8B];
	s0 =	simm.s32 @p1 $0x1  }
0x15: {  	[smem:$0x3FA8] =	sst s0;
	s0 =	simm.s32 @!p2 $0x0  }
0x16: {  	s3 =	sld [smem:$0x3FDB];
	s0 =	simm.s32 @p2 $0x1  }
0x17: {  	s4 =	simm.s32 $0x1BF5;
	[smem:$0x3FAA] =	sst s0  }
0x18: {  	s0 =	sld [smem:$0x3F8D];
	_ =	swait.ge [sflag:s4], $0x0  }
0x19: {  	s7 =	sld [smem:$0x3F8E]  }
0x1a: {  	s8 =	sadd.s32 $0xFFFFE003, lr  }
0x1b: {  	s9 =	sadd.s32 $0xFFFFFEF7, lr;
	s5 =	simm.s32 $0xFFFFFFFF;
	p2 =	slt.u32 s8, $0xFFFFF086  }
0x1c: {  	p1 =	slt.u32 s9, $0xF7A;
	s5 =	simm.s32 @!p2 $0x0  }
0x1d: {  	s5 =	simm.s32 @p1 $0x1;
	p0 =	seq.s32 s7, s2  }
0x1e: {  	s7 =	smul.u32 @!p0 $0xF7A, s2;
	p2 =	seq.s32 @!p0 s5, $0x0  }
0x1f: {  	s9 =	smul.u32 $0xF7A, s1;
	s8 =	simm.s32 @!p0 $0x1BF5;
	p2 =	por !p2, p0  }
0x20: {  	[sflag:s8] =	ssyncset.s32 @!p0 $0xFFFFF086;
	s6 =	sadd.s32 @!p0 s3, s7;
	s7 =	simm.s32 @!p0 $0x108  }
0x21: {  	s3 =	sadd.s32 s3, s9;
	s6 =	sadd.s32 @!p0 $0x88, s6;
	s7 =	simm.s32 @p2 $0x1082  }
0x22: {  	[simem:s7], [sflag:s8] =	dma.local @!p0 [hbm:s6], $0xF7A  }
0x23: {  	s9 =	sor.u32 $0xD0000000, s2;
	s6 =	simm.s32 $0x108;
	_ =	swait.ge @!p0 [sflag:s8], $0x0  }
0x24: {  	s3 =	sadd.s32 $0x88, s3;
	s6 =	simm.s32 @!p1 $0x1082;
	[sflag:s4] =	ssyncset.s32 $0xFFFFF086  }
0x25: {  	[simem:s6], [sflag:s4] =	dma.local [hbm:s3], $0xF7A  }
0x26: {  	[smem:$0x3F8E] =	sst s1;
	(tag) =	ssettag s2;
	_ =	strace s9  }
0x27: {  	s1 =	sld [smem:$0x3F9E]  }
0x28: {  	s2 =	sld [smem:$0x3F9F]  }
0x29: {  	s4 =	sld [smem:$0x3FA1]  }
0x2a: {  	p0 =	seq.s32 s5, $0x0;
	s5 =	sld [smem:$0x3FA2]  }
0x2b: {  	s6 =	sld [smem:$0x3FA3]  }
0x2c: {  	s7 =	sld [smem:$0x3FA4]  }
0x2d: {  	s3 =	simm.s32 $0x108;
	s8 =	sld [smem:$0x3FA5]  }
0x2e: {  	s3 =	simm.s32 @!p0 $0x1082;
	s9 =	sld [smem:$0x3FA6]  }
0x2f: {  	lr =	sadd.s32 s0, s3;
	s0 =	sld [smem:$0x3F9D]  }
0x30: {  	s3 =	sld [smem:$0x3FA0]  }
0x31: {  	[smem:$0x3FA9] =	sst s10  }
0x32: {  	s10 =	sld [smem:$0x3FA7];
	_ =	sdelay $0x3  }
0x33: {  	p0 =	seq.s32 s10, $0x1;
	s10 =	sld [smem:$0x3FA9];
	_ =	sdelay $0x3  }
0x34: {  	[smem:$0x3FA9] =	sst s10  }
0x35: {  	s10 =	sld [smem:$0x3FA8];
	_ =	sdelay $0x3  }
0x36: {  	p1 =	seq.s32 s10, $0x1;
	s10 =	sld [smem:$0x3FA9];
	_ =	sdelay $0x3  }
0x37: {  	[smem:$0x3FA9] =	sst s10  }
0x38: {  	s10 =	sld [smem:$0x3FAA]  }
0x39: {  	_ = 	snop;
	(pc) =	sbr.ind lr, $3  }
0x3a: {  	_ = 	snop  }
0x3b: {  	_ = 	snop  }
0x3c: {  	p2 =	seq.s32 s10, $0x1;
	s10 =	sld [smem:$0x3FA9]  }
0x3d: {  	_ =	shalt  }
0x3e: {  	_ =	shalt  }
0x3f: {  	_ =	shalt  }
0x40: {  	_ =	shalt  }
0x41: {  	_ =	shalt  }
0x42: {  	_ =	shalt  }
0x43: {  	_ =	shalt  }
0x44: {  	_ =	shalt  }
0x45: {  	_ =	shalt  }
0x46: {  	_ =	shalt  }
0x47: {  	_ =	shalt  }
0x48: {  	_ =	shalt  }
0x49: {  	_ =	shalt  }
0x4a: {  	_ =	shalt  }
0x4b: {  	_ =	shalt  }
0x4c: {  	_ =	shalt  }
0x4d: {  	_ =	shalt  }
0x4e: {  	_ =	shalt  }
0x4f: {  	_ =	shalt  }
0x50: {  	_ =	shalt  }
0x51: {  	_ =	shalt  }
0x52: {  	_ =	shalt  }
0x53: {  	_ =	shalt  }
0x54: {  	_ =	shalt  }
0x55: {  	_ =	shalt  }
0x56: {  	_ =	shalt  }
0x57: {  	_ =	shalt  }
0x58: {  	_ =	shalt  }
0x59: {  	_ =	shalt  }
0x5a: {  	_ =	shalt  }
0x5b: {  	_ =	shalt  }
0x5c: {  	_ =	shalt  }
0x5d: {  	_ =	shalt  }
0x5e: {  	_ =	shalt  }
0x5f: {  	_ =	shalt  }
0x60: {  	_ =	shalt  }
0x61: {  	_ =	shalt  }
0x62: {  	_ =	shalt  }
0x63: {  	_ =	shalt  }
0x64: {  	_ =	shalt  }
0x65: {  	_ =	shalt  }
0x66: {  	_ =	shalt  }
0x67: {  	_ =	shalt  }
0x68: {  	_ =	shalt  }
0x69: {  	_ =	shalt  }
0x6a: {  	_ =	shalt  }
0x6b: {  	_ =	shalt  }
0x6c: {  	_ =	shalt  }
0x6d: {  	_ =	shalt  }
0x6e: {  	_ =	shalt  }
0x6f: {  	_ =	shalt  }
0x70: {  	_ =	shalt  }
0x71: {  	_ =	shalt  }
0x72: {  	_ =	shalt  }
0x73: {  	_ =	shalt  }
0x74: {  	_ =	shalt  }
0x75: {  	_ =	shalt  }
0x76: {  	_ =	shalt  }
0x77: {  	_ =	shalt  }
0x78: {  	_ =	shalt  }
0x79: {  	_ =	shalt  }
0x7a: {  	_ =	shalt  }
0x7b: {  	_ =	shalt  }
0x7c: {  	_ =	shalt  }
0x7d: {  	_ =	shalt  }
0x7e: {  	_ =	shalt  }
0x7f: {  	_ =	shalt  }
0x80: {  	_ =	shalt  }
0x81: {  	_ =	shalt  }
0x82: {  	_ =	shalt  }
0x83: {  	_ =	shalt  }
0x84: {  	_ =	shalt  }
0x85: {  	_ =	shalt  }
0x86: {  	_ =	shalt  }
0x87: {  	_ =	shalt  }
.Lfunc_end0:
.L_simem_size_0:
called_computation.3_lowered:
.L_overlay_start_0:
0x88: {  	s2 =	sld [smem:$0x3FD9]  }
0x89: {  	s3 =	sld [smem:$0x3FFE];
	_ =	sdelay $0x1  }
0x8a: {  	s1 =	srdreg.scid  }
0x8b: {  	s0 =	sand.u32 $0x1, s1  }
0x8c: {  	s16 =	sshll.u32 s0, $0xA;
	s2 =	sadd.s32 s3, s2  }
0x8d: {  	s2 =	sadd.s32 s2, s16  }
0x8e: {  	[smem:$0x3FB5] =	sst s2  }
0x8f: {  	_ = 	snop  }
0x90: {  	(tm) =	ssettm $0x1  }
0x91: {  	s17 =	sld [smem:$0x3FFB];
	_ =	sdelay $0x3  }
0x92: {  	_ =	strace s17  }
0x93: {  	s2 =	sld [smem:$0x3FFC];
	_ =	sdelay $0x3  }
0x94: {  	_ =	strace s2  }
0x95: {  	s2 =	sld [smem:$0x3FFD];
	_ =	sdelay $0x3  }
0x96: {  	_ =	strace s2  }
0x97: {  	_ =	strace $0x8FFFFFFF  }
0x98: {  	s18 =	sld [smem:$0x3FDB];
	_ =	sdelay $0x1  }
0x99: {  	s19 =	simm.s32 $_scs_section_size  }
0x9a: {  	s4 =	simm.s32 $_size__tile_overlayer_lowered;
	s5 =	simm.s32 $_tile_overlayer_lowered  }
0x9b: {  	s22 =	simm.s32 $0x1BFF;
	s21 =	sshll.u32 s5, $0x1;
	s2 =	sadd.s32 s19, s18  }
0x9c: {  	s6 =	simm.s32 $0x0;
	s20 =	sshll.u32 s4, $0x1;
	s4 =	sadd.s32 s21, s2  }
0x9d: {  	[timem:s6], [sflag:s22] =	dma.local [hbm:s4], s20  }
0x9e: {  	_ =	swait.ge [sflag:s22], s20  }
0x9f: {  	s3 =	ssub.s32 $0x0, s20;
	[sflag:s22] =	ssyncset.done $0x0  }
0xa0: {  	[sflag:s22] =	ssyncadd.s32 s3;
	_ =	sdelay $0x1  }
0xa1: {  	s23 =	simm.s32 $0x1B8B  }
0xa2: {  	_ =	swait.ge [sflag:s23], $0x1  }
0xa3: {  	[sflag:s23] =	ssyncset.done $0x0  }
0xa4: {  	s25 =	simm.s32 $0x1B8E;
	s24 =	sld [smem:$0x3FFE];
	[sflag:s23] =	ssyncadd.s32 $0xFFFFFFFF  }
0xa5: {  	s26 =	simm.s32 $execute0_lowered;
	[smem:$0x3FD2] =	sst s25  }
0xa6: {  	s4 =	sshll.u32 s26, $0x1;
	_ =	strace $0x8000004F;
	[dreg:$0x1] =	wrdreg $0xFFFFFFFF  }
0xa7: {  	s28 =	simm.s32 $_size_execute0_lowered;
	s2 =	sadd.s32 s2, s4;
	[dreg:$0x0] =	wrdreg $0x0  }
0xa8: {  	s4 =	sshll.u32 s28, $0x1;
	[dreg:$0x2] =	wrdreg s2  }
0xa9: {  	[dreg:$0x3] =	wrdreg s4  }
0xaa: {  	[dreg:$0x4] =	wrdreg $0xC0  }
0xab: {  	_ =	task [dreg:s6], $0x5FFFF  }
0xac: {  	[dreg:$0x1] =	wrdreg $0xFFFFFFFF  }
0xad: {  	[dreg:$0x0] =	wrdreg $0x60  }
0xae: {  	[dreg:$0x2] =	wrdreg s24  }
0xaf: {  	[dreg:$0x3] =	wrdreg $0x90000  }
0xb0: {  	[dreg:$0x4] =	wrdreg $0x9  }
0xb1: {  	_ =	task.clear_ibuf [dreg:s6], $0x5FFFF;
	_ =	strace $0x9000004F  }
0xb2: {  	s29 =	simm.s32 $0x9;
	_ =	strace $0x80000051  }
0xb3: {  	_ =	swait.ge [sflag:s29], $0x1  }
0xb4: {  	[sflag:s29] =	ssyncadd.s32 $0xFFFFFFFF  }
0xb5: {  	_ =	strace $0x90000051  }
0xb6: {  	_ =	sfence  }
0xb7: {  	s30 =	sld [smem:$0x0];
	_ =	sdelay $0x2  }
0xb8: {  	s31 =	sshll.u32 s1, $0xD;
	s1 =	sshrl.u32 s1, $0x2  }
0xb9: {  	s3 =	sand.u32 $0x4000, s31;
	s1 =	sadd.s32 s1, s30  }
0xba: {  	s0 =	sor.u32 s3, s0;
	s1 =	sshll.u32 s1, $0x11  }
0xbb: {  	s0 =	sor.u32 s1, s0  }
0xbc: {  	s0 =	sadd.s32 $0x8F2B, s0  }
0xbd: {  	[sflag:s0] =	ssyncadd.remote.s32 $0x1  }
0xbe: {  	_ =	sfence.sel $0xFFFF  }
0xbf: {  	[dreg:$0x0] =	wrdreg $0xFFFFFFFF;
	(pc) =	sbr.abs _section_cstart, $3  }
0xc0: {  	[dreg:$0x1] =	wrdreg $0xFFFFFFFF  }
0xc1: {  	_ =	task.clear_ibuf [dreg:s6], $0x2FFFF;
	_ =	strace $0x9FFFFFFF  }
0xc2: {  	(tm) =	ssettm $0x7FFFFFFF  }
0xc3: {  	_ =	shalt  }
tec
execute0_lowered:
.L_overlay_start_1:
0x0: {  	(tag) =	ssettag $0x1  }
0x1: {  	s0 =	srdreg.scid;
	s6 =	rddreg [dreg:$0x0]  }
0x2: {  	s2 =	rddreg [dreg:$0x1];
	s3 =	simm.s32 $0x0;
	s14 =	simm.s32 $0x80  }
0x3: {  	s15 =	simm.s32 $0x5000;
	s5 =	sand.u32 $0x1, s0;
	s0 =	stileid.u32  }
0x4: {  	s16 =	simm.s32 $0x1;
	s17 =	simm.s32 $0x0;
	s8 =	smul.u32 $0x13C00, s0  }
0x5: {  	[smem:$0x7FF] =	sst s3;
	s1 =	sshll.u32 s5, $0x4;
	s9 =	smul.u32 $0x13C000, s5  }
0x6: {  	s5 =	ssub.s32 $0x2, s5;
	s11 =	smul.u32 $0x4F000, s0;
	s30 =	sshll.u32 s0, $0x6  }
0x7: {  	s4 =	sor.u32 s0, s1;
	s1 =	rddreg [dreg:$0x2];
	_ =	strace $0x80000050  }
0x8: {  	s29 =	sshrl.u32 s5, $0x1;
	s7 =	smul.u32 $0x500, s4;
	s4 =	sadd.s32 $0x2C000, s6  }
0x9: {  	s28 =	sshrl.u32 s8, $0x3;
	s8 =	sadd.s32 s8, s9;
	s31 =	sshrl.u32 s11, $0x2  }
0xa: {  	s13 =	ssub.s32 s5, s29;
	s8 =	sshrl.u32 s8, $0x3;
	s11 =	sadd.s32 s31, s2  }
0xb: {  	s10 =	sadd.s32 s7, s6;
	s7 =	sadd.s32 s28, s6;
	s12 =	sadd.s32 s8, s6  }
0xc: {  	s6 =	sor.u32 $0x1C02, s30;
	s5 =	sadd.s32 $0x4800, s7;
	s7 =	sadd.s32 $0x4E6800, s10  }
0xd: {  	s11 =	sshrl.u32 s11, $0x3;
	s8 =	sadd.s32 $0x4F0800, s10;
	s9 =	sadd.s32 $0x53800, s12  }
0xe: {  	s10 =	smax.u32 s13, $0x1;
	s12 =	simm.s32 $0x2;
	s13 =	simm.s32 $0x2800  }
.LBB2_1:
0xf: {  	[spmem:s11], [sflag:s6] =	dma.local [hbm:s5], $0x2780  }
0x10: {  	_ =	swait.ge [sflag:s12], $0x2780  }
0x11: {  	[sflag:s12] =	ssyncset.done $0x0  }
0x12: {  	[sflag:s12] =	ssyncadd.s32 $0xFFFFD880  }
0x13: {  	[tilespmem:s3], [sflag:$0x2] =	stream.linear.gather [hbm4b:s7+s3], $0x2800, $0x38;
	[tilespmem:$0x1CC00] =	vst v63  }
0x14: {  	_ =	swait.ge [sflag:s12], $0x2800  }
0x15: {  	[sflag:s12] =	ssyncset.done $0x0  }
0x16: {  	[sflag:s12] =	ssyncadd.s32 $0xFFFFD800  }
0x17: {  	[tilespmem:s13], [sflag:$0x2] =	stream.linear.gather [hbm4b:s8+s3], $0x2800, $0x38;
	[tilespmem:$0x1CC00] =	vst v63  }
0x18: {  	_ =	swait.ge [sflag:s12], $0x2800  }
0x19: {  	[sflag:s12] =	ssyncset.done $0x0  }
0x1a: {  	[sflag:s12] =	ssyncadd.s32 $0xFFFFD800  }
0x1b: {  	s18 =	simm.s32 $0x0;
	[bflag:$0x0] =	sbarrier.arrive $0xFFFF  }
0x1c: {  	[tilespmem:s15], [sflag:$0x1] =	stream.indirect.gather [hbm4b:s4+s14], $0x80, s18, s14, $0xb8;
	[tilespmem:$0x1CC00] =	vst v63  }
0x1d: {  	_ =	swait.ge [sflag:s16], $0x4000  }
0x1e: {  	[sflag:s16] =	ssyncset.done $0x0  }
0x1f: {  	s31 =	simm.s32 $0x2800;
	[sflag:s16] =	ssyncadd.s32 $0xFFFFC000  }
0x20: {  	[spmem:s2] =	stream.indirect.scatter.add.f32 [tilespmem:s15], [sflag:$0x2], $0x80, s31, s14, $0xb8;
	[tilespmem:$0x1CC00] =	vst v63  }
0x21: {  	_ =	swait.ge [sflag:s12], $0x4000  }
0x22: {  	s19 =	simm.s32 $0x400;
	s18 =	simm.s32 $0x200;
	[sflag:s12] =	ssyncset.done $0x0  }
.LBB2_2:
0x23: {  	s20 =	sshra.s32 s18, $0x2  }
0x24: {  	[sflag:s12] =	ssyncadd.s32 $0xFFFFC000;
	s18 =	smov.u32 s19;
	s21 =	sadd.s32 $0x200, s19  }
0x25: {  	[tilespmem:s15], [sflag:$0x1] =	stream.indirect.gather [hbm4b:s4+s14], $0x80, s20, s14, $0xb8;
	[tilespmem:$0x1CC00] =	vst v63  }
0x26: {  	p0 =	sne.s32 s19, $0x9E00;
	_ =	swait.ge [sflag:s16], $0x4000  }
.Ltmp0:
0x27: {  	[sflag:s16] =	ssyncset.done $0x0;
	(pc) =	sbr.rel @p0 .LBB2_2-.Ltmp0, $4  }
0x28: {  	s19 =	sadd.s32 $0x2800, s20;
	[sflag:s16] =	ssyncadd.s32 $0xFFFFC000  }
0x29: {  	[spmem:s2] =	stream.indirect.scatter.add.f32 [tilespmem:s15], [sflag:$0x2], $0x80, s19, s14, $0xb8;
	[tilespmem:$0x1CC00] =	vst v63  }
0x2a: {  	_ =	swait.ge [sflag:s12], $0x4000  }
0x2b: {  	s19 =	smov.u32 s21;
	[sflag:s12] =	ssyncset.done $0x0  }
0x2c: {  	s18 =	sshra.s32 s18, $0x2;
	[sflag:s12] =	ssyncadd.s32 $0xFFFFC000  }
0x2d: {  	[tilespmem:s15], [sflag:$0x1] =	stream.indirect.gather [hbm4b:s4+s14], $0x80, s18, s14, $0xb8;
	[tilespmem:$0x1CC00] =	vst v63  }
0x2e: {  	_ =	swait.ge [sflag:s16], $0x4000  }
0x2f: {  	[sflag:s16] =	ssyncset.done $0x0  }
0x30: {  	s18 =	sadd.s32 $0x2800, s18;
	[sflag:s16] =	ssyncadd.s32 $0xFFFFC000  }
0x31: {  	[spmem:s2] =	stream.indirect.scatter.add.f32 [tilespmem:s15], [sflag:$0x2], $0x80, s18, s14, $0xb8;
	[tilespmem:$0x1CC00] =	vst v63  }
0x32: {  	_ =	swait.ge [sflag:s12], $0x4000  }
0x33: {  	s17 =	sadd.s32 $0x1, s17;
	[sflag:s12] =	ssyncset.done $0x0  }
0x34: {  	p0 =	sne.s32 s17, s10;
	[sflag:s12] =	ssyncadd.s32 $0xFFFFC000  }
.Ltmp1:
0x35: {  	[bflag:$0x0] =	sbarrier.arrive $0xFFFF;
	(pc) =	sbr.rel @p0 .LBB2_1-.Ltmp1, $4  }
0x36: {  	[hbm:s9], [sflag:s6] =	dma.local [spmem:s11], $0x2780  }
0x37: {  	_ =	swait.ge [sflag:s12], $0x2780  }
0x38: {  	[sflag:s12] =	ssyncset.done $0x0  }
0x39: {  	[sflag:s12] =	ssyncadd.s32 $0xFFFFD880  }
0x3a: {  	_ =	sfence.sel $0x180000  }
0x3b: {  	[bflag:$0x0] =	sbarrier.arrive $0xFFFF  }
0x3c: {  	p0 =	sne.s32 s0, $0x0;
	_ =	strace $0x90000050  }
0x3d: {  	s0 =	sadd.s32 @!p0 $0x100000, s1;
	[bflag:$0x2] =	sbarrier.arrive $0xFFFF  }
0x3e: {  	[sflag:s0] =	ssyncadd.tile.s32 @!p0 $0x1;
	_ =	shalt  }
.Lfunc_end2:
_tile_overlayer_lowered:
.L_overlay_start_2:
0x3f: {  	(tag) =	ssettag $0x2  }
0x40: {  	s0 =	rddreg [dreg:$0x0];
	s2 =	stileid.u32  }
0x41: {  	s1 =	rddreg [dreg:$0x1];
	p0 =	sne.s32 s2, $0x0  }
0x42: {  	s3 =	rddreg [dreg:$0x2];
	[bflag:$0x3] =	sbarrier.arrive $0xFFFF;
	s2 =	simm.s32 @!p0 $0x1C02  }
0x43: {  	[timem:s3], [sflag:s2] =	dma.local @!p0 [hbm:s0], s1  }
0x44: {  	s0 =	simm.s32 @!p0 $0x2  }
0x45: {  	_ =	swait.ge @!p0 [sflag:s0], s1  }
0x46: {  	s1 =	ssub.s32 @!p0 $0x0, s1;
	[sflag:s0] =	ssyncset.done @!p0 $0x0  }
0x47: {  	[sflag:s0] =	ssyncadd.s32 @!p0 s1  }
0x48: {  	[bflag:$0x3] =	sbarrier.arrive $0xFFFF  }
0x49: {  	_ =	shalt  }

// kernel: kernel.25.cloned.1.call-start
scs
__scs_entry_jumppad:
0x0: {  	(pc) =	sbr.rel $0x88, $3  }
0x1: {  	(tag) =	ssettag $0x0;
	lr =	simm.s32 $0x1  }
0x2: {  	[smem:$0x3F8E] =	sst lr;
	_ =	strace $0xD0000000  }
0x3: {  	_ = 	snop  }
0x4: {  	_ = 	snop  }
0x5: {  	_ = 	snop  }
0x6: {  	_ = 	snop  }
0x7: {  	_ = 	snop  }
__scs_overlays_trampoline_lowered:
0x8: {  	[smem:$0x3F9D] =	sst s0  }
0x9: {  	[smem:$0x3F9E] =	sst s1  }
0xa: {  	[smem:$0x3F9F] =	sst s2  }
0xb: {  	[smem:$0x3FA0] =	sst s3  }
0xc: {  	[smem:$0x3FA1] =	sst s4  }
0xd: {  	[smem:$0x3FA2] =	sst s5  }
0xe: {  	[smem:$0x3FA3] =	sst s6  }
0xf: {  	[smem:$0x3FA4] =	sst s7  }
0x10: {  	[smem:$0x3FA5] =	sst s8  }
0x11: {  	[smem:$0x3FA6] =	sst s9;
	s0 =	simm.s32 @!p0 $0x0  }
0x12: {  	s1 =	sld [smem:$0x3F8C];
	s0 =	simm.s32 @p0 $0x1  }
0x13: {  	[smem:$0x3FA7] =	sst s0;
	s0 =	simm.s32 @!p1 $0x0  }
0x14: {  	s2 =	sld [smem:$0x3F8B];
	s0 =	simm.s32 @p1 $0x1  }
0x15: {  	[smem:$0x3FA8] =	sst s0;
	s0 =	simm.s32 @!p2 $0x0  }
0x16: {  	s3 =	sld [smem:$0x3FDB];
	s0 =	simm.s32 @p2 $0x1  }
0x17: {  	s4 =	simm.s32 $0x1BF5;
	[smem:$0x3FAA] =	sst s0  }
0x18: {  	s0 =	sld [smem:$0x3F8D];
	_ =	swait.ge [sflag:s4], $0x0  }
0x19: {  	s7 =	sld [smem:$0x3F8E]  }
0x1a: {  	s8 =	sadd.s32 $0xFFFFE003, lr  }
0x1b: {  	s9 =	sadd.s32 $0xFFFFFEF7, lr;
	s5 =	simm.s32 $0xFFFFFFFF;
	p2 =	slt.u32 s8, $0xFFFFF086  }
0x1c: {  	p1 =	slt.u32 s9, $0xF7A;
	s5 =	simm.s32 @!p2 $0x0  }
0x1d: {  	s5 =	simm.s32 @p1 $0x1;
	p0 =	seq.s32 s7, s2  }
0x1e: {  	s7 =	smul.u32 @!p0 $0xF7A, s2;
	p2 =	seq.s32 @!p0 s5, $0x0  }
0x1f: {  	s9 =	smul.u32 $0xF7A, s1;
	s8 =	simm.s32 @!p0 $0x1BF5;
	p2 =	por !p2, p0  }
0x20: {  	[sflag:s8] =	ssyncset.s32 @!p0 $0xFFFFF086;
	s6 =	sadd.s32 @!p0 s3, s7;
	s7 =	simm.s32 @!p0 $0x108  }
0x21: {  	s3 =	sadd.s32 s3, s9;
	s6 =	sadd.s32 @!p0 $0x88, s6;
	s7 =	simm.s32 @p2 $0x1082  }
0x22: {  	[simem:s7], [sflag:s8] =	dma.local @!p0 [hbm:s6], $0xF7A  }
0x23: {  	s9 =	sor.u32 $0xD0000000, s2;
	s6 =	simm.s32 $0x108;
	_ =	swait.ge @!p0 [sflag:s8], $0x0  }
0x24: {  	s3 =	sadd.s32 $0x88, s3;
	s6 =	simm.s32 @!p1 $0x1082;
	[sflag:s4] =	ssyncset.s32 $0xFFFFF086  }
0x25: {  	[simem:s6], [sflag:s4] =	dma.local [hbm:s3], $0xF7A  }
0x26: {  	[smem:$0x3F8E] =	sst s1;
	(tag) =	ssettag s2;
	_ =	strace s9  }
0x27: {  	s1 =	sld [smem:$0x3F9E]  }
0x28: {  	s2 =	sld [smem:$0x3F9F]  }
0x29: {  	s4 =	sld [smem:$0x3FA1]  }
0x2a: {  	p0 =	seq.s32 s5, $0x0;
	s5 =	sld [smem:$0x3FA2]  }
0x2b: {  	s6 =	sld [smem:$0x3FA3]  }
0x2c: {  	s7 =	sld [smem:$0x3FA4]  }
0x2d: {  	s3 =	simm.s32 $0x108;
	s8 =	sld [smem:$0x3FA5]  }
0x2e: {  	s3 =	simm.s32 @!p0 $0x1082;
	s9 =	sld [smem:$0x3FA6]  }
0x2f: {  	lr =	sadd.s32 s0, s3;
	s0 =	sld [smem:$0x3F9D]  }
0x30: {  	s3 =	sld [smem:$0x3FA0]  }
0x31: {  	[smem:$0x3FA9] =	sst s10  }
0x32: {  	s10 =	sld [smem:$0x3FA7];
	_ =	sdelay $0x3  }
0x33: {  	p0 =	seq.s32 s10, $0x1;
	s10 =	sld [smem:$0x3FA9];
	_ =	sdelay $0x3  }
0x34: {  	[smem:$0x3FA9] =	sst s10  }
0x35: {  	s10 =	sld [smem:$0x3FA8];
	_ =	sdelay $0x3  }
0x36: {  	p1 =	seq.s32 s10, $0x1;
	s10 =	sld [smem:$0x3FA9];
	_ =	sdelay $0x3  }
0x37: {  	[smem:$0x3FA9] =	sst s10  }
0x38: {  	s10 =	sld [smem:$0x3FAA]  }
0x39: {  	_ = 	snop;
	(pc) =	sbr.ind lr, $3  }
0x3a: {  	_ = 	snop  }
0x3b: {  	_ = 	snop  }
0x3c: {  	p2 =	seq.s32 s10, $0x1;
	s10 =	sld [smem:$0x3FA9]  }
0x3d: {  	_ =	shalt  }
0x3e: {  	_ =	shalt  }
0x3f: {  	_ =	shalt  }
0x40: {  	_ =	shalt  }
0x41: {  	_ =	shalt  }
0x42: {  	_ =	shalt  }
0x43: {  	_ =	shalt  }
0x44: {  	_ =	shalt  }
0x45: {  	_ =	shalt  }
0x46: {  	_ =	shalt  }
0x47: {  	_ =	shalt  }
0x48: {  	_ =	shalt  }
0x49: {  	_ =	shalt  }
0x4a: {  	_ =	shalt  }
0x4b: {  	_ =	shalt  }
0x4c: {  	_ =	shalt  }
0x4d: {  	_ =	shalt  }
0x4e: {  	_ =	shalt  }
0x4f: {  	_ =	shalt  }
0x50: {  	_ =	shalt  }
0x51: {  	_ =	shalt  }
0x52: {  	_ =	shalt  }
0x53: {  	_ =	shalt  }
0x54: {  	_ =	shalt  }
0x55: {  	_ =	shalt  }
0x56: {  	_ =	shalt  }
0x57: {  	_ =	shalt  }
0x58: {  	_ =	shalt  }
0x59: {  	_ =	shalt  }
0x5a: {  	_ =	shalt  }
0x5b: {  	_ =	shalt  }
0x5c: {  	_ =	shalt  }
0x5d: {  	_ =	shalt  }
0x5e: {  	_ =	shalt  }
0x5f: {  	_ =	shalt  }
0x60: {  	_ =	shalt  }
0x61: {  	_ =	shalt  }
0x62: {  	_ =	shalt  }
0x63: {  	_ =	shalt  }
0x64: {  	_ =	shalt  }
0x65: {  	_ =	shalt  }
0x66: {  	_ =	shalt  }
0x67: {  	_ =	shalt  }
0x68: {  	_ =	shalt  }
0x69: {  	_ =	shalt  }
0x6a: {  	_ =	shalt  }
0x6b: {  	_ =	shalt  }
0x6c: {  	_ =	shalt  }
0x6d: {  	_ =	shalt  }
0x6e: {  	_ =	shalt  }
0x6f: {  	_ =	shalt  }
0x70: {  	_ =	shalt  }
0x71: {  	_ =	shalt  }
0x72: {  	_ =	shalt  }
0x73: {  	_ =	shalt  }
0x74: {  	_ =	shalt  }
0x75: {  	_ =	shalt  }
0x76: {  	_ =	shalt  }
0x77: {  	_ =	shalt  }
0x78: {  	_ =	shalt  }
0x79: {  	_ =	shalt  }
0x7a: {  	_ =	shalt  }
0x7b: {  	_ =	shalt  }
0x7c: {  	_ =	shalt  }
0x7d: {  	_ =	shalt  }
0x7e: {  	_ =	shalt  }
0x7f: {  	_ =	shalt  }
0x80: {  	_ =	shalt  }
0x81: {  	_ =	shalt  }
0x82: {  	_ =	shalt  }
0x83: {  	_ =	shalt  }
0x84: {  	_ =	shalt  }
0x85: {  	_ =	shalt  }
0x86: {  	_ =	shalt  }
0x87: {  	_ =	shalt  }
.Lfunc_end0:
.L_simem_size_0:
called_computation.4_lowered:
.L_overlay_start_0:
0x88: {  	s2 =	sld [smem:$0x3FD9]  }
0x89: {  	s3 =	sld [smem:$0x3FFE];
	_ =	sdelay $0x1  }
0x8a: {  	s1 =	srdreg.scid  }
0x8b: {  	s0 =	sand.u32 $0x1, s1  }
0x8c: {  	s16 =	sshll.u32 s0, $0xA;
	s2 =	sadd.s32 s3, s2  }
0x8d: {  	s2 =	sadd.s32 s2, s16  }
0x8e: {  	[smem:$0x3FB5] =	sst s2  }
0x8f: {  	_ = 	snop  }
0x90: {  	(tm) =	ssettm $0x1  }
0x91: {  	s17 =	sld [smem:$0x3FFB];
	_ =	sdelay $0x3  }
0x92: {  	_ =	strace s17  }
0x93: {  	s2 =	sld [smem:$0x3FFC];
	_ =	sdelay $0x3  }
0x94: {  	_ =	strace s2  }
0x95: {  	s2 =	sld [smem:$0x3FFD];
	_ =	sdelay $0x3  }
0x96: {  	_ =	strace s2  }
0x97: {  	_ =	strace $0x8FFFFFFF  }
0x98: {  	s18 =	sld [smem:$0x3FDB];
	_ =	sdelay $0x1  }
0x99: {  	s19 =	simm.s32 $_scs_section_size  }
0x9a: {  	s4 =	simm.s32 $_size__tile_overlayer_lowered;
	s5 =	simm.s32 $_tile_overlayer_lowered  }
0x9b: {  	s22 =	simm.s32 $0x1BFF;
	s21 =	sshll.u32 s5, $0x1;
	s2 =	sadd.s32 s19, s18  }
0x9c: {  	s6 =	simm.s32 $0x0;
	s20 =	sshll.u32 s4, $0x1;
	s4 =	sadd.s32 s21, s2  }
0x9d: {  	[timem:s6], [sflag:s22] =	dma.local [hbm:s4], s20  }
0x9e: {  	_ =	swait.ge [sflag:s22], s20  }
0x9f: {  	s3 =	ssub.s32 $0x0, s20;
	[sflag:s22] =	ssyncset.done $0x0  }
0xa0: {  	[sflag:s22] =	ssyncadd.s32 s3;
	_ =	sdelay $0x1  }
0xa1: {  	s23 =	simm.s32 $0x1B8B  }
0xa2: {  	_ =	swait.ge [sflag:s23], $0x1  }
0xa3: {  	[sflag:s23] =	ssyncset.done $0x0  }
0xa4: {  	s25 =	simm.s32 $0x1B8E;
	s24 =	sld [smem:$0x3FFE];
	[sflag:s23] =	ssyncadd.s32 $0xFFFFFFFF  }
0xa5: {  	s26 =	simm.s32 $execute0_lowered;
	[smem:$0x3FD2] =	sst s25  }
0xa6: {  	s4 =	sshll.u32 s26, $0x1;
	_ =	strace $0x80000052;
	[dreg:$0x1] =	wrdreg $0xFFFFFFFF  }
0xa7: {  	s28 =	simm.s32 $_size_execute0_lowered;
	s2 =	sadd.s32 s2, s4;
	[dreg:$0x0] =	wrdreg $0x0  }
0xa8: {  	s4 =	sshll.u32 s28, $0x1;
	[dreg:$0x2] =	wrdreg s2  }
0xa9: {  	[dreg:$0x3] =	wrdreg s4  }
0xaa: {  	[dreg:$0x4] =	wrdreg $0xC0  }
0xab: {  	_ =	task [dreg:s6], $0x5FFFF  }
0xac: {  	[dreg:$0x1] =	wrdreg $0xFFFFFFFF  }
0xad: {  	[dreg:$0x0] =	wrdreg $0x60  }
0xae: {  	[dreg:$0x2] =	wrdreg s24  }
0xaf: {  	[dreg:$0x3] =	wrdreg $0x90000  }
0xb0: {  	[dreg:$0x4] =	wrdreg $0x9  }
0xb1: {  	_ =	task.clear_ibuf [dreg:s6], $0x5FFFF;
	_ =	strace $0x90000052  }
0xb2: {  	s29 =	simm.s32 $0x9;
	_ =	strace $0x80000054  }
0xb3: {  	_ =	swait.ge [sflag:s29], $0x1  }
0xb4: {  	[sflag:s29] =	ssyncadd.s32 $0xFFFFFFFF  }
0xb5: {  	_ =	strace $0x90000054  }
0xb6: {  	_ =	sfence  }
0xb7: {  	s30 =	sld [smem:$0x0];
	_ =	sdelay $0x2  }
0xb8: {  	s31 =	sshll.u32 s1, $0xD;
	s1 =	sshrl.u32 s1, $0x2  }
0xb9: {  	s3 =	sand.u32 $0x4000, s31;
	s1 =	sadd.s32 s1, s30  }
0xba: {  	s0 =	sor.u32 s3, s0;
	s1 =	sshll.u32 s1, $0x11  }
0xbb: {  	s0 =	sor.u32 s1, s0  }
0xbc: {  	s0 =	sadd.s32 $0x8F2B, s0  }
0xbd: {  	[sflag:s0] =	ssyncadd.remote.s32 $0x1  }
0xbe: {  	_ =	sfence.sel $0xFFFF  }
0xbf: {  	[dreg:$0x0] =	wrdreg $0xFFFFFFFF;
	(pc) =	sbr.abs _section_cstart, $3  }
0xc0: {  	[dreg:$0x1] =	wrdreg $0xFFFFFFFF  }
0xc1: {  	_ =	task.clear_ibuf [dreg:s6], $0x2FFFF;
	_ =	strace $0x9FFFFFFF  }
0xc2: {  	(tm) =	ssettm $0x7FFFFFFF  }
0xc3: {  	_ =	shalt  }
tec
execute0_lowered:
.L_overlay_start_1:
0x0: {  	(tag) =	ssettag $0x1  }
0x1: {  	s0 =	srdreg.scid;
	s6 =	rddreg [dreg:$0x0]  }
0x2: {  	s2 =	rddreg [dreg:$0x1];
	s3 =	simm.s32 $0x0;
	s14 =	simm.s32 $0x80  }
0x3: {  	s15 =	simm.s32 $0x5000;
	s5 =	sand.u32 $0x1, s0;
	s0 =	stileid.u32  }
0x4: {  	s16 =	simm.s32 $0x1;
	s17 =	simm.s32 $0x0;
	s8 =	smul.u32 $0x13C00, s0  }
0x5: {  	[smem:$0x7FF] =	sst s3;
	s1 =	sshll.u32 s5, $0x4;
	s9 =	smul.u32 $0x13C000, s5  }
0x6: {  	s5 =	ssub.s32 $0x2, s5;
	s11 =	smul.u32 $0x4F000, s0;
	s30 =	sshll.u32 s0, $0x6  }
0x7: {  	s4 =	sor.u32 s0, s1;
	s1 =	rddreg [dreg:$0x2];
	_ =	strace $0x80000053  }
0x8: {  	s29 =	sshrl.u32 s5, $0x1;
	s7 =	smul.u32 $0x500, s4;
	s4 =	sadd.s32 $0x2C000, s6  }
0x9: {  	s28 =	sshrl.u32 s8, $0x3;
	s8 =	sadd.s32 s8, s9;
	s31 =	sshrl.u32 s11, $0x2  }
0xa: {  	s13 =	ssub.s32 s5, s29;
	s8 =	sshrl.u32 s8, $0x3;
	s11 =	sadd.s32 s31, s2  }
0xb: {  	s10 =	sadd.s32 s7, s6;
	s7 =	sadd.s32 s28, s6;
	s12 =	sadd.s32 s8, s6  }
0xc: {  	s6 =	sor.u32 $0x1C02, s30;
	s5 =	sadd.s32 $0x4800, s7;
	s7 =	sadd.s32 $0x4E6800, s10  }
0xd: {  	s11 =	sshrl.u32 s11, $0x3;
	s8 =	sadd.s32 $0x4F0800, s10;
	s9 =	sadd.s32 $0x53800, s12  }
0xe: {  	s10 =	smax.u32 s13, $0x1;
	s12 =	simm.s32 $0x2;
	s13 =	simm.s32 $0x2800  }
.LBB2_1:
0xf: {  	[spmem:s11], [sflag:s6] =	dma.local [hbm:s5], $0x2780  }
0x10: {  	_ =	swait.ge [sflag:s12], $0x2780  }
0x11: {  	[sflag:s12] =	ssyncset.done $0x0  }
0x12: {  	[sflag:s12] =	ssyncadd.s32 $0xFFFFD880  }
0x13: {  	[tilespmem:s3], [sflag:$0x2] =	stream.linear.gather [hbm4b:s7+s3], $0x2800, $0x38;
	[tilespmem:$0x1CC00] =	vst v63  }
0x14: {  	_ =	swait.ge [sflag:s12], $0x2800  }
0x15: {  	[sflag:s12] =	ssyncset.done $0x0  }
0x16: {  	[sflag:s12] =	ssyncadd.s32 $0xFFFFD800  }
0x17: {  	[tilespmem:s13], [sflag:$0x2] =	stream.linear.gather [hbm4b:s8+s3], $0x2800, $0x38;
	[tilespmem:$0x1CC00] =	vst v63  }
0x18: {  	_ =	swait.ge [sflag:s12], $0x2800  }
0x19: {  	[sflag:s12] =	ssyncset.done $0x0  }
0x1a: {  	[sflag:s12] =	ssyncadd.s32 $0xFFFFD800  }
0x1b: {  	s18 =	simm.s32 $0x0;
	[bflag:$0x0] =	sbarrier.arrive $0xFFFF  }
0x1c: {  	[tilespmem:s15], [sflag:$0x1] =	stream.indirect.gather [hbm4b:s4+s14], $0x80, s18, s14, $0xb8;
	[tilespmem:$0x1CC00] =	vst v63  }
0x1d: {  	_ =	swait.ge [sflag:s16], $0x4000  }
0x1e: {  	[sflag:s16] =	ssyncset.done $0x0  }
0x1f: {  	s31 =	simm.s32 $0x2800;
	[sflag:s16] =	ssyncadd.s32 $0xFFFFC000  }
0x20: {  	[spmem:s2] =	stream.indirect.scatter.add.f32 [tilespmem:s15], [sflag:$0x2], $0x80, s31, s14, $0xb8;
	[tilespmem:$0x1CC00] =	vst v63  }
0x21: {  	_ =	swait.ge [sflag:s12], $0x4000  }
0x22: {  	s19 =	simm.s32 $0x400;
	s18 =	simm.s32 $0x200;
	[sflag:s12] =	ssyncset.done $0x0  }
.LBB2_2:
0x23: {  	s20 =	sshra.s32 s18, $0x2  }
0x24: {  	[sflag:s12] =	ssyncadd.s32 $0xFFFFC000;
	s18 =	smov.u32 s19;
	s21 =	sadd.s32 $0x200, s19  }
0x25: {  	[tilespmem:s15], [sflag:$0x1] =	stream.indirect.gather [hbm4b:s4+s14], $0x80, s20, s14, $0xb8;
	[tilespmem:$0x1CC00] =	vst v63  }
0x26: {  	p0 =	sne.s32 s19, $0x9E00;
	_ =	swait.ge [sflag:s16], $0x4000  }
.Ltmp0:
0x27: {  	[sflag:s16] =	ssyncset.done $0x0;
	(pc) =	sbr.rel @p0 .LBB2_2-.Ltmp0, $4  }
0x28: {  	s19 =	sadd.s32 $0x2800, s20;
	[sflag:s16] =	ssyncadd.s32 $0xFFFFC000  }
0x29: {  	[spmem:s2] =	stream.indirect.scatter.add.f32 [tilespmem:s15], [sflag:$0x2], $0x80, s19, s14, $0xb8;
	[tilespmem:$0x1CC00] =	vst v63  }
0x2a: {  	_ =	swait.ge [sflag:s12], $0x4000  }
0x2b: {  	s19 =	smov.u32 s21;
	[sflag:s12] =	ssyncset.done $0x0  }
0x2c: {  	s18 =	sshra.s32 s18, $0x2;
	[sflag:s12] =	ssyncadd.s32 $0xFFFFC000  }
0x2d: {  	[tilespmem:s15], [sflag:$0x1] =	stream.indirect.gather [hbm4b:s4+s14], $0x80, s18, s14, $0xb8;
	[tilespmem:$0x1CC00] =	vst v63  }
0x2e: {  	_ =	swait.ge [sflag:s16], $0x4000  }
0x2f: {  	[sflag:s16] =	ssyncset.done $0x0  }
0x30: {  	s18 =	sadd.s32 $0x2800, s18;
	[sflag:s16] =	ssyncadd.s32 $0xFFFFC000  }
0x31: {  	[spmem:s2] =	stream.indirect.scatter.add.f32 [tilespmem:s15], [sflag:$0x2], $0x80, s18, s14, $0xb8;
	[tilespmem:$0x1CC00] =	vst v63  }
0x32: {  	_ =	swait.ge [sflag:s12], $0x4000  }
0x33: {  	s17 =	sadd.s32 $0x1, s17;
	[sflag:s12] =	ssyncset.done $0x0  }
0x34: {  	p0 =	sne.s32 s17, s10;
	[sflag:s12] =	ssyncadd.s32 $0xFFFFC000  }
.Ltmp1:
0x35: {  	[bflag:$0x0] =	sbarrier.arrive $0xFFFF;
	(pc) =	sbr.rel @p0 .LBB2_1-.Ltmp1, $4  }
0x36: {  	[hbm:s9], [sflag:s6] =	dma.local [spmem:s11], $0x2780  }
0x37: {  	_ =	swait.ge [sflag:s12], $0x2780  }
0x38: {  	[sflag:s12] =	ssyncset.done $0x0  }
0x39: {  	[sflag:s12] =	ssyncadd.s32 $0xFFFFD880  }
0x3a: {  	_ =	sfence.sel $0x180000  }
0x3b: {  	[bflag:$0x0] =	sbarrier.arrive $0xFFFF  }
0x3c: {  	p0 =	sne.s32 s0, $0x0;
	_ =	strace $0x90000053  }
0x3d: {  	s0 =	sadd.s32 @!p0 $0x100000, s1;
	[bflag:$0x2] =	sbarrier.arrive $0xFFFF  }
0x3e: {  	[sflag:s0] =	ssyncadd.tile.s32 @!p0 $0x1;
	_ =	shalt  }
.Lfunc_end2:
_tile_overlayer_lowered:
.L_overlay_start_2:
0x3f: {  	(tag) =	ssettag $0x2  }
0x40: {  	s0 =	rddreg [dreg:$0x0];
	s2 =	stileid.u32  }
0x41: {  	s1 =	rddreg [dreg:$0x1];
	p0 =	sne.s32 s2, $0x0  }
0x42: {  	s3 =	rddreg [dreg:$0x2];
	[bflag:$0x3] =	sbarrier.arrive $0xFFFF;
	s2 =	simm.s32 @!p0 $0x1C02  }
0x43: {  	[timem:s3], [sflag:s2] =	dma.local @!p0 [hbm:s0], s1  }
0x44: {  	s0 =	simm.s32 @!p0 $0x2  }
0x45: {  	_ =	swait.ge @!p0 [sflag:s0], s1  }
0x46: {  	s1 =	ssub.s32 @!p0 $0x0, s1;
	[sflag:s0] =	ssyncset.done @!p0 $0x0  }
0x47: {  	[sflag:s0] =	ssyncadd.s32 @!p0 s1  }
0x48: {  	[bflag:$0x3] =	sbarrier.arrive $0xFFFF  }
0x49: {  	_ =	shalt  }

// kernel: kernel.28.cloned.1.call-start
scs
__scs_entry_jumppad:
0x0: {  	(pc) =	sbr.rel $0x88, $3  }
0x1: {  	(tag) =	ssettag $0x0;
	lr =	simm.s32 $0x1  }
0x2: {  	[smem:$0x3F8E] =	sst lr;
	_ =	strace $0xD0000000  }
0x3: {  	_ = 	snop  }
0x4: {  	_ = 	snop  }
0x5: {  	_ = 	snop  }
0x6: {  	_ = 	snop  }
0x7: {  	_ = 	snop  }
__scs_overlays_trampoline_lowered:
0x8: {  	[smem:$0x3F9D] =	sst s0  }
0x9: {  	[smem:$0x3F9E] =	sst s1  }
0xa: {  	[smem:$0x3F9F] =	sst s2  }
0xb: {  	[smem:$0x3FA0] =	sst s3  }
0xc: {  	[smem:$0x3FA1] =	sst s4  }
0xd: {  	[smem:$0x3FA2] =	sst s5  }
0xe: {  	[smem:$0x3FA3] =	sst s6  }
0xf: {  	[smem:$0x3FA4] =	sst s7  }
0x10: {  	[smem:$0x3FA5] =	sst s8  }
0x11: {  	[smem:$0x3FA6] =	sst s9;
	s0 =	simm.s32 @!p0 $0x0  }
0x12: {  	s1 =	sld [smem:$0x3F8C];
	s0 =	simm.s32 @p0 $0x1  }
0x13: {  	[smem:$0x3FA7] =	sst s0;
	s0 =	simm.s32 @!p1 $0x0  }
0x14: {  	s2 =	sld [smem:$0x3F8B];
	s0 =	simm.s32 @p1 $0x1  }
0x15: {  	[smem:$0x3FA8] =	sst s0;
	s0 =	simm.s32 @!p2 $0x0  }
0x16: {  	s3 =	sld [smem:$0x3FDB];
	s0 =	simm.s32 @p2 $0x1  }
0x17: {  	s4 =	simm.s32 $0x1BF5;
	[smem:$0x3FAA] =	sst s0  }
0x18: {  	s0 =	sld [smem:$0x3F8D];
	_ =	swait.ge [sflag:s4], $0x0  }
0x19: {  	s7 =	sld [smem:$0x3F8E]  }
0x1a: {  	s8 =	sadd.s32 $0xFFFFE003, lr  }
0x1b: {  	s9 =	sadd.s32 $0xFFFFFEF7, lr;
	s5 =	simm.s32 $0xFFFFFFFF;
	p2 =	slt.u32 s8, $0xFFFFF086  }
0x1c: {  	p1 =	slt.u32 s9, $0xF7A;
	s5 =	simm.s32 @!p2 $0x0  }
0x1d: {  	s5 =	simm.s32 @p1 $0x1;
	p0 =	seq.s32 s7, s2  }
0x1e: {  	s7 =	smul.u32 @!p0 $0xF7A, s2;
	p2 =	seq.s32 @!p0 s5, $0x0  }
0x1f: {  	s9 =	smul.u32 $0xF7A, s1;
	s8 =	simm.s32 @!p0 $0x1BF5;
	p2 =	por !p2, p0  }
0x20: {  	[sflag:s8] =	ssyncset.s32 @!p0 $0xFFFFF086;
	s6 =	sadd.s32 @!p0 s3, s7;
	s7 =	simm.s32 @!p0 $0x108  }
0x21: {  	s3 =	sadd.s32 s3, s9;
	s6 =	sadd.s32 @!p0 $0x88, s6;
	s7 =	simm.s32 @p2 $0x1082  }
0x22: {  	[simem:s7], [sflag:s8] =	dma.local @!p0 [hbm:s6], $0xF7A  }
0x23: {  	s9 =	sor.u32 $0xD0000000, s2;
	s6 =	simm.s32 $0x108;
	_ =	swait.ge @!p0 [sflag:s8], $0x0  }
0x24: {  	s3 =	sadd.s32 $0x88, s3;
	s6 =	simm.s32 @!p1 $0x1082;
	[sflag:s4] =	ssyncset.s32 $0xFFFFF086  }
0x25: {  	[simem:s6], [sflag:s4] =	dma.local [hbm:s3], $0xF7A  }
0x26: {  	[smem:$0x3F8E] =	sst s1;
	(tag) =	ssettag s2;
	_ =	strace s9  }
0x27: {  	s1 =	sld [smem:$0x3F9E]  }
0x28: {  	s2 =	sld [smem:$0x3F9F]  }
0x29: {  	s4 =	sld [smem:$0x3FA1]  }
0x2a: {  	p0 =	seq.s32 s5, $0x0;
	s5 =	sld [smem:$0x3FA2]  }
0x2b: {  	s6 =	sld [smem:$0x3FA3]  }
0x2c: {  	s7 =	sld [smem:$0x3FA4]  }
0x2d: {  	s3 =	simm.s32 $0x108;
	s8 =	sld [smem:$0x3FA5]  }
0x2e: {  	s3 =	simm.s32 @!p0 $0x1082;
	s9 =	sld [smem:$0x3FA6]  }
0x2f: {  	lr =	sadd.s32 s0, s3;
	s0 =	sld [smem:$0x3F9D]  }
0x30: {  	s3 =	sld [smem:$0x3FA0]  }
0x31: {  	[smem:$0x3FA9] =	sst s10  }
0x32: {  	s10 =	sld [smem:$0x3FA7];
	_ =	sdelay $0x3  }
0x33: {  	p0 =	seq.s32 s10, $0x1;
	s10 =	sld [smem:$0x3FA9];
	_ =	sdelay $0x3  }
0x34: {  	[smem:$0x3FA9] =	sst s10  }
0x35: {  	s10 =	sld [smem:$0x3FA8];
	_ =	sdelay $0x3  }
0x36: {  	p1 =	seq.s32 s10, $0x1;
	s10 =	sld [smem:$0x3FA9];
	_ =	sdelay $0x3  }
0x37: {  	[smem:$0x3FA9] =	sst s10  }
0x38: {  	s10 =	sld [smem:$0x3FAA]  }
0x39: {  	_ = 	snop;
	(pc) =	sbr.ind lr, $3  }
0x3a: {  	_ = 	snop  }
0x3b: {  	_ = 	snop  }
0x3c: {  	p2 =	seq.s32 s10, $0x1;
	s10 =	sld [smem:$0x3FA9]  }
0x3d: {  	_ =	shalt  }
0x3e: {  	_ =	shalt  }
0x3f: {  	_ =	shalt  }
0x40: {  	_ =	shalt  }
0x41: {  	_ =	shalt  }
0x42: {  	_ =	shalt  }
0x43: {  	_ =	shalt  }
0x44: {  	_ =	shalt  }
0x45: {  	_ =	shalt  }
0x46: {  	_ =	shalt  }
0x47: {  	_ =	shalt  }
0x48: {  	_ =	shalt  }
0x49: {  	_ =	shalt  }
0x4a: {  	_ =	shalt  }
0x4b: {  	_ =	shalt  }
0x4c: {  	_ =	shalt  }
0x4d: {  	_ =	shalt  }
0x4e: {  	_ =	shalt  }
0x4f: {  	_ =	shalt  }
0x50: {  	_ =	shalt  }
0x51: {  	_ =	shalt  }
0x52: {  	_ =	shalt  }
0x53: {  	_ =	shalt  }
0x54: {  	_ =	shalt  }
0x55: {  	_ =	shalt  }
0x56: {  	_ =	shalt  }
0x57: {  	_ =	shalt  }
0x58: {  	_ =	shalt  }
0x59: {  	_ =	shalt  }
0x5a: {  	_ =	shalt  }
0x5b: {  	_ =	shalt  }
0x5c: {  	_ =	shalt  }
0x5d: {  	_ =	shalt  }
0x5e: {  	_ =	shalt  }
0x5f: {  	_ =	shalt  }
0x60: {  	_ =	shalt  }
0x61: {  	_ =	shalt  }
0x62: {  	_ =	shalt  }
0x63: {  	_ =	shalt  }
0x64: {  	_ =	shalt  }
0x65: {  	_ =	shalt  }
0x66: {  	_ =	shalt  }
0x67: {  	_ =	shalt  }
0x68: {  	_ =	shalt  }
0x69: {  	_ =	shalt  }
0x6a: {  	_ =	shalt  }
0x6b: {  	_ =	shalt  }
0x6c: {  	_ =	shalt  }
0x6d: {  	_ =	shalt  }
0x6e: {  	_ =	shalt  }
0x6f: {  	_ =	shalt  }
0x70: {  	_ =	shalt  }
0x71: {  	_ =	shalt  }
0x72: {  	_ =	shalt  }
0x73: {  	_ =	shalt  }
0x74: {  	_ =	shalt  }
0x75: {  	_ =	shalt  }
0x76: {  	_ =	shalt  }
0x77: {  	_ =	shalt  }
0x78: {  	_ =	shalt  }
0x79: {  	_ =	shalt  }
0x7a: {  	_ =	shalt  }
0x7b: {  	_ =	shalt  }
0x7c: {  	_ =	shalt  }
0x7d: {  	_ =	shalt  }
0x7e: {  	_ =	shalt  }
0x7f: {  	_ =	shalt  }
0x80: {  	_ =	shalt  }
0x81: {  	_ =	shalt  }
0x82: {  	_ =	shalt  }
0x83: {  	_ =	shalt  }
0x84: {  	_ =	shalt  }
0x85: {  	_ =	shalt  }
0x86: {  	_ =	shalt  }
0x87: {  	_ =	shalt  }
.Lfunc_end0:
.L_simem_size_0:
called_computation.5_lowered:
.L_overlay_start_0:
0x88: {  	s2 =	sld [smem:$0x3FD9]  }
0x89: {  	s3 =	sld [smem:$0x3FFE];
	_ =	sdelay $0x1  }
0x8a: {  	s1 =	srdreg.scid  }
0x8b: {  	s0 =	sand.u32 $0x1, s1  }
0x8c: {  	s16 =	sshll.u32 s0, $0xA;
	s2 =	sadd.s32 s3, s2  }
0x8d: {  	s2 =	sadd.s32 s2, s16  }
0x8e: {  	[smem:$0x3FB5] =	sst s2  }
0x8f: {  	_ = 	snop  }
0x90: {  	(tm) =	ssettm $0x1  }
0x91: {  	s17 =	sld [smem:$0x3FFB];
	_ =	sdelay $0x3  }
0x92: {  	_ =	strace s17  }
0x93: {  	s2 =	sld [smem:$0x3FFC];
	_ =	sdelay $0x3  }
0x94: {  	_ =	strace s2  }
0x95: {  	s2 =	sld [smem:$0x3FFD];
	_ =	sdelay $0x3  }
0x96: {  	_ =	strace s2  }
0x97: {  	_ =	strace $0x8FFFFFFF  }
0x98: {  	s18 =	sld [smem:$0x3FDB];
	_ =	sdelay $0x1  }
0x99: {  	s19 =	simm.s32 $_scs_section_size  }
0x9a: {  	s4 =	simm.s32 $_size__tile_overlayer_lowered;
	s5 =	simm.s32 $_tile_overlayer_lowered  }
0x9b: {  	s22 =	simm.s32 $0x1BFF;
	s21 =	sshll.u32 s5, $0x1;
	s2 =	sadd.s32 s19, s18  }
0x9c: {  	s6 =	simm.s32 $0x0;
	s20 =	sshll.u32 s4, $0x1;
	s4 =	sadd.s32 s21, s2  }
0x9d: {  	[timem:s6], [sflag:s22] =	dma.local [hbm:s4], s20  }
0x9e: {  	_ =	swait.ge [sflag:s22], s20  }
0x9f: {  	s3 =	ssub.s32 $0x0, s20;
	[sflag:s22] =	ssyncset.done $0x0  }
0xa0: {  	[sflag:s22] =	ssyncadd.s32 s3;
	_ =	sdelay $0x1  }
0xa1: {  	s23 =	simm.s32 $0x1B8B  }
0xa2: {  	_ =	swait.ge [sflag:s23], $0x1  }
0xa3: {  	[sflag:s23] =	ssyncset.done $0x0  }
0xa4: {  	s25 =	simm.s32 $0x1B8E;
	s24 =	sld [smem:$0x3FFE];
	[sflag:s23] =	ssyncadd.s32 $0xFFFFFFFF  }
0xa5: {  	s26 =	simm.s32 $execute0_lowered;
	[smem:$0x3FD2] =	sst s25  }
0xa6: {  	s4 =	sshll.u32 s26, $0x1;
	_ =	strace $0x80000055;
	[dreg:$0x1] =	wrdreg $0xFFFFFFFF  }
0xa7: {  	s28 =	simm.s32 $_size_execute0_lowered;
	s2 =	sadd.s32 s2, s4;
	[dreg:$0x0] =	wrdreg $0x0  }
0xa8: {  	s4 =	sshll.u32 s28, $0x1;
	[dreg:$0x2] =	wrdreg s2  }
0xa9: {  	[dreg:$0x3] =	wrdreg s4  }
0xaa: {  	[dreg:$0x4] =	wrdreg $0xC0  }
0xab: {  	_ =	task [dreg:s6], $0x5FFFF  }
0xac: {  	[dreg:$0x1] =	wrdreg $0xFFFFFFFF  }
0xad: {  	[dreg:$0x0] =	wrdreg $0x60  }
0xae: {  	[dreg:$0x2] =	wrdreg s24  }
0xaf: {  	[dreg:$0x3] =	wrdreg $0x90000  }
0xb0: {  	[dreg:$0x4] =	wrdreg $0x9  }
0xb1: {  	_ =	task.clear_ibuf [dreg:s6], $0x5FFFF;
	_ =	strace $0x90000055  }
0xb2: {  	s29 =	simm.s32 $0x9;
	_ =	strace $0x80000057  }
0xb3: {  	_ =	swait.ge [sflag:s29], $0x1  }
0xb4: {  	[sflag:s29] =	ssyncadd.s32 $0xFFFFFFFF  }
0xb5: {  	_ =	strace $0x90000057  }
0xb6: {  	_ =	sfence  }
0xb7: {  	s30 =	sld [smem:$0x0];
	_ =	sdelay $0x2  }
0xb8: {  	s31 =	sshll.u32 s1, $0xD;
	s1 =	sshrl.u32 s1, $0x2  }
0xb9: {  	s3 =	sand.u32 $0x4000, s31;
	s1 =	sadd.s32 s1, s30  }
0xba: {  	s0 =	sor.u32 s3, s0;
	s1 =	sshll.u32 s1, $0x11  }
0xbb: {  	s0 =	sor.u32 s1, s0  }
0xbc: {  	s0 =	sadd.s32 $0x8F2B, s0  }
0xbd: {  	[sflag:s0] =	ssyncadd.remote.s32 $0x1  }
0xbe: {  	_ =	sfence.sel $0xFFFF  }
0xbf: {  	[dreg:$0x0] =	wrdreg $0xFFFFFFFF;
	(pc) =	sbr.abs _section_cstart, $3  }
0xc0: {  	[dreg:$0x1] =	wrdreg $0xFFFFFFFF  }
0xc1: {  	_ =	task.clear_ibuf [dreg:s6], $0x2FFFF;
	_ =	strace $0x9FFFFFFF  }
0xc2: {  	(tm) =	ssettm $0x7FFFFFFF  }
0xc3: {  	_ =	shalt  }
tec
execute0_lowered:
.L_overlay_start_1:
0x0: {  	(tag) =	ssettag $0x1  }
0x1: {  	s0 =	srdreg.scid;
	s6 =	rddreg [dreg:$0x0]  }
0x2: {  	s2 =	rddreg [dreg:$0x1];
	s3 =	simm.s32 $0x0;
	s14 =	simm.s32 $0x80  }
0x3: {  	s15 =	simm.s32 $0x5000;
	s5 =	sand.u32 $0x1, s0;
	s0 =	stileid.u32  }
0x4: {  	s16 =	simm.s32 $0x1;
	s17 =	simm.s32 $0x0;
	s8 =	smul.u32 $0x13C00, s0  }
0x5: {  	[smem:$0x7FF] =	sst s3;
	s1 =	sshll.u32 s5, $0x4;
	s9 =	smul.u32 $0x13C000, s5  }
0x6: {  	s5 =	ssub.s32 $0x2, s5;
	s11 =	smul.u32 $0x4F000, s0;
	s30 =	sshll.u32 s0, $0x6  }
0x7: {  	s4 =	sor.u32 s0, s1;
	s1 =	rddreg [dreg:$0x2];
	_ =	strace $0x80000056  }
0x8: {  	s29 =	sshrl.u32 s5, $0x1;
	s7 =	smul.u32 $0x500, s4;
	s4 =	sadd.s32 $0x2C000, s6  }
0x9: {  	s28 =	sshrl.u32 s8, $0x3;
	s8 =	sadd.s32 s8, s9;
	s31 =	sshrl.u32 s11, $0x2  }
0xa: {  	s13 =	ssub.s32 s5, s29;
	s8 =	sshrl.u32 s8, $0x3;
	s11 =	sadd.s32 s31, s2  }
0xb: {  	s10 =	sadd.s32 s7, s6;
	s7 =	sadd.s32 s28, s6;
	s12 =	sadd.s32 s8, s6  }
0xc: {  	s6 =	sor.u32 $0x1C02, s30;
	s5 =	sadd.s32 $0x4800, s7;
	s7 =	sadd.s32 $0x4E6800, s10  }
0xd: {  	s11 =	sshrl.u32 s11, $0x3;
	s8 =	sadd.s32 $0x4F0800, s10;
	s9 =	sadd.s32 $0x53800, s12  }
0xe: {  	s10 =	smax.u32 s13, $0x1;
	s12 =	simm.s32 $0x2;
	s13 =	simm.s32 $0x2800  }
.LBB2_1:
0xf: {  	[spmem:s11], [sflag:s6] =	dma.local [hbm:s5], $0x2780  }
0x10: {  	_ =	swait.ge [sflag:s12], $0x2780  }
0x11: {  	[sflag:s12] =	ssyncset.done $0x0  }
0x12: {  	[sflag:s12] =	ssyncadd.s32 $0xFFFFD880  }
0x13: {  	[tilespmem:s3], [sflag:$0x2] =	stream.linear.gather [hbm4b:s7+s3], $0x2800, $0x38;
	[tilespmem:$0x1CC00] =	vst v63  }
0x14: {  	_ =	swait.ge [sflag:s12], $0x2800  }
0x15: {  	[sflag:s12] =	ssyncset.done $0x0  }
0x16: {  	[sflag:s12] =	ssyncadd.s32 $0xFFFFD800  }
0x17: {  	[tilespmem:s13], [sflag:$0x2] =	stream.linear.gather [hbm4b:s8+s3], $0x2800, $0x38;
	[tilespmem:$0x1CC00] =	vst v63  }
0x18: {  	_ =	swait.ge [sflag:s12], $0x2800  }
0x19: {  	[sflag:s12] =	ssyncset.done $0x0  }
0x1a: {  	[sflag:s12] =	ssyncadd.s32 $0xFFFFD800  }
0x1b: {  	s18 =	simm.s32 $0x0;
	[bflag:$0x0] =	sbarrier.arrive $0xFFFF  }
0x1c: {  	[tilespmem:s15], [sflag:$0x1] =	stream.indirect.gather [hbm4b:s4+s14], $0x80, s18, s14, $0xb8;
	[tilespmem:$0x1CC00] =	vst v63  }
0x1d: {  	_ =	swait.ge [sflag:s16], $0x4000  }
0x1e: {  	[sflag:s16] =	ssyncset.done $0x0  }
0x1f: {  	s31 =	simm.s32 $0x2800;
	[sflag:s16] =	ssyncadd.s32 $0xFFFFC000  }
0x20: {  	[spmem:s2] =	stream.indirect.scatter.add.f32 [tilespmem:s15], [sflag:$0x2], $0x80, s31, s14, $0xb8;
	[tilespmem:$0x1CC00] =	vst v63  }
0x21: {  	_ =	swait.ge [sflag:s12], $0x4000  }
0x22: {  	s19 =	simm.s32 $0x400;
	s18 =	simm.s32 $0x200;
	[sflag:s12] =	ssyncset.done $0x0  }
.LBB2_2:
0x23: {  	s20 =	sshra.s32 s18, $0x2  }
0x24: {  	[sflag:s12] =	ssyncadd.s32 $0xFFFFC000;
	s18 =	smov.u32 s19;
	s21 =	sadd.s32 $0x200, s19  }
0x25: {  	[tilespmem:s15], [sflag:$0x1] =	stream.indirect.gather [hbm4b:s4+s14], $0x80, s20, s14, $0xb8;
	[tilespmem:$0x1CC00] =	vst v63  }
0x26: {  	p0 =	sne.s32 s19, $0x9E00;
	_ =	swait.ge [sflag:s16], $0x4000  }
.Ltmp0:
0x27: {  	[sflag:s16] =	ssyncset.done $0x0;
	(pc) =	sbr.rel @p0 .LBB2_2-.Ltmp0, $4  }
0x28: {  	s19 =	sadd.s32 $0x2800, s20;
	[sflag:s16] =	ssyncadd.s32 $0xFFFFC000  }
0x29: {  	[spmem:s2] =	stream.indirect.scatter.add.f32 [tilespmem:s15], [sflag:$0x2], $0x80, s19, s14, $0xb8;
	[tilespmem:$0x1CC00] =	vst v63  }
0x2a: {  	_ =	swait.ge [sflag:s12], $0x4000  }
0x2b: {  	s19 =	smov.u32 s21;
	[sflag:s12] =	ssyncset.done $0x0  }
0x2c: {  	s18 =	sshra.s32 s18, $0x2;
	[sflag:s12] =	ssyncadd.s32 $0xFFFFC000  }
0x2d: {  	[tilespmem:s15], [sflag:$0x1] =	stream.indirect.gather [hbm4b:s4+s14], $0x80, s18, s14, $0xb8;
	[tilespmem:$0x1CC00] =	vst v63  }
0x2e: {  	_ =	swait.ge [sflag:s16], $0x4000  }
0x2f: {  	[sflag:s16] =	ssyncset.done $0x0  }
0x30: {  	s18 =	sadd.s32 $0x2800, s18;
	[sflag:s16] =	ssyncadd.s32 $0xFFFFC000  }
0x31: {  	[spmem:s2] =	stream.indirect.scatter.add.f32 [tilespmem:s15], [sflag:$0x2], $0x80, s18, s14, $0xb8;
	[tilespmem:$0x1CC00] =	vst v63  }
0x32: {  	_ =	swait.ge [sflag:s12], $0x4000  }
0x33: {  	s17 =	sadd.s32 $0x1, s17;
	[sflag:s12] =	ssyncset.done $0x0  }
0x34: {  	p0 =	sne.s32 s17, s10;
	[sflag:s12] =	ssyncadd.s32 $0xFFFFC000  }
.Ltmp1:
0x35: {  	[bflag:$0x0] =	sbarrier.arrive $0xFFFF;
	(pc) =	sbr.rel @p0 .LBB2_1-.Ltmp1, $4  }
0x36: {  	[hbm:s9], [sflag:s6] =	dma.local [spmem:s11], $0x2780  }
0x37: {  	_ =	swait.ge [sflag:s12], $0x2780  }
0x38: {  	[sflag:s12] =	ssyncset.done $0x0  }
0x39: {  	[sflag:s12] =	ssyncadd.s32 $0xFFFFD880  }
0x3a: {  	_ =	sfence.sel $0x180000  }
0x3b: {  	[bflag:$0x0] =	sbarrier.arrive $0xFFFF  }
0x3c: {  	p0 =	sne.s32 s0, $0x0;
	_ =	strace $0x90000056  }
0x3d: {  	s0 =	sadd.s32 @!p0 $0x100000, s1;
	[bflag:$0x2] =	sbarrier.arrive $0xFFFF  }
0x3e: {  	[sflag:s0] =	ssyncadd.tile.s32 @!p0 $0x1;
	_ =	shalt  }
.Lfunc_end2:
_tile_overlayer_lowered:
.L_overlay_start_2:
0x3f: {  	(tag) =	ssettag $0x2  }
0x40: {  	s0 =	rddreg [dreg:$0x0];
	s2 =	stileid.u32  }
0x41: {  	s1 =	rddreg [dreg:$0x1];
	p0 =	sne.s32 s2, $0x0  }
0x42: {  	s3 =	rddreg [dreg:$0x2];
	[bflag:$0x3] =	sbarrier.arrive $0xFFFF;
	s2 =	simm.s32 @!p0 $0x1C02  }
0x43: {  	[timem:s3], [sflag:s2] =	dma.local @!p0 [hbm:s0], s1  }
0x44: {  	s0 =	simm.s32 @!p0 $0x2  }
0x45: {  	_ =	swait.ge @!p0 [sflag:s0], s1  }
0x46: {  	s1 =	ssub.s32 @!p0 $0x0, s1;
	[sflag:s0] =	ssyncset.done @!p0 $0x0  }
0x47: {  	[sflag:s0] =	ssyncadd.s32 @!p0 s1  }
0x48: {  	[bflag:$0x3] =	sbarrier.arrive $0xFFFF  }
0x49: {  	_ =	shalt  }

</sc_bundles>
